<compile_context>
chip_gen: v7x
topology: tpu7x:2x2x1
jax: 0.10.2.dev20260603
libtpu: 0.0.44.dev20260713+nightly
codegen_flags: <defaults>
</compile_context>

<pallas_src>
import jax
import jax.numpy as jnp
from jax import lax
from jax.experimental import pallas as pl
from jax.experimental.pallas import tpu as pltpu
from jax.experimental.pallas import tpu_sc as plsc

N = 10000
E = 160000
H = 256
HH = 128
G = 64
NT = 16
EPT = E // NT
K = 80
NCHUNK = EPT // K
TROW = 624
ZR = 104

_f32 = jnp.float32
_bf16 = jnp.bfloat16


def _dot_tb(a, b):
    return lax.dot_general(a.astype(_bf16), b.astype(_bf16),
                           (((1,), (1,)), ((), ())),
                           preferred_element_type=_f32)


def _dot_t2(a, b):
    hi = a.astype(_bf16)
    lo = (a - hi.astype(_f32)).astype(_bf16)
    dims = (((1,), (1,)), ((), ()))
    bb = b.astype(_bf16)
    return (lax.dot_general(hi, bb, dims, preferred_element_type=_f32)
            + lax.dot_general(lo, bb, dims, preferred_element_type=_f32))


def _h0_body(x_ref, Wn_ref, bn_ref, h_ref):
    h_ref[...] = _dot_tb(x_ref[...], Wn_ref[...]) + bn_ref[...]


def _tc_h0(x, W_node, b_node):
    return pl.pallas_call(
        _h0_body, out_shape=jax.ShapeDtypeStruct((N, H), _f32),
    )(x, W_node, b_node)


def _ab_body(h_ref, W1a_ref, W1b_ref, a_ref, b_ref):
    h = h_ref[...]
    A = _dot_tb(h, W1a_ref[...])
    B = _dot_tb(h, W1b_ref[...])
    a_ref[0] = A[:, :HH]
    a_ref[1] = A[:, HH:]
    b_ref[0] = B[:, :HH]
    b_ref[1] = B[:, HH:]


def _tc_ab(h, W1a, W1b):
    return pl.pallas_call(
        _ab_body, out_shape=[jax.ShapeDtypeStruct((2, N, HH), _f32)] * 2,
    )(h, W1a, W1b)


EBLK = 4000


def _cgen_body(ea_ref, We_ref, be_ref, W1c_ref, bm1_ref,
               C0_ref, C1_ref, C2_ref):
    e = _dot_tb(ea_ref[...], We_ref[...]) + be_ref[...]
    W1c = W1c_ref[...]
    bm1 = bm1_ref[...]
    for l, out in enumerate((C0_ref, C1_ref, C2_ref)):
        Cl = _dot_tb(e, W1c[l]) + bm1[l]
        out[0] = Cl[:, :HH]
        out[1] = Cl[:, HH:]


def _tc_cgen(edge_attr, W_edge, b_edge, W1c_all, bm1_all):
    outs = pl.pallas_call(
        _cgen_body,
        grid=(E // EBLK,),
        in_specs=[
            pl.BlockSpec((EBLK, 16), lambda i: (i, 0)),
            pl.BlockSpec((H, 16), lambda i: (0, 0)),
            pl.BlockSpec((1, H), lambda i: (0, 0)),
            pl.BlockSpec((3, H, H), lambda i: (0, 0, 0)),
            pl.BlockSpec((3, 1, H), lambda i: (0, 0, 0)),
        ],
        out_specs=[pl.BlockSpec((2, EBLK, HH), lambda i: (0, i, 0))] * 3,
        out_shape=[jax.ShapeDtypeStruct((2, E, HH), _f32)] * 3,
    )(edge_attr, W_edge, b_edge, W1c_all, bm1_all)
    return [o.reshape(2 * E, HH) for o in outs]


_sc_mesh = plsc.VectorSubcoreMesh(core_axis_name="c", subcore_axis_name="s")

def _edge_body(a_hbm, b_hbm, c_hbm, dst_hbm, src_hbm, out_hbm,
               di0, do0, so0, abuf0, bbuf0, cbuf0, zbuf, acc,
               sem0, sem1, sem2):
    c = lax.axis_index("c")
    t = lax.axis_index("s")
    cN = c * N
    cE = c * E
    zv = jnp.zeros((1, 16), _f32)

    @pl.loop(0, ZR)
    def _(r):
        for j in range(HH // 16):
            zbuf.at[pl.ds(r, 1), pl.ds(j * 16, 16)][...] = zv

    @pl.loop(0, TROW // ZR)
    def _(i):
        pltpu.sync_copy(zbuf, acc.at[pl.ds(t * TROW + i * ZR, ZR)])

    @pl.when(t == NT - 1)
    def _():
        pltpu.sync_copy(zbuf.at[pl.ds(0, 16)], acc.at[pl.ds(NT * TROW, 16)])

    plsc.subcore_barrier()

    @pl.loop(0, NCHUNK)
    def _(i):
        base = t * EPT + i * K
        pltpu.sync_copy(dst_hbm.at[pl.ds(base, K)], di0)
        pltpu.sync_copy(src_hbm.at[pl.ds(base, K)], so0)
        for j in range(K // 16):
            sl = pl.ds(j * 16, 16)
            do0.at[sl][...] = di0.at[sl][...] + cN
            so0.at[sl][...] = so0.at[sl][...] + cN
        ca = pltpu.async_copy(a_hbm.at[do0], abuf0, sem0)
        cb = pltpu.async_copy(b_hbm.at[so0], bbuf0, sem1)
        cc = pltpu.async_copy(c_hbm.at[pl.ds(cE + base, K)], cbuf0, sem2)
        ca.wait()
        cb.wait()
        cc.wait()

        @pl.loop(0, K)
        def _(r):
            for j in range(HH // 16):
                sl = (pl.ds(r, 1), pl.ds(j * 16, 16))
                v = abuf0.at[sl][...] + bbuf0.at[sl][...] + cbuf0.at[sl][...]
                v = jnp.maximum(v, 0.0)
                abuf0.at[sl][...] = v.astype(_bf16).astype(_f32)

        pltpu.sync_copy(abuf0, acc.at[di0], add=True)

    plsc.subcore_barrier()
    pltpu.sync_copy(acc.at[pl.ds(t * TROW, TROW)],
                    out_hbm.at[pl.ds(cN + t * TROW, TROW)])

    @pl.when(t == NT - 1)
    def _():
        pltpu.sync_copy(acc.at[pl.ds(NT * TROW, 16)],
                        out_hbm.at[pl.ds(cN + NT * TROW, 16)])


_edge_kernel = pl.kernel(
    _edge_body,
    out_type=[jax.ShapeDtypeStruct((2 * N, HH), _f32)],
    mesh=_sc_mesh,
    scratch_types=(
        [pltpu.VMEM((K,), jnp.int32),
         pltpu.VMEM((K,), jnp.int32),
         pltpu.VMEM((K,), jnp.int32),
         pltpu.VMEM((K, HH), _f32),
         pltpu.VMEM((K, HH), _f32),
         pltpu.VMEM((K, HH), _f32)]
        + [pltpu.VMEM((ZR, HH), _f32),
           pltpu.VMEM_SHARED((N, HH), _f32)]
        + [pltpu.SemaphoreType.DMA] * 3
    ),
)


def _bn_body(s_ref, Wm2_ref, gamma_ref, beta_ref, h_ref):
    Wm2 = Wm2_ref[...]
    agg = _dot_t2(s_ref[0], Wm2[:, :HH]) + _dot_t2(s_ref[1], Wm2[:, HH:])
    mu = jnp.mean(agg, axis=0, keepdims=True)
    d = agg - mu
    var = jnp.mean(d * d, axis=0, keepdims=True)
    h_ref[...] = jnp.maximum(
        gamma_ref[...] * d * lax.rsqrt(var + 1e-5) + beta_ref[...], 0.0)


def _tc_bn(s, Wm2, gamma, beta):
    return pl.pallas_call(
        _bn_body, out_shape=jax.ShapeDtypeStruct((N, H), _f32),
    )(s, Wm2, gamma, beta)


def _pool_body(h_ref, batch_ref, Wo1_ref, bo1_ref, Wo2_ref, bo2_ref, out_ref):
    gi = lax.broadcasted_iota(jnp.int32, (G, N), 0)
    oh = (batch_ref[...] == gi).astype(_f32)
    h = h_ref[...]
    h_hi = h.astype(_bf16)
    h_lo = (h - h_hi.astype(_f32)).astype(_bf16)
    pdims = (((1,), (0,)), ((), ()))
    ohb = oh.astype(_bf16)
    sums = (lax.dot_general(ohb, h_hi, pdims, preferred_element_type=_f32)
            + lax.dot_general(ohb, h_lo, pdims, preferred_element_type=_f32))
    counts = jnp.sum(oh, axis=1, keepdims=True)
    pooled = sums / jnp.maximum(counts, 1.0)
    p1 = jnp.maximum(_dot_tb(pooled, Wo1_ref[...]) + bo1_ref[...], 0.0)
    out_ref[...] = _dot_tb(p1, Wo2_ref[...]) + bo2_ref[...]


def _tc_pool(h, batch2d, W_o1, b_o1, W_o2, b_o2):
    W_o2p = jnp.pad(W_o2, ((0, 127), (0, 0)))
    b_o2p = jnp.pad(b_o2, (0, 127)).reshape(1, 128)
    out = pl.pallas_call(
        _pool_body, out_shape=jax.ShapeDtypeStruct((G, 128), _f32),
    )(h, batch2d, W_o1, b_o1, W_o2p, b_o2p)
    return out[:, :1]


def kernel(x, edge_index, edge_attr, batch, W_node, b_node, W_edge, b_edge,
           Wm1_0, bm1_0, Wm2_0, bm2_0, gamma_0, beta_0,
           Wm1_1, bm1_1, Wm2_1, bm2_1, gamma_1, beta_1,
           Wm1_2, bm1_2, Wm2_2, bm2_2, gamma_2, beta_2,
           W_o1, b_o1, W_o2, b_o2):
    src = edge_index[0]
    dst = edge_index[1]
    Wm1 = (Wm1_0, Wm1_1, Wm1_2)
    W1a = [w[:, :H] for w in Wm1]
    W1b = [w[:, H:2 * H] for w in Wm1]
    W1c_all = jnp.stack([w[:, 2 * H:] for w in Wm1])
    bm1_all = jnp.stack([b.reshape(1, H) for b in (bm1_0, bm1_1, bm1_2)])
    Wm2 = (Wm2_0, Wm2_1, Wm2_2)
    bm2 = (bm2_0, bm2_1, bm2_2)
    gamma = (gamma_0, gamma_1, gamma_2)
    beta = (beta_0, beta_1, beta_2)
    r1 = lambda v: v.reshape(1, -1)

    h = _tc_h0(x, W_node, r1(b_node))
    C = _tc_cgen(edge_attr, W_edge, r1(b_edge), W1c_all, bm1_all)
    for l in range(3):
        A, B = _tc_ab(h, W1a[l], W1b[l])
        (s,) = _edge_kernel(A.reshape(2 * N, HH), B.reshape(2 * N, HH),
                            C[l], dst, src)
        h = _tc_bn(s.reshape(2, N, HH), Wm2[l], r1(gamma[l]), r1(beta[l]))
    return _tc_pool(h, batch.reshape(1, N), W_o1, r1(b_o1), W_o2, b_o2)

# --- scband reference (transcript-rebuilt; emitter-appended) ---
"""Pipeline reference for scband-cgcnn-89773406421382 (READ-ONLY COPY).

The authoritative reference and input builder live on the scoring server;
editing this copy changes nothing except your own understanding.
"""

import jax, jax.numpy as jnp
import numpy as np

N = 10000
E = 160000
D_IN = 256
D_EDGE_IN = 16
H = 256
G = 64
L = 3
OUT = 1


def setup_inputs(seed: int = 0):
    key = jax.random.key(seed)
    ks = jax.random.split(key, 40)
    inp = {}
    inp["x"] = jax.random.normal(ks[0], (N, D_IN), dtype=jnp.float32)
    inp["edge_index"] = jax.random.randint(ks[1], (2, E), 0, N, dtype=jnp.int32)
    inp["edge_attr"] = jax.random.normal(ks[2], (E, D_EDGE_IN), dtype=jnp.float32)
    inp["batch"] = jnp.sort(jax.random.randint(ks[3], (N,), 0, G, dtype=jnp.int32))
    s = 0.02
    inp["W_node"] = jax.random.normal(ks[4], (H, D_IN), jnp.float32) * s
    inp["b_node"] = jnp.zeros((H,), jnp.float32)
    inp["W_edge"] = jax.random.normal(ks[5], (H, D_EDGE_IN), jnp.float32) * s
    inp["b_edge"] = jnp.zeros((H,), jnp.float32)
    k = 6
    for l in range(L):
        inp[f"Wm1_{l}"] = jax.random.normal(ks[k], (H, 3 * H), jnp.float32) * s; k += 1
        inp[f"bm1_{l}"] = jnp.zeros((H,), jnp.float32)
        inp[f"Wm2_{l}"] = jax.random.normal(ks[k], (H, H), jnp.float32) * s; k += 1
        inp[f"bm2_{l}"] = jnp.zeros((H,), jnp.float32)
        inp[f"gamma_{l}"] = jnp.ones((H,), jnp.float32)
        inp[f"beta_{l}"] = jnp.zeros((H,), jnp.float32)
    inp["W_o1"] = jax.random.normal(ks[k], (H, H), jnp.float32) * s; k += 1
    inp["b_o1"] = jnp.zeros((H,), jnp.float32)
    inp["W_o2"] = jax.random.normal(ks[k], (OUT, H), jnp.float32) * s
    inp["b_o2"] = jnp.zeros((OUT,), jnp.float32)
    return inp


def _batchnorm(h, gamma, beta, eps=1e-5):
    mu = jnp.mean(h, axis=0)
    var = jnp.mean((h - mu) ** 2, axis=0)
    return gamma * (h - mu) / jnp.sqrt(var + eps) + beta


def _forward(x, edge_attr, params, edge_index, batch):
    (W_node, b_node, W_edge, b_edge, layers, W_o1, b_o1, W_o2, b_o2) = params
    src = edge_index[0]
    dst = edge_index[1]
    h = x @ W_node.T + b_node
    e = edge_attr @ W_edge.T + b_edge
    for (Wm1, bm1, Wm2, bm2, gamma, beta) in layers:
        x_i = h[dst]
        x_j = h[src]
        m = jnp.concatenate([x_i, x_j, e], axis=1)
        m = jax.nn.relu(m @ Wm1.T + bm1)
        m = m @ Wm2.T + bm2
        agg = jax.ops.segment_sum(m, dst, num_segments=N)
        h = jax.nn.relu(_batchnorm(agg, gamma, beta))
    sums = jax.ops.segment_sum(h, batch, num_segments=G)
    counts = jax.ops.segment_sum(jnp.ones((N,), jnp.float32), batch, num_segments=G)
    pooled = sums / jnp.maximum(counts, 1.0)[:, None]
    out = jax.nn.relu(pooled @ W_o1.T + b_o1) @ W_o2.T + b_o2
    return out


def reference(x, edge_index, edge_attr, batch, W_node, b_node, W_edge, b_edge,
              Wm1_0, bm1_0, Wm2_0, bm2_0, gamma_0, beta_0,
              Wm1_1, bm1_1, Wm2_1, bm2_1, gamma_1, beta_1,
              Wm1_2, bm1_2, Wm2_2, bm2_2, gamma_2, beta_2,
              W_o1, b_o1, W_o2, b_o2):
    layers = [(Wm1_0, bm1_0, Wm2_0, bm2_0, gamma_0, beta_0),
              (Wm1_1, bm1_1, Wm2_1, bm2_1, gamma_1, beta_1),
              (Wm1_2, bm1_2, Wm2_2, bm2_2, gamma_2, beta_2)]
    params = (W_node, b_node, W_edge, b_edge, layers, W_o1, b_o1, W_o2, b_o2)
    return _forward(x, edge_attr, params, edge_index, batch)

if __name__ == "__main__":
    import jax
    _d = setup_inputs()
    print(jax.jit(kernel)(*tuple(_d.values())))

</pallas_src>

<mosaic_0001>
#map = affine_map<(d0, d1) -> (0, 0)>
#map1 = affine_map<(d0, d1) -> (0)>
module attributes {stable_mosaic.version = 14 : i64} {
  func.func @_edge_body(%arg0: i32, %arg1: i32, %arg2: memref<20000x128xf32, #tpu.memory_space<hbm>>, %arg3: memref<20000x128xf32, #tpu.memory_space<hbm>>, %arg4: memref<320000x128xf32, #tpu.memory_space<hbm>>, %arg5: memref<160000xi32, #tpu.memory_space<hbm>>, %arg6: memref<160000xi32, #tpu.memory_space<hbm>>, %arg7: memref<20000x128xf32, #tpu.memory_space<hbm>>, %arg8: memref<80xi32, #tpu.memory_space<vmem>>, %arg9: memref<80xi32, #tpu.memory_space<vmem>>, %arg10: memref<80xi32, #tpu.memory_space<vmem>>, %arg11: memref<80x128xf32, #tpu.memory_space<vmem>>, %arg12: memref<80x128xf32, #tpu.memory_space<vmem>>, %arg13: memref<80x128xf32, #tpu.memory_space<vmem>>, %arg14: memref<104x128xf32, #tpu.memory_space<vmem>>, %arg15: memref<10000x128xf32, #tpu.memory_space<vmem_shared>>, %arg16: memref<!tpu.dma_semaphore, #tpu.memory_space<semaphore_mem>>, %arg17: memref<!tpu.dma_semaphore, #tpu.memory_space<semaphore_mem>>, %arg18: memref<!tpu.dma_semaphore, #tpu.memory_space<semaphore_mem>>) attributes {dimension_semantics = [#tpu.dimension_semantics<core_parallel>, #tpu.dimension_semantics<subcore_parallel>], iteration_bounds = array<i64: 2, 16>, scalar_prefetch = 0 : i64, scratch_operands = 11 : i64, tpu.core_type = #tpu.core_type<sc_vector_subcore>, window_params = [{transform_indices = #map}, {transform_indices = #map}, {transform_indices = #map}, {transform_indices = #map1}, {transform_indices = #map1}, {transform_indices = #map}]} {
    %mul3A = arith.constant 10000 : i32
    %mul3A_0 = arith.muli %arg0, %mul3A : i32
    %mul3A_1 = arith.constant 160000 : i32
    %mul3A_2 = arith.muli %arg0, %mul3A_1 : i32
    %broadcast_in_dim3A = arith.constant 0.000000e+00 : f32
    %broadcast_in_dim3A_3 = vector.broadcast %broadcast_in_dim3A : f32 to vector<1x16xf32>
    %scan3A = arith.constant 0 : i32
    %scan3A_4 = arith.constant 104 : i32
    %scan3A_5 = arith.addi %scan3A, %scan3A_4 : i32
    %scan3A_6 = arith.constant 1 : i32
    scf.for %scan3A_30 = %scan3A to %scan3A_5 step %scan3A_6  : i32 {
      %mul3A_31 = arith.constant 1 : i32
      %mul3A_32 = arith.muli %scan3A_30, %mul3A_31 : i32
      %add3A_33 = arith.constant 0 : i32
      %add3A_34 = arith.addi %add3A_33, %mul3A_32 : i32
      %swap3A = arith.index_cast %add3A_34 : i32 to index
      %swap3A_35 = arith.constant 0 : index
      %swap3A_36 = tpu.vector_load %arg14[%swap3A, %swap3A_35] {strides = array<i32>} : memref<104x128xf32, #tpu.memory_space<vmem>>, vector<1x16xf32>,
      %swap3A_37 = vector.shape_cast %swap3A_36 : vector<1x16xf32> to vector<1x16xf32>
      %swap3A_38 = vector.shape_cast %broadcast_in_dim3A_3 : vector<1x16xf32> to vector<1x16xf32>
      tpu.vector_store %arg14[%swap3A, %swap3A_35], %swap3A_38 {strides = array<i32>} : memref<104x128xf32, #tpu.memory_space<vmem>>, vector<1x16xf32>,
      %swap3A_39 = arith.index_cast %add3A_34 : i32 to index
      %swap3A_40 = arith.constant 16 : index
      %swap3A_41 = tpu.vector_load %arg14[%swap3A_39, %swap3A_40] {strides = array<i32>} : memref<104x128xf32, #tpu.memory_space<vmem>>, vector<1x16xf32>,
      %swap3A_42 = vector.shape_cast %swap3A_41 : vector<1x16xf32> to vector<1x16xf32>
      %swap3A_43 = vector.shape_cast %broadcast_in_dim3A_3 : vector<1x16xf32> to vector<1x16xf32>
      tpu.vector_store %arg14[%swap3A_39, %swap3A_40], %swap3A_43 {strides = array<i32>} : memref<104x128xf32, #tpu.memory_space<vmem>>, vector<1x16xf32>,
      %swap3A_44 = arith.index_cast %add3A_34 : i32 to index
      %swap3A_45 = arith.constant 32 : index
      %swap3A_46 = tpu.vector_load %arg14[%swap3A_44, %swap3A_45] {strides = array<i32>} : memref<104x128xf32, #tpu.memory_space<vmem>>, vector<1x16xf32>,
      %swap3A_47 = vector.shape_cast %swap3A_46 : vector<1x16xf32> to vector<1x16xf32>
      %swap3A_48 = vector.shape_cast %broadcast_in_dim3A_3 : vector<1x16xf32> to vector<1x16xf32>
      tpu.vector_store %arg14[%swap3A_44, %swap3A_45], %swap3A_48 {strides = array<i32>} : memref<104x128xf32, #tpu.memory_space<vmem>>, vector<1x16xf32>,
      %swap3A_49 = arith.index_cast %add3A_34 : i32 to index
      %swap3A_50 = arith.constant 48 : index
      %swap3A_51 = tpu.vector_load %arg14[%swap3A_49, %swap3A_50] {strides = array<i32>} : memref<104x128xf32, #tpu.memory_space<vmem>>, vector<1x16xf32>,
      %swap3A_52 = vector.shape_cast %swap3A_51 : vector<1x16xf32> to vector<1x16xf32>
      %swap3A_53 = vector.shape_cast %broadcast_in_dim3A_3 : vector<1x16xf32> to vector<1x16xf32>
      tpu.vector_store %arg14[%swap3A_49, %swap3A_50], %swap3A_53 {strides = array<i32>} : memref<104x128xf32, #tpu.memory_space<vmem>>, vector<1x16xf32>,
      %swap3A_54 = arith.index_cast %add3A_34 : i32 to index
      %swap3A_55 = arith.constant 64 : index
      %swap3A_56 = tpu.vector_load %arg14[%swap3A_54, %swap3A_55] {strides = array<i32>} : memref<104x128xf32, #tpu.memory_space<vmem>>, vector<1x16xf32>,
      %swap3A_57 = vector.shape_cast %swap3A_56 : vector<1x16xf32> to vector<1x16xf32>
      %swap3A_58 = vector.shape_cast %broadcast_in_dim3A_3 : vector<1x16xf32> to vector<1x16xf32>
      tpu.vector_store %arg14[%swap3A_54, %swap3A_55], %swap3A_58 {strides = array<i32>} : memref<104x128xf32, #tpu.memory_space<vmem>>, vector<1x16xf32>,
      %swap3A_59 = arith.index_cast %add3A_34 : i32 to index
      %swap3A_60 = arith.constant 80 : index
      %swap3A_61 = tpu.vector_load %arg14[%swap3A_59, %swap3A_60] {strides = array<i32>} : memref<104x128xf32, #tpu.memory_space<vmem>>, vector<1x16xf32>,
      %swap3A_62 = vector.shape_cast %swap3A_61 : vector<1x16xf32> to vector<1x16xf32>
      %swap3A_63 = vector.shape_cast %broadcast_in_dim3A_3 : vector<1x16xf32> to vector<1x16xf32>
      tpu.vector_store %arg14[%swap3A_59, %swap3A_60], %swap3A_63 {strides = array<i32>} : memref<104x128xf32, #tpu.memory_space<vmem>>, vector<1x16xf32>,
      %swap3A_64 = arith.index_cast %add3A_34 : i32 to index
      %swap3A_65 = arith.constant 96 : index
      %swap3A_66 = tpu.vector_load %arg14[%swap3A_64, %swap3A_65] {strides = array<i32>} : memref<104x128xf32, #tpu.memory_space<vmem>>, vector<1x16xf32>,
      %swap3A_67 = vector.shape_cast %swap3A_66 : vector<1x16xf32> to vector<1x16xf32>
      %swap3A_68 = vector.shape_cast %broadcast_in_dim3A_3 : vector<1x16xf32> to vector<1x16xf32>
      tpu.vector_store %arg14[%swap3A_64, %swap3A_65], %swap3A_68 {strides = array<i32>} : memref<104x128xf32, #tpu.memory_space<vmem>>, vector<1x16xf32>,
      %swap3A_69 = arith.index_cast %add3A_34 : i32 to index
      %swap3A_70 = arith.constant 112 : index
      %swap3A_71 = tpu.vector_load %arg14[%swap3A_69, %swap3A_70] {strides = array<i32>} : memref<104x128xf32, #tpu.memory_space<vmem>>, vector<1x16xf32>,
      %swap3A_72 = vector.shape_cast %swap3A_71 : vector<1x16xf32> to vector<1x16xf32>
      %swap3A_73 = vector.shape_cast %broadcast_in_dim3A_3 : vector<1x16xf32> to vector<1x16xf32>
      tpu.vector_store %arg14[%swap3A_69, %swap3A_70], %swap3A_73 {strides = array<i32>} : memref<104x128xf32, #tpu.memory_space<vmem>>, vector<1x16xf32>,
    }
    %scan3A_7 = arith.constant 104 : i32
    %scan3A_8 = arith.constant 0 : i32
    %scan3A_9 = arith.constant 6 : i32
    %scan3A_10 = arith.addi %scan3A_8, %scan3A_9 : i32
    %scan3A_11 = arith.constant 1 : i32
    scf.for %scan3A_30 = %scan3A_8 to %scan3A_10 step %scan3A_11  : i32 {
      %mul3A_31 = arith.constant 1 : i32
      %mul3A_32 = arith.muli %scan3A_30, %mul3A_31 : i32
      %add3A_33 = arith.constant 0 : i32
      %add3A_34 = arith.addi %add3A_33, %mul3A_32 : i32
      %mul3A_35 = arith.constant 624 : i32
      %mul3A_36 = arith.muli %arg1, %mul3A_35 : i32
      %mul3A_37 = arith.constant 104 : i32
      %mul3A_38 = arith.muli %add3A_34, %mul3A_37 : i32
      %add3A_39 = arith.addi %mul3A_36, %mul3A_38 : i32
      "tpu.region"() ({
        %run_scoped3A = tpu.sem_alloc : memref<!tpu.dma_semaphore, #tpu.memory_space<semaphore_mem>>
        %dma_start3A = arith.constant 0 : i32
        %dma_start3A_40 = tpu.memref_slice %arg15[%add3A_39, %dma_start3A] : memref<10000x128xf32, #tpu.memory_space<vmem_shared>> -> memref<104x128xf32, #tpu.memory_space<vmem_shared>>
        %dma_start3A_41 = arith.constant 0 : i32
        %dma_start3A_42 = tpu.memref_slice %arg15[%add3A_39, %dma_start3A_41] : memref<10000x128xf32, #tpu.memory_space<vmem_shared>> -> memref<104x128xf32, #tpu.memory_space<vmem_shared>>
        tpu.enqueue_dma source(%arg14 : memref<104x128xf32, #tpu.memory_space<vmem>>) target(%dma_start3A_42 : memref<104x128xf32, #tpu.memory_space<vmem_shared>>) target_semaphore(%run_scoped3A : memref<!tpu.dma_semaphore, #tpu.memory_space<semaphore_mem>>)
        %dma_wait3A = arith.constant 0 : i32
        %dma_wait3A_43 = tpu.memref_slice %arg15[%add3A_39, %dma_wait3A] : memref<10000x128xf32, #tpu.memory_space<vmem_shared>> -> memref<104x128xf32, #tpu.memory_space<vmem_shared>>
        %dma_wait3A_44 = arith.constant 0 : i32
        %dma_wait3A_45 = tpu.memref_slice %arg15[%add3A_39, %dma_wait3A_44] : memref<10000x128xf32, #tpu.memory_space<vmem_shared>> -> memref<104x128xf32, #tpu.memory_space<vmem_shared>>
        tpu.wait_dma2 semaphore(%run_scoped3A : memref<!tpu.dma_semaphore, #tpu.memory_space<semaphore_mem>>) src(%arg14 : memref<104x128xf32, #tpu.memory_space<vmem>>) dst(%dma_wait3A_45 : memref<104x128xf32, #tpu.memory_space<vmem_shared>>)
        tpu.yield
      }) : () -> ()
    }
    %scan3A_12 = arith.constant 6 : i32
    %eq3A = arith.constant 15 : i32
    %eq3A_13 = arith.cmpi eq, %arg1, %eq3A : i32
    %convert_element_type3A = arith.extui %eq3A_13 : i1 to i32
    %cond3A = arith.constant 0 : i32
    %cond3A_14 = arith.cmpi ne, %convert_element_type3A, %cond3A : i32
    scf.if %cond3A_14 {
      "tpu.region"() ({
        %run_scoped3A = tpu.sem_alloc : memref<!tpu.dma_semaphore, #tpu.memory_space<semaphore_mem>>
        %dma_start3A = arith.constant 0 : i32
        %dma_start3A_30 = arith.constant 0 : i32
        %dma_start3A_31 = tpu.memref_slice %arg14[%dma_start3A, %dma_start3A_30] : memref<104x128xf32, #tpu.memory_space<vmem>> -> memref<16x128xf32, #tpu.memory_space<vmem>>
        %dma_start3A_32 = arith.constant 9984 : i32
        %dma_start3A_33 = arith.constant 0 : i32
        %dma_start3A_34 = tpu.memref_slice %arg15[%dma_start3A_32, %dma_start3A_33] : memref<10000x128xf32, #tpu.memory_space<vmem_shared>> -> memref<16x128xf32, #tpu.memory_space<vmem_shared>>
        %dma_start3A_35 = arith.constant 9984 : i32
        %dma_start3A_36 = arith.constant 0 : i32
        %dma_start3A_37 = tpu.memref_slice %arg15[%dma_start3A_35, %dma_start3A_36] : memref<10000x128xf32, #tpu.memory_space<vmem_shared>> -> memref<16x128xf32, #tpu.memory_space<vmem_shared>>
        %dma_start3A_38 = arith.constant 0 : i32
        %dma_start3A_39 = arith.constant 0 : i32
        %dma_start3A_40 = tpu.memref_slice %arg14[%dma_start3A_38, %dma_start3A_39] : memref<104x128xf32, #tpu.memory_space<vmem>> -> memref<16x128xf32, #tpu.memory_space<vmem>>
        tpu.enqueue_dma source(%dma_start3A_40 : memref<16x128xf32, #tpu.memory_space<vmem>>) target(%dma_start3A_37 : memref<16x128xf32, #tpu.memory_space<vmem_shared>>) target_semaphore(%run_scoped3A : memref<!tpu.dma_semaphore, #tpu.memory_space<semaphore_mem>>)
        %dma_wait3A = arith.constant 0 : i32
        %dma_wait3A_41 = arith.constant 0 : i32
        %dma_wait3A_42 = tpu.memref_slice %arg14[%dma_wait3A, %dma_wait3A_41] : memref<104x128xf32, #tpu.memory_space<vmem>> -> memref<16x128xf32, #tpu.memory_space<vmem>>
        %dma_wait3A_43 = arith.constant 9984 : i32
        %dma_wait3A_44 = arith.constant 0 : i32
        %dma_wait3A_45 = tpu.memref_slice %arg15[%dma_wait3A_43, %dma_wait3A_44] : memref<10000x128xf32, #tpu.memory_space<vmem_shared>> -> memref<16x128xf32, #tpu.memory_space<vmem_shared>>
        %dma_wait3A_46 = arith.constant 9984 : i32
        %dma_wait3A_47 = arith.constant 0 : i32
        %dma_wait3A_48 = tpu.memref_slice %arg15[%dma_wait3A_46, %dma_wait3A_47] : memref<10000x128xf32, #tpu.memory_space<vmem_shared>> -> memref<16x128xf32, #tpu.memory_space<vmem_shared>>
        %dma_wait3A_49 = arith.constant 0 : i32
        %dma_wait3A_50 = arith.constant 0 : i32
        %dma_wait3A_51 = tpu.memref_slice %arg14[%dma_wait3A_49, %dma_wait3A_50] : memref<104x128xf32, #tpu.memory_space<vmem>> -> memref<16x128xf32, #tpu.memory_space<vmem>>
        tpu.wait_dma2 semaphore(%run_scoped3A : memref<!tpu.dma_semaphore, #tpu.memory_space<semaphore_mem>>) src(%dma_wait3A_51 : memref<16x128xf32, #tpu.memory_space<vmem>>) dst(%dma_wait3A_48 : memref<16x128xf32, #tpu.memory_space<vmem_shared>>)
        tpu.yield
      }) : () -> ()
    } else {
    }
    %barrier3A = arith.constant 0 : index
    tpu.barrier barrier_id(%barrier3A)
    %scan3A_15 = arith.constant 0 : i32
    %scan3A_16 = arith.constant 125 : i32
    %scan3A_17 = arith.addi %scan3A_15, %scan3A_16 : i32
    %scan3A_18 = arith.constant 1 : i32
    scf.for %scan3A_30 = %scan3A_15 to %scan3A_17 step %scan3A_18  : i32 {
      %mul3A_31 = arith.constant 1 : i32
      %mul3A_32 = arith.muli %scan3A_30, %mul3A_31 : i32
      %add3A_33 = arith.constant 0 : i32
      %add3A_34 = arith.addi %add3A_33, %mul3A_32 : i32
      %mul3A_35 = arith.constant 10000 : i32
      %mul3A_36 = arith.muli %arg1, %mul3A_35 : i32
      %mul3A_37 = arith.constant 80 : i32
      %mul3A_38 = arith.muli %add3A_34, %mul3A_37 : i32
      %add3A_39 = arith.addi %mul3A_36, %mul3A_38 : i32
      "tpu.region"() ({
        %run_scoped3A = tpu.sem_alloc : memref<!tpu.dma_semaphore, #tpu.memory_space<semaphore_mem>>
        %dma_start3A_152 = tpu.memref_slice %arg5[%add3A_39] : memref<160000xi32, #tpu.memory_space<hbm>> -> memref<80xi32, #tpu.memory_space<hbm>>
        %dma_start3A_153 = tpu.memref_slice %arg5[%add3A_39] : memref<160000xi32, #tpu.memory_space<hbm>> -> memref<80xi32, #tpu.memory_space<hbm>>
        tpu.enqueue_dma source(%dma_start3A_153 : memref<80xi32, #tpu.memory_space<hbm>>) target(%arg8 : memref<80xi32, #tpu.memory_space<vmem>>) target_semaphore(%run_scoped3A : memref<!tpu.dma_semaphore, #tpu.memory_space<semaphore_mem>>)
        %dma_wait3A_154 = tpu.memref_slice %arg5[%add3A_39] : memref<160000xi32, #tpu.memory_space<hbm>> -> memref<80xi32, #tpu.memory_space<hbm>>
        %dma_wait3A_155 = tpu.memref_slice %arg5[%add3A_39] : memref<160000xi32, #tpu.memory_space<hbm>> -> memref<80xi32, #tpu.memory_space<hbm>>
        tpu.wait_dma2 semaphore(%run_scoped3A : memref<!tpu.dma_semaphore, #tpu.memory_space<semaphore_mem>>) src(%dma_wait3A_155 : memref<80xi32, #tpu.memory_space<hbm>>) dst(%arg8 : memref<80xi32, #tpu.memory_space<vmem>>)
        tpu.yield
      }) : () -> ()
      "tpu.region"() ({
        %run_scoped3A = tpu.sem_alloc : memref<!tpu.dma_semaphore, #tpu.memory_space<semaphore_mem>>
        %dma_start3A_152 = tpu.memref_slice %arg6[%add3A_39] : memref<160000xi32, #tpu.memory_space<hbm>> -> memref<80xi32, #tpu.memory_space<hbm>>
        %dma_start3A_153 = tpu.memref_slice %arg6[%add3A_39] : memref<160000xi32, #tpu.memory_space<hbm>> -> memref<80xi32, #tpu.memory_space<hbm>>
        tpu.enqueue_dma source(%dma_start3A_153 : memref<80xi32, #tpu.memory_space<hbm>>) target(%arg10 : memref<80xi32, #tpu.memory_space<vmem>>) target_semaphore(%run_scoped3A : memref<!tpu.dma_semaphore, #tpu.memory_space<semaphore_mem>>)
        %dma_wait3A_154 = tpu.memref_slice %arg6[%add3A_39] : memref<160000xi32, #tpu.memory_space<hbm>> -> memref<80xi32, #tpu.memory_space<hbm>>
        %dma_wait3A_155 = tpu.memref_slice %arg6[%add3A_39] : memref<160000xi32, #tpu.memory_space<hbm>> -> memref<80xi32, #tpu.memory_space<hbm>>
        tpu.wait_dma2 semaphore(%run_scoped3A : memref<!tpu.dma_semaphore, #tpu.memory_space<semaphore_mem>>) src(%dma_wait3A_155 : memref<80xi32, #tpu.memory_space<hbm>>) dst(%arg10 : memref<80xi32, #tpu.memory_space<vmem>>)
        tpu.yield
      }) : () -> ()
      %get3A = arith.constant 0 : index
      %get3A_40 = tpu.vector_load %arg8[%get3A] {strides = array<i32>} : memref<80xi32, #tpu.memory_space<vmem>>, vector<16xi32>,
      %get3A_41 = vector.shape_cast %get3A_40 : vector<16xi32> to vector<16xi32>
      %add3A_42 = vector.broadcast %mul3A_0 : i32 to vector<16xi32>
      %add3A_43 = arith.addi %get3A_41, %add3A_42 : vector<16xi32>
      %swap3A = arith.constant 0 : index
      %swap3A_44 = tpu.vector_load %arg9[%swap3A] {strides = array<i32>} : memref<80xi32, #tpu.memory_space<vmem>>, vector<16xi32>,
      %swap3A_45 = vector.shape_cast %swap3A_44 : vector<16xi32> to vector<16xi32>
      %swap3A_46 = vector.shape_cast %add3A_43 : vector<16xi32> to vector<16xi32>
      tpu.vector_store %arg9[%swap3A], %swap3A_46 {strides = array<i32>} : memref<80xi32, #tpu.memory_space<vmem>>, vector<16xi32>,
      %get3A_47 = arith.constant 0 : index
      %get3A_48 = tpu.vector_load %arg10[%get3A_47] {strides = array<i32>} : memref<80xi32, #tpu.memory_space<vmem>>, vector<16xi32>,
      %get3A_49 = vector.shape_cast %get3A_48 : vector<16xi32> to vector<16xi32>
      %add3A_50 = vector.broadcast %mul3A_0 : i32 to vector<16xi32>
      %add3A_51 = arith.addi %get3A_49, %add3A_50 : vector<16xi32>
      %swap3A_52 = arith.constant 0 : index
      %swap3A_53 = tpu.vector_load %arg10[%swap3A_52] {strides = array<i32>} : memref<80xi32, #tpu.memory_space<vmem>>, vector<16xi32>,
      %swap3A_54 = vector.shape_cast %swap3A_53 : vector<16xi32> to vector<16xi32>
      %swap3A_55 = vector.shape_cast %add3A_51 : vector<16xi32> to vector<16xi32>
      tpu.vector_store %arg10[%swap3A_52], %swap3A_55 {strides = array<i32>} : memref<80xi32, #tpu.memory_space<vmem>>, vector<16xi32>,
      %get3A_56 = arith.constant 16 : index
      %get3A_57 = tpu.vector_load %arg8[%get3A_56] {strides = array<i32>} : memref<80xi32, #tpu.memory_space<vmem>>, vector<16xi32>,
      %get3A_58 = vector.shape_cast %get3A_57 : vector<16xi32> to vector<16xi32>
      %add3A_59 = vector.broadcast %mul3A_0 : i32 to vector<16xi32>
      %add3A_60 = arith.addi %get3A_58, %add3A_59 : vector<16xi32>
      %swap3A_61 = arith.constant 16 : index
      %swap3A_62 = tpu.vector_load %arg9[%swap3A_61] {strides = array<i32>} : memref<80xi32, #tpu.memory_space<vmem>>, vector<16xi32>,
      %swap3A_63 = vector.shape_cast %swap3A_62 : vector<16xi32> to vector<16xi32>
      %swap3A_64 = vector.shape_cast %add3A_60 : vector<16xi32> to vector<16xi32>
      tpu.vector_store %arg9[%swap3A_61], %swap3A_64 {strides = array<i32>} : memref<80xi32, #tpu.memory_space<vmem>>, vector<16xi32>,
      %get3A_65 = arith.constant 16 : index
      %get3A_66 = tpu.vector_load %arg10[%get3A_65] {strides = array<i32>} : memref<80xi32, #tpu.memory_space<vmem>>, vector<16xi32>,
      %get3A_67 = vector.shape_cast %get3A_66 : vector<16xi32> to vector<16xi32>
      %add3A_68 = vector.broadcast %mul3A_0 : i32 to vector<16xi32>
      %add3A_69 = arith.addi %get3A_67, %add3A_68 : vector<16xi32>
      %swap3A_70 = arith.constant 16 : index
      %swap3A_71 = tpu.vector_load %arg10[%swap3A_70] {strides = array<i32>} : memref<80xi32, #tpu.memory_space<vmem>>, vector<16xi32>,
      %swap3A_72 = vector.shape_cast %swap3A_71 : vector<16xi32> to vector<16xi32>
      %swap3A_73 = vector.shape_cast %add3A_69 : vector<16xi32> to vector<16xi32>
      tpu.vector_store %arg10[%swap3A_70], %swap3A_73 {strides = array<i32>} : memref<80xi32, #tpu.memory_space<vmem>>, vector<16xi32>,
      %get3A_74 = arith.constant 32 : index
      %get3A_75 = tpu.vector_load %arg8[%get3A_74] {strides = array<i32>} : memref<80xi32, #tpu.memory_space<vmem>>, vector<16xi32>,
      %get3A_76 = vector.shape_cast %get3A_75 : vector<16xi32> to vector<16xi32>
      %add3A_77 = vector.broadcast %mul3A_0 : i32 to vector<16xi32>
      %add3A_78 = arith.addi %get3A_76, %add3A_77 : vector<16xi32>
      %swap3A_79 = arith.constant 32 : index
      %swap3A_80 = tpu.vector_load %arg9[%swap3A_79] {strides = array<i32>} : memref<80xi32, #tpu.memory_space<vmem>>, vector<16xi32>,
      %swap3A_81 = vector.shape_cast %swap3A_80 : vector<16xi32> to vector<16xi32>
      %swap3A_82 = vector.shape_cast %add3A_78 : vector<16xi32> to vector<16xi32>
      tpu.vector_store %arg9[%swap3A_79], %swap3A_82 {strides = array<i32>} : memref<80xi32, #tpu.memory_space<vmem>>, vector<16xi32>,
      %get3A_83 = arith.constant 32 : index
      %get3A_84 = tpu.vector_load %arg10[%get3A_83] {strides = array<i32>} : memref<80xi32, #tpu.memory_space<vmem>>, vector<16xi32>,
      %get3A_85 = vector.shape_cast %get3A_84 : vector<16xi32> to vector<16xi32>
      %add3A_86 = vector.broadcast %mul3A_0 : i32 to vector<16xi32>
      %add3A_87 = arith.addi %get3A_85, %add3A_86 : vector<16xi32>
      %swap3A_88 = arith.constant 32 : index
      %swap3A_89 = tpu.vector_load %arg10[%swap3A_88] {strides = array<i32>} : memref<80xi32, #tpu.memory_space<vmem>>, vector<16xi32>,
      %swap3A_90 = vector.shape_cast %swap3A_89 : vector<16xi32> to vector<16xi32>
      %swap3A_91 = vector.shape_cast %add3A_87 : vector<16xi32> to vector<16xi32>
      tpu.vector_store %arg10[%swap3A_88], %swap3A_91 {strides = array<i32>} : memref<80xi32, #tpu.memory_space<vmem>>, vector<16xi32>,
      %get3A_92 = arith.constant 48 : index
      %get3A_93 = tpu.vector_load %arg8[%get3A_92] {strides = array<i32>} : memref<80xi32, #tpu.memory_space<vmem>>, vector<16xi32>,
      %get3A_94 = vector.shape_cast %get3A_93 : vector<16xi32> to vector<16xi32>
      %add3A_95 = vector.broadcast %mul3A_0 : i32 to vector<16xi32>
      %add3A_96 = arith.addi %get3A_94, %add3A_95 : vector<16xi32>
      %swap3A_97 = arith.constant 48 : index
      %swap3A_98 = tpu.vector_load %arg9[%swap3A_97] {strides = array<i32>} : memref<80xi32, #tpu.memory_space<vmem>>, vector<16xi32>,
      %swap3A_99 = vector.shape_cast %swap3A_98 : vector<16xi32> to vector<16xi32>
      %swap3A_100 = vector.shape_cast %add3A_96 : vector<16xi32> to vector<16xi32>
      tpu.vector_store %arg9[%swap3A_97], %swap3A_100 {strides = array<i32>} : memref<80xi32, #tpu.memory_space<vmem>>, vector<16xi32>,
      %get3A_101 = arith.constant 48 : index
      %get3A_102 = tpu.vector_load %arg10[%get3A_101] {strides = array<i32>} : memref<80xi32, #tpu.memory_space<vmem>>, vector<16xi32>,
      %get3A_103 = vector.shape_cast %get3A_102 : vector<16xi32> to vector<16xi32>
      %add3A_104 = vector.broadcast %mul3A_0 : i32 to vector<16xi32>
      %add3A_105 = arith.addi %get3A_103, %add3A_104 : vector<16xi32>
      %swap3A_106 = arith.constant 48 : index
      %swap3A_107 = tpu.vector_load %arg10[%swap3A_106] {strides = array<i32>} : memref<80xi32, #tpu.memory_space<vmem>>, vector<16xi32>,
      %swap3A_108 = vector.shape_cast %swap3A_107 : vector<16xi32> to vector<16xi32>
      %swap3A_109 = vector.shape_cast %add3A_105 : vector<16xi32> to vector<16xi32>
      tpu.vector_store %arg10[%swap3A_106], %swap3A_109 {strides = array<i32>} : memref<80xi32, #tpu.memory_space<vmem>>, vector<16xi32>,
      %get3A_110 = arith.constant 64 : index
      %get3A_111 = tpu.vector_load %arg8[%get3A_110] {strides = array<i32>} : memref<80xi32, #tpu.memory_space<vmem>>, vector<16xi32>,
      %get3A_112 = vector.shape_cast %get3A_111 : vector<16xi32> to vector<16xi32>
      %add3A_113 = vector.broadcast %mul3A_0 : i32 to vector<16xi32>
      %add3A_114 = arith.addi %get3A_112, %add3A_113 : vector<16xi32>
      %swap3A_115 = arith.constant 64 : index
      %swap3A_116 = tpu.vector_load %arg9[%swap3A_115] {strides = array<i32>} : memref<80xi32, #tpu.memory_space<vmem>>, vector<16xi32>,
      %swap3A_117 = vector.shape_cast %swap3A_116 : vector<16xi32> to vector<16xi32>
      %swap3A_118 = vector.shape_cast %add3A_114 : vector<16xi32> to vector<16xi32>
      tpu.vector_store %arg9[%swap3A_115], %swap3A_118 {strides = array<i32>} : memref<80xi32, #tpu.memory_space<vmem>>, vector<16xi32>,
      %get3A_119 = arith.constant 64 : index
      %get3A_120 = tpu.vector_load %arg10[%get3A_119] {strides = array<i32>} : memref<80xi32, #tpu.memory_space<vmem>>, vector<16xi32>,
      %get3A_121 = vector.shape_cast %get3A_120 : vector<16xi32> to vector<16xi32>
      %add3A_122 = vector.broadcast %mul3A_0 : i32 to vector<16xi32>
      %add3A_123 = arith.addi %get3A_121, %add3A_122 : vector<16xi32>
      %swap3A_124 = arith.constant 64 : index
      %swap3A_125 = tpu.vector_load %arg10[%swap3A_124] {strides = array<i32>} : memref<80xi32, #tpu.memory_space<vmem>>, vector<16xi32>,
      %swap3A_126 = vector.shape_cast %swap3A_125 : vector<16xi32> to vector<16xi32>
      %swap3A_127 = vector.shape_cast %add3A_123 : vector<16xi32> to vector<16xi32>
      tpu.vector_store %arg10[%swap3A_124], %swap3A_127 {strides = array<i32>} : memref<80xi32, #tpu.memory_space<vmem>>, vector<16xi32>,
      %dma_start3A = arith.constant 0 : i32
      %dma_start3A_128 = arith.constant 0 : i32
      %dma_start3A_129 = tpu.memref_slice %arg2[%dma_start3A, %dma_start3A_128] : memref<20000x128xf32, #tpu.memory_space<hbm>> -> memref<20000x128xf32, #tpu.memory_space<hbm>>
      tpu.enqueue_indirect_dma source(%dma_start3A_129 : memref<20000x128xf32, #tpu.memory_space<hbm>>) target(%arg11 : memref<80x128xf32, #tpu.memory_space<vmem>>) offsets(%arg9 : memref<80xi32, #tpu.memory_space<vmem>>) semaphore(%arg16 : memref<!tpu.dma_semaphore, #tpu.memory_space<semaphore_mem>>)
      %dma_start3A_130 = arith.constant 0 : i32
      %dma_start3A_131 = arith.constant 0 : i32
      %dma_start3A_132 = tpu.memref_slice %arg3[%dma_start3A_130, %dma_start3A_131] : memref<20000x128xf32, #tpu.memory_space<hbm>> -> memref<20000x128xf32, #tpu.memory_space<hbm>>
      tpu.enqueue_indirect_dma source(%dma_start3A_132 : memref<20000x128xf32, #tpu.memory_space<hbm>>) target(%arg12 : memref<80x128xf32, #tpu.memory_space<vmem>>) offsets(%arg10 : memref<80xi32, #tpu.memory_space<vmem>>) semaphore(%arg17 : memref<!tpu.dma_semaphore, #tpu.memory_space<semaphore_mem>>)
      %add3A_133 = arith.addi %mul3A_2, %add3A_39 : i32
      %dma_start3A_134 = arith.constant 0 : i32
      %dma_start3A_135 = tpu.memref_slice %arg4[%add3A_133, %dma_start3A_134] : memref<320000x128xf32, #tpu.memory_space<hbm>> -> memref<80x128xf32, #tpu.memory_space<hbm>>
      %dma_start3A_136 = arith.constant 0 : i32
      %dma_start3A_137 = tpu.memref_slice %arg4[%add3A_133, %dma_start3A_136] : memref<320000x128xf32, #tpu.memory_space<hbm>> -> memref<80x128xf32, #tpu.memory_space<hbm>>
      tpu.enqueue_dma source(%dma_start3A_137 : memref<80x128xf32, #tpu.memory_space<hbm>>) target(%arg13 : memref<80x128xf32, #tpu.memory_space<vmem>>) target_semaphore(%arg18 : memref<!tpu.dma_semaphore, #tpu.memory_space<semaphore_mem>>)
      %dma_wait3A = arith.constant 0 : i32
      %dma_wait3A_138 = arith.constant 0 : i32
      %dma_wait3A_139 = tpu.memref_slice %arg2[%dma_wait3A, %dma_wait3A_138] : memref<20000x128xf32, #tpu.memory_space<hbm>> -> memref<20000x128xf32, #tpu.memory_space<hbm>>
      tpu.wait_indirect_dma semaphore(%arg16 : memref<!tpu.dma_semaphore, #tpu.memory_space<semaphore_mem>>) src(%dma_wait3A_139 : memref<20000x128xf32, #tpu.memory_space<hbm>>) dst(%arg11 : memref<80x128xf32, #tpu.memory_space<vmem>>)
      %dma_wait3A_140 = arith.constant 0 : i32
      %dma_wait3A_141 = arith.constant 0 : i32
      %dma_wait3A_142 = tpu.memref_slice %arg3[%dma_wait3A_140, %dma_wait3A_141] : memref<20000x128xf32, #tpu.memory_space<hbm>> -> memref<20000x128xf32, #tpu.memory_space<hbm>>
      tpu.wait_indirect_dma semaphore(%arg17 : memref<!tpu.dma_semaphore, #tpu.memory_space<semaphore_mem>>) src(%dma_wait3A_142 : memref<20000x128xf32, #tpu.memory_space<hbm>>) dst(%arg12 : memref<80x128xf32, #tpu.memory_space<vmem>>)
      %dma_wait3A_143 = arith.constant 0 : i32
      %dma_wait3A_144 = tpu.memref_slice %arg4[%add3A_133, %dma_wait3A_143] : memref<320000x128xf32, #tpu.memory_space<hbm>> -> memref<80x128xf32, #tpu.memory_space<hbm>>
      %dma_wait3A_145 = arith.constant 0 : i32
      %dma_wait3A_146 = tpu.memref_slice %arg4[%add3A_133, %dma_wait3A_145] : memref<320000x128xf32, #tpu.memory_space<hbm>> -> memref<80x128xf32, #tpu.memory_space<hbm>>
      tpu.wait_dma2 semaphore(%arg18 : memref<!tpu.dma_semaphore, #tpu.memory_space<semaphore_mem>>) src(%dma_wait3A_146 : memref<80x128xf32, #tpu.memory_space<hbm>>) dst(%arg13 : memref<80x128xf32, #tpu.memory_space<vmem>>)
      %scan3A_147 = arith.constant 0 : i32
      %scan3A_148 = arith.constant 80 : i32
      %scan3A_149 = arith.addi %scan3A_147, %scan3A_148 : i32
      %scan3A_150 = arith.constant 1 : i32
      scf.for %scan3A_152 = %scan3A_147 to %scan3A_149 step %scan3A_150  : i32 {
        %mul3A_153 = arith.constant 1 : i32
        %mul3A_154 = arith.muli %scan3A_152, %mul3A_153 : i32
        %add3A_155 = arith.constant 0 : i32
        %add3A_156 = arith.addi %add3A_155, %mul3A_154 : i32
        %get3A_157 = arith.index_cast %add3A_156 : i32 to index
        %get3A_158 = arith.constant 0 : index
        %get3A_159 = tpu.vector_load %arg11[%get3A_157, %get3A_158] {strides = array<i32>} : memref<80x128xf32, #tpu.memory_space<vmem>>, vector<1x16xf32>,
        %get3A_160 = vector.shape_cast %get3A_159 : vector<1x16xf32> to vector<1x16xf32>
        %get3A_161 = arith.index_cast %add3A_156 : i32 to index
        %get3A_162 = arith.constant 0 : index
        %get3A_163 = tpu.vector_load %arg12[%get3A_161, %get3A_162] {strides = array<i32>} : memref<80x128xf32, #tpu.memory_space<vmem>>, vector<1x16xf32>,
        %get3A_164 = vector.shape_cast %get3A_163 : vector<1x16xf32> to vector<1x16xf32>
        %add3A_165 = arith.addf %get3A_160, %get3A_164 : vector<1x16xf32>
        %get3A_166 = arith.index_cast %add3A_156 : i32 to index
        %get3A_167 = arith.constant 0 : index
        %get3A_168 = tpu.vector_load %arg13[%get3A_166, %get3A_167] {strides = array<i32>} : memref<80x128xf32, #tpu.memory_space<vmem>>, vector<1x16xf32>,
        %get3A_169 = vector.shape_cast %get3A_168 : vector<1x16xf32> to vector<1x16xf32>
        %add3A_170 = arith.addf %add3A_165, %get3A_169 : vector<1x16xf32>
        %max3A = arith.constant 0.000000e+00 : f32
        %max3A_171 = vector.broadcast %max3A : f32 to vector<1x16xf32>
        %max3A_172 = arith.maximumf %add3A_170, %max3A_171 : vector<1x16xf32>
        %convert_element_type3A_173 = arith.truncf %max3A_172 : vector<1x16xf32> to vector<1x16xbf16>
        %convert_element_type3A_174 = arith.extf %convert_element_type3A_173 : vector<1x16xbf16> to vector<1x16xf32>
        %swap3A_175 = arith.index_cast %add3A_156 : i32 to index
        %swap3A_176 = arith.constant 0 : index
        %swap3A_177 = tpu.vector_load %arg11[%swap3A_175, %swap3A_176] {strides = array<i32>} : memref<80x128xf32, #tpu.memory_space<vmem>>, vector<1x16xf32>,
        %swap3A_178 = vector.shape_cast %swap3A_177 : vector<1x16xf32> to vector<1x16xf32>
        %swap3A_179 = vector.shape_cast %convert_element_type3A_174 : vector<1x16xf32> to vector<1x16xf32>
        tpu.vector_store %arg11[%swap3A_175, %swap3A_176], %swap3A_179 {strides = array<i32>} : memref<80x128xf32, #tpu.memory_space<vmem>>, vector<1x16xf32>,
        %get3A_180 = arith.index_cast %add3A_156 : i32 to index
        %get3A_181 = arith.constant 16 : index
        %get3A_182 = tpu.vector_load %arg11[%get3A_180, %get3A_181] {strides = array<i32>} : memref<80x128xf32, #tpu.memory_space<vmem>>, vector<1x16xf32>,
        %get3A_183 = vector.shape_cast %get3A_182 : vector<1x16xf32> to vector<1x16xf32>
        %get3A_184 = arith.index_cast %add3A_156 : i32 to index
        %get3A_185 = arith.constant 16 : index
        %get3A_186 = tpu.vector_load %arg12[%get3A_184, %get3A_185] {strides = array<i32>} : memref<80x128xf32, #tpu.memory_space<vmem>>, vector<1x16xf32>,
        %get3A_187 = vector.shape_cast %get3A_186 : vector<1x16xf32> to vector<1x16xf32>
        %add3A_188 = arith.addf %get3A_183, %get3A_187 : vector<1x16xf32>
        %get3A_189 = arith.index_cast %add3A_156 : i32 to index
        %get3A_190 = arith.constant 16 : index
        %get3A_191 = tpu.vector_load %arg13[%get3A_189, %get3A_190] {strides = array<i32>} : memref<80x128xf32, #tpu.memory_space<vmem>>, vector<1x16xf32>,
        %get3A_192 = vector.shape_cast %get3A_191 : vector<1x16xf32> to vector<1x16xf32>
        %add3A_193 = arith.addf %add3A_188, %get3A_192 : vector<1x16xf32>
        %max3A_194 = arith.constant 0.000000e+00 : f32
        %max3A_195 = vector.broadcast %max3A_194 : f32 to vector<1x16xf32>
        %max3A_196 = arith.maximumf %add3A_193, %max3A_195 : vector<1x16xf32>
        %convert_element_type3A_197 = arith.truncf %max3A_196 : vector<1x16xf32> to vector<1x16xbf16>
        %convert_element_type3A_198 = arith.extf %convert_element_type3A_197 : vector<1x16xbf16> to vector<1x16xf32>
        %swap3A_199 = arith.index_cast %add3A_156 : i32 to index
        %swap3A_200 = arith.constant 16 : index
        %swap3A_201 = tpu.vector_load %arg11[%swap3A_199, %swap3A_200] {strides = array<i32>} : memref<80x128xf32, #tpu.memory_space<vmem>>, vector<1x16xf32>,
        %swap3A_202 = vector.shape_cast %swap3A_201 : vector<1x16xf32> to vector<1x16xf32>
        %swap3A_203 = vector.shape_cast %convert_element_type3A_198 : vector<1x16xf32> to vector<1x16xf32>
        tpu.vector_store %arg11[%swap3A_199, %swap3A_200], %swap3A_203 {strides = array<i32>} : memref<80x128xf32, #tpu.memory_space<vmem>>, vector<1x16xf32>,
        %get3A_204 = arith.index_cast %add3A_156 : i32 to index
        %get3A_205 = arith.constant 32 : index
        %get3A_206 = tpu.vector_load %arg11[%get3A_204, %get3A_205] {strides = array<i32>} : memref<80x128xf32, #tpu.memory_space<vmem>>, vector<1x16xf32>,
        %get3A_207 = vector.shape_cast %get3A_206 : vector<1x16xf32> to vector<1x16xf32>
        %get3A_208 = arith.index_cast %add3A_156 : i32 to index
        %get3A_209 = arith.constant 32 : index
        %get3A_210 = tpu.vector_load %arg12[%get3A_208, %get3A_209] {strides = array<i32>} : memref<80x128xf32, #tpu.memory_space<vmem>>, vector<1x16xf32>,
        %get3A_211 = vector.shape_cast %get3A_210 : vector<1x16xf32> to vector<1x16xf32>
        %add3A_212 = arith.addf %get3A_207, %get3A_211 : vector<1x16xf32>
        %get3A_213 = arith.index_cast %add3A_156 : i32 to index
        %get3A_214 = arith.constant 32 : index
        %get3A_215 = tpu.vector_load %arg13[%get3A_213, %get3A_214] {strides = array<i32>} : memref<80x128xf32, #tpu.memory_space<vmem>>, vector<1x16xf32>,
        %get3A_216 = vector.shape_cast %get3A_215 : vector<1x16xf32> to vector<1x16xf32>
        %add3A_217 = arith.addf %add3A_212, %get3A_216 : vector<1x16xf32>
        %max3A_218 = arith.constant 0.000000e+00 : f32
        %max3A_219 = vector.broadcast %max3A_218 : f32 to vector<1x16xf32>
        %max3A_220 = arith.maximumf %add3A_217, %max3A_219 : vector<1x16xf32>
        %convert_element_type3A_221 = arith.truncf %max3A_220 : vector<1x16xf32> to vector<1x16xbf16>
        %convert_element_type3A_222 = arith.extf %convert_element_type3A_221 : vector<1x16xbf16> to vector<1x16xf32>
        %swap3A_223 = arith.index_cast %add3A_156 : i32 to index
        %swap3A_224 = arith.constant 32 : index
        %swap3A_225 = tpu.vector_load %arg11[%swap3A_223, %swap3A_224] {strides = array<i32>} : memref<80x128xf32, #tpu.memory_space<vmem>>, vector<1x16xf32>,
        %swap3A_226 = vector.shape_cast %swap3A_225 : vector<1x16xf32> to vector<1x16xf32>
        %swap3A_227 = vector.shape_cast %convert_element_type3A_222 : vector<1x16xf32> to vector<1x16xf32>
        tpu.vector_store %arg11[%swap3A_223, %swap3A_224], %swap3A_227 {strides = array<i32>} : memref<80x128xf32, #tpu.memory_space<vmem>>, vector<1x16xf32>,
        %get3A_228 = arith.index_cast %add3A_156 : i32 to index
        %get3A_229 = arith.constant 48 : index
        %get3A_230 = tpu.vector_load %arg11[%get3A_228, %get3A_229] {strides = array<i32>} : memref<80x128xf32, #tpu.memory_space<vmem>>, vector<1x16xf32>,
        %get3A_231 = vector.shape_cast %get3A_230 : vector<1x16xf32> to vector<1x16xf32>
        %get3A_232 = arith.index_cast %add3A_156 : i32 to index
        %get3A_233 = arith.constant 48 : index
        %get3A_234 = tpu.vector_load %arg12[%get3A_232, %get3A_233] {strides = array<i32>} : memref<80x128xf32, #tpu.memory_space<vmem>>, vector<1x16xf32>,
        %get3A_235 = vector.shape_cast %get3A_234 : vector<1x16xf32> to vector<1x16xf32>
        %add3A_236 = arith.addf %get3A_231, %get3A_235 : vector<1x16xf32>
        %get3A_237 = arith.index_cast %add3A_156 : i32 to index
        %get3A_238 = arith.constant 48 : index
        %get3A_239 = tpu.vector_load %arg13[%get3A_237, %get3A_238] {strides = array<i32>} : memref<80x128xf32, #tpu.memory_space<vmem>>, vector<1x16xf32>,
        %get3A_240 = vector.shape_cast %get3A_239 : vector<1x16xf32> to vector<1x16xf32>
        %add3A_241 = arith.addf %add3A_236, %get3A_240 : vector<1x16xf32>
        %max3A_242 = arith.constant 0.000000e+00 : f32
        %max3A_243 = vector.broadcast %max3A_242 : f32 to vector<1x16xf32>
        %max3A_244 = arith.maximumf %add3A_241, %max3A_243 : vector<1x16xf32>
        %convert_element_type3A_245 = arith.truncf %max3A_244 : vector<1x16xf32> to vector<1x16xbf16>
        %convert_element_type3A_246 = arith.extf %convert_element_type3A_245 : vector<1x16xbf16> to vector<1x16xf32>
        %swap3A_247 = arith.index_cast %add3A_156 : i32 to index
        %swap3A_248 = arith.constant 48 : index
        %swap3A_249 = tpu.vector_load %arg11[%swap3A_247, %swap3A_248] {strides = array<i32>} : memref<80x128xf32, #tpu.memory_space<vmem>>, vector<1x16xf32>,
        %swap3A_250 = vector.shape_cast %swap3A_249 : vector<1x16xf32> to vector<1x16xf32>
        %swap3A_251 = vector.shape_cast %convert_element_type3A_246 : vector<1x16xf32> to vector<1x16xf32>
        tpu.vector_store %arg11[%swap3A_247, %swap3A_248], %swap3A_251 {strides = array<i32>} : memref<80x128xf32, #tpu.memory_space<vmem>>, vector<1x16xf32>,
        %get3A_252 = arith.index_cast %add3A_156 : i32 to index
        %get3A_253 = arith.constant 64 : index
        %get3A_254 = tpu.vector_load %arg11[%get3A_252, %get3A_253] {strides = array<i32>} : memref<80x128xf32, #tpu.memory_space<vmem>>, vector<1x16xf32>,
        %get3A_255 = vector.shape_cast %get3A_254 : vector<1x16xf32> to vector<1x16xf32>
        %get3A_256 = arith.index_cast %add3A_156 : i32 to index
        %get3A_257 = arith.constant 64 : index
        %get3A_258 = tpu.vector_load %arg12[%get3A_256, %get3A_257] {strides = array<i32>} : memref<80x128xf32, #tpu.memory_space<vmem>>, vector<1x16xf32>,
        %get3A_259 = vector.shape_cast %get3A_258 : vector<1x16xf32> to vector<1x16xf32>
        %add3A_260 = arith.addf %get3A_255, %get3A_259 : vector<1x16xf32>
        %get3A_261 = arith.index_cast %add3A_156 : i32 to index
        %get3A_262 = arith.constant 64 : index
        %get3A_263 = tpu.vector_load %arg13[%get3A_261, %get3A_262] {strides = array<i32>} : memref<80x128xf32, #tpu.memory_space<vmem>>, vector<1x16xf32>,
        %get3A_264 = vector.shape_cast %get3A_263 : vector<1x16xf32> to vector<1x16xf32>
        %add3A_265 = arith.addf %add3A_260, %get3A_264 : vector<1x16xf32>
        %max3A_266 = arith.constant 0.000000e+00 : f32
        %max3A_267 = vector.broadcast %max3A_266 : f32 to vector<1x16xf32>
        %max3A_268 = arith.maximumf %add3A_265, %max3A_267 : vector<1x16xf32>
        %convert_element_type3A_269 = arith.truncf %max3A_268 : vector<1x16xf32> to vector<1x16xbf16>
        %convert_element_type3A_270 = arith.extf %convert_element_type3A_269 : vector<1x16xbf16> to vector<1x16xf32>
        %swap3A_271 = arith.index_cast %add3A_156 : i32 to index
        %swap3A_272 = arith.constant 64 : index
        %swap3A_273 = tpu.vector_load %arg11[%swap3A_271, %swap3A_272] {strides = array<i32>} : memref<80x128xf32, #tpu.memory_space<vmem>>, vector<1x16xf32>,
        %swap3A_274 = vector.shape_cast %swap3A_273 : vector<1x16xf32> to vector<1x16xf32>
        %swap3A_275 = vector.shape_cast %convert_element_type3A_270 : vector<1x16xf32> to vector<1x16xf32>
        tpu.vector_store %arg11[%swap3A_271, %swap3A_272], %swap3A_275 {strides = array<i32>} : memref<80x128xf32, #tpu.memory_space<vmem>>, vector<1x16xf32>,
        %get3A_276 = arith.index_cast %add3A_156 : i32 to index
        %get3A_277 = arith.constant 80 : index
        %get3A_278 = tpu.vector_load %arg11[%get3A_276, %get3A_277] {strides = array<i32>} : memref<80x128xf32, #tpu.memory_space<vmem>>, vector<1x16xf32>,
        %get3A_279 = vector.shape_cast %get3A_278 : vector<1x16xf32> to vector<1x16xf32>
        %get3A_280 = arith.index_cast %add3A_156 : i32 to index
        %get3A_281 = arith.constant 80 : index
        %get3A_282 = tpu.vector_load %arg12[%get3A_280, %get3A_281] {strides = array<i32>} : memref<80x128xf32, #tpu.memory_space<vmem>>, vector<1x16xf32>,
        %get3A_283 = vector.shape_cast %get3A_282 : vector<1x16xf32> to vector<1x16xf32>
        %add3A_284 = arith.addf %get3A_279, %get3A_283 : vector<1x16xf32>
        %get3A_285 = arith.index_cast %add3A_156 : i32 to index
        %get3A_286 = arith.constant 80 : index
        %get3A_287 = tpu.vector_load %arg13[%get3A_285, %get3A_286] {strides = array<i32>} : memref<80x128xf32, #tpu.memory_space<vmem>>, vector<1x16xf32>,
        %get3A_288 = vector.shape_cast %get3A_287 : vector<1x16xf32> to vector<1x16xf32>
        %add3A_289 = arith.addf %add3A_284, %get3A_288 : vector<1x16xf32>
        %max3A_290 = arith.constant 0.000000e+00 : f32
        %max3A_291 = vector.broadcast %max3A_290 : f32 to vector<1x16xf32>
        %max3A_292 = arith.maximumf %add3A_289, %max3A_291 : vector<1x16xf32>
        %convert_element_type3A_293 = arith.truncf %max3A_292 : vector<1x16xf32> to vector<1x16xbf16>
        %convert_element_type3A_294 = arith.extf %convert_element_type3A_293 : vector<1x16xbf16> to vector<1x16xf32>
        %swap3A_295 = arith.index_cast %add3A_156 : i32 to index
        %swap3A_296 = arith.constant 80 : index
        %swap3A_297 = tpu.vector_load %arg11[%swap3A_295, %swap3A_296] {strides = array<i32>} : memref<80x128xf32, #tpu.memory_space<vmem>>, vector<1x16xf32>,
        %swap3A_298 = vector.shape_cast %swap3A_297 : vector<1x16xf32> to vector<1x16xf32>
        %swap3A_299 = vector.shape_cast %convert_element_type3A_294 : vector<1x16xf32> to vector<1x16xf32>
        tpu.vector_store %arg11[%swap3A_295, %swap3A_296], %swap3A_299 {strides = array<i32>} : memref<80x128xf32, #tpu.memory_space<vmem>>, vector<1x16xf32>,
        %get3A_300 = arith.index_cast %add3A_156 : i32 to index
        %get3A_301 = arith.constant 96 : index
        %get3A_302 = tpu.vector_load %arg11[%get3A_300, %get3A_301] {strides = array<i32>} : memref<80x128xf32, #tpu.memory_space<vmem>>, vector<1x16xf32>,
        %get3A_303 = vector.shape_cast %get3A_302 : vector<1x16xf32> to vector<1x16xf32>
        %get3A_304 = arith.index_cast %add3A_156 : i32 to index
        %get3A_305 = arith.constant 96 : index
        %get3A_306 = tpu.vector_load %arg12[%get3A_304, %get3A_305] {strides = array<i32>} : memref<80x128xf32, #tpu.memory_space<vmem>>, vector<1x16xf32>,
        %get3A_307 = vector.shape_cast %get3A_306 : vector<1x16xf32> to vector<1x16xf32>
        %add3A_308 = arith.addf %get3A_303, %get3A_307 : vector<1x16xf32>
        %get3A_309 = arith.index_cast %add3A_156 : i32 to index
        %get3A_310 = arith.constant 96 : index
        %get3A_311 = tpu.vector_load %arg13[%get3A_309, %get3A_310] {strides = array<i32>} : memref<80x128xf32, #tpu.memory_space<vmem>>, vector<1x16xf32>,
        %get3A_312 = vector.shape_cast %get3A_311 : vector<1x16xf32> to vector<1x16xf32>
        %add3A_313 = arith.addf %add3A_308, %get3A_312 : vector<1x16xf32>
        %max3A_314 = arith.constant 0.000000e+00 : f32
        %max3A_315 = vector.broadcast %max3A_314 : f32 to vector<1x16xf32>
        %max3A_316 = arith.maximumf %add3A_313, %max3A_315 : vector<1x16xf32>
        %convert_element_type3A_317 = arith.truncf %max3A_316 : vector<1x16xf32> to vector<1x16xbf16>
        %convert_element_type3A_318 = arith.extf %convert_element_type3A_317 : vector<1x16xbf16> to vector<1x16xf32>
        %swap3A_319 = arith.index_cast %add3A_156 : i32 to index
        %swap3A_320 = arith.constant 96 : index
        %swap3A_321 = tpu.vector_load %arg11[%swap3A_319, %swap3A_320] {strides = array<i32>} : memref<80x128xf32, #tpu.memory_space<vmem>>, vector<1x16xf32>,
        %swap3A_322 = vector.shape_cast %swap3A_321 : vector<1x16xf32> to vector<1x16xf32>
        %swap3A_323 = vector.shape_cast %convert_element_type3A_318 : vector<1x16xf32> to vector<1x16xf32>
        tpu.vector_store %arg11[%swap3A_319, %swap3A_320], %swap3A_323 {strides = array<i32>} : memref<80x128xf32, #tpu.memory_space<vmem>>, vector<1x16xf32>,
        %get3A_324 = arith.index_cast %add3A_156 : i32 to index
        %get3A_325 = arith.constant 112 : index
        %get3A_326 = tpu.vector_load %arg11[%get3A_324, %get3A_325] {strides = array<i32>} : memref<80x128xf32, #tpu.memory_space<vmem>>, vector<1x16xf32>,
        %get3A_327 = vector.shape_cast %get3A_326 : vector<1x16xf32> to vector<1x16xf32>
        %get3A_328 = arith.index_cast %add3A_156 : i32 to index
        %get3A_329 = arith.constant 112 : index
        %get3A_330 = tpu.vector_load %arg12[%get3A_328, %get3A_329] {strides = array<i32>} : memref<80x128xf32, #tpu.memory_space<vmem>>, vector<1x16xf32>,
        %get3A_331 = vector.shape_cast %get3A_330 : vector<1x16xf32> to vector<1x16xf32>
        %add3A_332 = arith.addf %get3A_327, %get3A_331 : vector<1x16xf32>
        %get3A_333 = arith.index_cast %add3A_156 : i32 to index
        %get3A_334 = arith.constant 112 : index
        %get3A_335 = tpu.vector_load %arg13[%get3A_333, %get3A_334] {strides = array<i32>} : memref<80x128xf32, #tpu.memory_space<vmem>>, vector<1x16xf32>,
        %get3A_336 = vector.shape_cast %get3A_335 : vector<1x16xf32> to vector<1x16xf32>
        %add3A_337 = arith.addf %add3A_332, %get3A_336 : vector<1x16xf32>
        %max3A_338 = arith.constant 0.000000e+00 : f32
        %max3A_339 = vector.broadcast %max3A_338 : f32 to vector<1x16xf32>
        %max3A_340 = arith.maximumf %add3A_337, %max3A_339 : vector<1x16xf32>
        %convert_element_type3A_341 = arith.truncf %max3A_340 : vector<1x16xf32> to vector<1x16xbf16>
        %convert_element_type3A_342 = arith.extf %convert_element_type3A_341 : vector<1x16xbf16> to vector<1x16xf32>
        %swap3A_343 = arith.index_cast %add3A_156 : i32 to index
        %swap3A_344 = arith.constant 112 : index
        %swap3A_345 = tpu.vector_load %arg11[%swap3A_343, %swap3A_344] {strides = array<i32>} : memref<80x128xf32, #tpu.memory_space<vmem>>, vector<1x16xf32>,
        %swap3A_346 = vector.shape_cast %swap3A_345 : vector<1x16xf32> to vector<1x16xf32>
        %swap3A_347 = vector.shape_cast %convert_element_type3A_342 : vector<1x16xf32> to vector<1x16xf32>
        tpu.vector_store %arg11[%swap3A_343, %swap3A_344], %swap3A_347 {strides = array<i32>} : memref<80x128xf32, #tpu.memory_space<vmem>>, vector<1x16xf32>,
      }
      %scan3A_151 = arith.constant 80 : i32
      "tpu.region"() ({
        %run_scoped3A = tpu.sem_alloc : memref<!tpu.dma_semaphore, #tpu.memory_space<semaphore_mem>>
        %dma_start3A_152 = arith.constant 0 : i32
        %dma_start3A_153 = arith.constant 0 : i32
        %dma_start3A_154 = tpu.memref_slice %arg15[%dma_start3A_152, %dma_start3A_153] : memref<10000x128xf32, #tpu.memory_space<vmem_shared>> -> memref<10000x128xf32, #tpu.memory_space<vmem_shared>>
        tpu.enqueue_indirect_dma source(%arg11 : memref<80x128xf32, #tpu.memory_space<vmem>>) target(%dma_start3A_154 : memref<10000x128xf32, #tpu.memory_space<vmem_shared>>) offsets(%arg8 : memref<80xi32, #tpu.memory_space<vmem>>) semaphore(%run_scoped3A : memref<!tpu.dma_semaphore, #tpu.memory_space<semaphore_mem>>) {add = true}
        %dma_wait3A_155 = arith.constant 0 : i32
        %dma_wait3A_156 = arith.constant 0 : i32
        %dma_wait3A_157 = tpu.memref_slice %arg15[%dma_wait3A_155, %dma_wait3A_156] : memref<10000x128xf32, #tpu.memory_space<vmem_shared>> -> memref<10000x128xf32, #tpu.memory_space<vmem_shared>>
        tpu.wait_indirect_dma semaphore(%run_scoped3A : memref<!tpu.dma_semaphore, #tpu.memory_space<semaphore_mem>>) src(%arg11 : memref<80x128xf32, #tpu.memory_space<vmem>>) dst(%dma_wait3A_157 : memref<10000x128xf32, #tpu.memory_space<vmem_shared>>)
        tpu.yield
      }) : () -> ()
    }
    %scan3A_19 = arith.constant 125 : i32
    %barrier3A_20 = arith.constant 0 : index
    tpu.barrier barrier_id(%barrier3A_20)
    %mul3A_21 = arith.constant 624 : i32
    %mul3A_22 = arith.muli %arg1, %mul3A_21 : i32
    %mul3A_23 = arith.constant 624 : i32
    %mul3A_24 = arith.muli %arg1, %mul3A_23 : i32
    %add3A = arith.addi %mul3A_0, %mul3A_24 : i32
    "tpu.region"() ({
      %run_scoped3A = tpu.sem_alloc : memref<!tpu.dma_semaphore, #tpu.memory_space<semaphore_mem>>
      %dma_start3A = arith.constant 0 : i32
      %dma_start3A_30 = tpu.memref_slice %arg7[%add3A, %dma_start3A] : memref<20000x128xf32, #tpu.memory_space<hbm>> -> memref<624x128xf32, #tpu.memory_space<hbm>>
      %dma_start3A_31 = arith.constant 0 : i32
      %dma_start3A_32 = tpu.memref_slice %arg15[%mul3A_22, %dma_start3A_31] : memref<10000x128xf32, #tpu.memory_space<vmem_shared>> -> memref<624x128xf32, #tpu.memory_space<vmem_shared>>
      tpu.enqueue_dma source(%dma_start3A_32 : memref<624x128xf32, #tpu.memory_space<vmem_shared>>) target(%dma_start3A_30 : memref<624x128xf32, #tpu.memory_space<hbm>>) target_semaphore(%run_scoped3A : memref<!tpu.dma_semaphore, #tpu.memory_space<semaphore_mem>>)
      %dma_wait3A = arith.constant 0 : i32
      %dma_wait3A_33 = tpu.memref_slice %arg7[%add3A, %dma_wait3A] : memref<20000x128xf32, #tpu.memory_space<hbm>> -> memref<624x128xf32, #tpu.memory_space<hbm>>
      %dma_wait3A_34 = arith.constant 0 : i32
      %dma_wait3A_35 = tpu.memref_slice %arg15[%mul3A_22, %dma_wait3A_34] : memref<10000x128xf32, #tpu.memory_space<vmem_shared>> -> memref<624x128xf32, #tpu.memory_space<vmem_shared>>
      tpu.wait_dma2 semaphore(%run_scoped3A : memref<!tpu.dma_semaphore, #tpu.memory_space<semaphore_mem>>) src(%dma_wait3A_35 : memref<624x128xf32, #tpu.memory_space<vmem_shared>>) dst(%dma_wait3A_33 : memref<624x128xf32, #tpu.memory_space<hbm>>)
      tpu.yield
    }) : () -> ()
    %eq3A_25 = arith.constant 15 : i32
    %eq3A_26 = arith.cmpi eq, %arg1, %eq3A_25 : i32
    %convert_element_type3A_27 = arith.extui %eq3A_26 : i1 to i32
    %cond3A_28 = arith.constant 0 : i32
    %cond3A_29 = arith.cmpi ne, %convert_element_type3A_27, %cond3A_28 : i32
    scf.if %cond3A_29 {
      %add3A_30 = arith.constant 9984 : i32
      %add3A_31 = arith.addi %mul3A_0, %add3A_30 : i32
      "tpu.region"() ({
        %run_scoped3A = tpu.sem_alloc : memref<!tpu.dma_semaphore, #tpu.memory_space<semaphore_mem>>
        %dma_start3A = arith.constant 0 : i32
        %dma_start3A_32 = tpu.memref_slice %arg7[%add3A_31, %dma_start3A] : memref<20000x128xf32, #tpu.memory_space<hbm>> -> memref<16x128xf32, #tpu.memory_space<hbm>>
        %dma_start3A_33 = arith.constant 9984 : i32
        %dma_start3A_34 = arith.constant 0 : i32
        %dma_start3A_35 = tpu.memref_slice %arg15[%dma_start3A_33, %dma_start3A_34] : memref<10000x128xf32, #tpu.memory_space<vmem_shared>> -> memref<16x128xf32, #tpu.memory_space<vmem_shared>>
        tpu.enqueue_dma source(%dma_start3A_35 : memref<16x128xf32, #tpu.memory_space<vmem_shared>>) target(%dma_start3A_32 : memref<16x128xf32, #tpu.memory_space<hbm>>) target_semaphore(%run_scoped3A : memref<!tpu.dma_semaphore, #tpu.memory_space<semaphore_mem>>)
        %dma_wait3A = arith.constant 0 : i32
        %dma_wait3A_36 = tpu.memref_slice %arg7[%add3A_31, %dma_wait3A] : memref<20000x128xf32, #tpu.memory_space<hbm>> -> memref<16x128xf32, #tpu.memory_space<hbm>>
        %dma_wait3A_37 = arith.constant 9984 : i32
        %dma_wait3A_38 = arith.constant 0 : i32
        %dma_wait3A_39 = tpu.memref_slice %arg15[%dma_wait3A_37, %dma_wait3A_38] : memref<10000x128xf32, #tpu.memory_space<vmem_shared>> -> memref<16x128xf32, #tpu.memory_space<vmem_shared>>
        tpu.wait_dma2 semaphore(%run_scoped3A : memref<!tpu.dma_semaphore, #tpu.memory_space<semaphore_mem>>) src(%dma_wait3A_39 : memref<16x128xf32, #tpu.memory_space<vmem_shared>>) dst(%dma_wait3A_36 : memref<16x128xf32, #tpu.memory_space<hbm>>)
        tpu.yield
      }) : () -> ()
    } else {
    }
    return
  }
}

#map = affine_map<(d0, d1) -> (0, 0)>
#map1 = affine_map<(d0, d1) -> (0)>
module attributes {stable_mosaic.version = 14 : i64} {
  func.func @_edge_body(%arg0: i32, %arg1: i32, %arg2: memref<20000x128xf32, #tpu.memory_space<hbm>>, %arg3: memref<20000x128xf32, #tpu.memory_space<hbm>>, %arg4: memref<320000x128xf32, #tpu.memory_space<hbm>>, %arg5: memref<160000xi32, #tpu.memory_space<hbm>>, %arg6: memref<160000xi32, #tpu.memory_space<hbm>>, %arg7: memref<20000x128xf32, #tpu.memory_space<hbm>>, %arg8: memref<80xi32, #tpu.memory_space<vmem>>, %arg9: memref<80xi32, #tpu.memory_space<vmem>>, %arg10: memref<80xi32, #tpu.memory_space<vmem>>, %arg11: memref<80x128xf32, #tpu.memory_space<vmem>>, %arg12: memref<80x128xf32, #tpu.memory_space<vmem>>, %arg13: memref<80x128xf32, #tpu.memory_space<vmem>>, %arg14: memref<104x128xf32, #tpu.memory_space<vmem>>, %arg15: memref<10000x128xf32, #tpu.memory_space<vmem_shared>>, %arg16: memref<!tpu.dma_semaphore, #tpu.memory_space<semaphore_mem>>, %arg17: memref<!tpu.dma_semaphore, #tpu.memory_space<semaphore_mem>>, %arg18: memref<!tpu.dma_semaphore, #tpu.memory_space<semaphore_mem>>) attributes {dimension_semantics = [#tpu.dimension_semantics<core_parallel>, #tpu.dimension_semantics<subcore_parallel>], iteration_bounds = array<i64: 2, 16>, scalar_prefetch = 0 : i64, scratch_operands = 11 : i64, tpu.core_type = #tpu.core_type<sc_vector_subcore>, window_params = [{transform_indices = #map}, {transform_indices = #map}, {transform_indices = #map}, {transform_indices = #map1}, {transform_indices = #map1}, {transform_indices = #map}]} {
    %mul3A = arith.constant 10000 : i32
    %mul3A_0 = arith.muli %arg0, %mul3A : i32
    %mul3A_1 = arith.constant 160000 : i32
    %mul3A_2 = arith.muli %arg0, %mul3A_1 : i32
    %broadcast_in_dim3A = arith.constant 0.000000e+00 : f32
    %broadcast_in_dim3A_3 = vector.broadcast %broadcast_in_dim3A : f32 to vector<1x16xf32>
    %scan3A = arith.constant 0 : i32
    %scan3A_4 = arith.constant 104 : i32
    %scan3A_5 = arith.addi %scan3A, %scan3A_4 : i32
    %scan3A_6 = arith.constant 1 : i32
    scf.for %scan3A_30 = %scan3A to %scan3A_5 step %scan3A_6  : i32 {
      %mul3A_31 = arith.constant 1 : i32
      %mul3A_32 = arith.muli %scan3A_30, %mul3A_31 : i32
      %add3A_33 = arith.constant 0 : i32
      %add3A_34 = arith.addi %add3A_33, %mul3A_32 : i32
      %swap3A = arith.index_cast %add3A_34 : i32 to index
      %swap3A_35 = arith.constant 0 : index
      %swap3A_36 = tpu.vector_load %arg14[%swap3A, %swap3A_35] {strides = array<i32>} : memref<104x128xf32, #tpu.memory_space<vmem>>, vector<1x16xf32>,
      %swap3A_37 = vector.shape_cast %swap3A_36 : vector<1x16xf32> to vector<1x16xf32>
      %swap3A_38 = vector.shape_cast %broadcast_in_dim3A_3 : vector<1x16xf32> to vector<1x16xf32>
      tpu.vector_store %arg14[%swap3A, %swap3A_35], %swap3A_38 {strides = array<i32>} : memref<104x128xf32, #tpu.memory_space<vmem>>, vector<1x16xf32>,
      %swap3A_39 = arith.index_cast %add3A_34 : i32 to index
      %swap3A_40 = arith.constant 16 : index
      %swap3A_41 = tpu.vector_load %arg14[%swap3A_39, %swap3A_40] {strides = array<i32>} : memref<104x128xf32, #tpu.memory_space<vmem>>, vector<1x16xf32>,
      %swap3A_42 = vector.shape_cast %swap3A_41 : vector<1x16xf32> to vector<1x16xf32>
      %swap3A_43 = vector.shape_cast %broadcast_in_dim3A_3 : vector<1x16xf32> to vector<1x16xf32>
      tpu.vector_store %arg14[%swap3A_39, %swap3A_40], %swap3A_43 {strides = array<i32>} : memref<104x128xf32, #tpu.memory_space<vmem>>, vector<1x16xf32>,
      %swap3A_44 = arith.index_cast %add3A_34 : i32 to index
      %swap3A_45 = arith.constant 32 : index
      %swap3A_46 = tpu.vector_load %arg14[%swap3A_44, %swap3A_45] {strides = array<i32>} : memref<104x128xf32, #tpu.memory_space<vmem>>, vector<1x16xf32>,
      %swap3A_47 = vector.shape_cast %swap3A_46 : vector<1x16xf32> to vector<1x16xf32>
      %swap3A_48 = vector.shape_cast %broadcast_in_dim3A_3 : vector<1x16xf32> to vector<1x16xf32>
      tpu.vector_store %arg14[%swap3A_44, %swap3A_45], %swap3A_48 {strides = array<i32>} : memref<104x128xf32, #tpu.memory_space<vmem>>, vector<1x16xf32>,
      %swap3A_49 = arith.index_cast %add3A_34 : i32 to index
      %swap3A_50 = arith.constant 48 : index
      %swap3A_51 = tpu.vector_load %arg14[%swap3A_49, %swap3A_50] {strides = array<i32>} : memref<104x128xf32, #tpu.memory_space<vmem>>, vector<1x16xf32>,
      %swap3A_52 = vector.shape_cast %swap3A_51 : vector<1x16xf32> to vector<1x16xf32>
      %swap3A_53 = vector.shape_cast %broadcast_in_dim3A_3 : vector<1x16xf32> to vector<1x16xf32>
      tpu.vector_store %arg14[%swap3A_49, %swap3A_50], %swap3A_53 {strides = array<i32>} : memref<104x128xf32, #tpu.memory_space<vmem>>, vector<1x16xf32>,
      %swap3A_54 = arith.index_cast %add3A_34 : i32 to index
      %swap3A_55 = arith.constant 64 : index
      %swap3A_56 = tpu.vector_load %arg14[%swap3A_54, %swap3A_55] {strides = array<i32>} : memref<104x128xf32, #tpu.memory_space<vmem>>, vector<1x16xf32>,
      %swap3A_57 = vector.shape_cast %swap3A_56 : vector<1x16xf32> to vector<1x16xf32>
      %swap3A_58 = vector.shape_cast %broadcast_in_dim3A_3 : vector<1x16xf32> to vector<1x16xf32>
      tpu.vector_store %arg14[%swap3A_54, %swap3A_55], %swap3A_58 {strides = array<i32>} : memref<104x128xf32, #tpu.memory_space<vmem>>, vector<1x16xf32>,
      %swap3A_59 = arith.index_cast %add3A_34 : i32 to index
      %swap3A_60 = arith.constant 80 : index
      %swap3A_61 = tpu.vector_load %arg14[%swap3A_59, %swap3A_60] {strides = array<i32>} : memref<104x128xf32, #tpu.memory_space<vmem>>, vector<1x16xf32>,
      %swap3A_62 = vector.shape_cast %swap3A_61 : vector<1x16xf32> to vector<1x16xf32>
      %swap3A_63 = vector.shape_cast %broadcast_in_dim3A_3 : vector<1x16xf32> to vector<1x16xf32>
      tpu.vector_store %arg14[%swap3A_59, %swap3A_60], %swap3A_63 {strides = array<i32>} : memref<104x128xf32, #tpu.memory_space<vmem>>, vector<1x16xf32>,
      %swap3A_64 = arith.index_cast %add3A_34 : i32 to index
      %swap3A_65 = arith.constant 96 : index
      %swap3A_66 = tpu.vector_load %arg14[%swap3A_64, %swap3A_65] {strides = array<i32>} : memref<104x128xf32, #tpu.memory_space<vmem>>, vector<1x16xf32>,
      %swap3A_67 = vector.shape_cast %swap3A_66 : vector<1x16xf32> to vector<1x16xf32>
      %swap3A_68 = vector.shape_cast %broadcast_in_dim3A_3 : vector<1x16xf32> to vector<1x16xf32>
      tpu.vector_store %arg14[%swap3A_64, %swap3A_65], %swap3A_68 {strides = array<i32>} : memref<104x128xf32, #tpu.memory_space<vmem>>, vector<1x16xf32>,
      %swap3A_69 = arith.index_cast %add3A_34 : i32 to index
      %swap3A_70 = arith.constant 112 : index
      %swap3A_71 = tpu.vector_load %arg14[%swap3A_69, %swap3A_70] {strides = array<i32>} : memref<104x128xf32, #tpu.memory_space<vmem>>, vector<1x16xf32>,
      %swap3A_72 = vector.shape_cast %swap3A_71 : vector<1x16xf32> to vector<1x16xf32>
      %swap3A_73 = vector.shape_cast %broadcast_in_dim3A_3 : vector<1x16xf32> to vector<1x16xf32>
      tpu.vector_store %arg14[%swap3A_69, %swap3A_70], %swap3A_73 {strides = array<i32>} : memref<104x128xf32, #tpu.memory_space<vmem>>, vector<1x16xf32>,
    }
    %scan3A_7 = arith.constant 104 : i32
    %scan3A_8 = arith.constant 0 : i32
    %scan3A_9 = arith.constant 6 : i32
    %scan3A_10 = arith.addi %scan3A_8, %scan3A_9 : i32
    %scan3A_11 = arith.constant 1 : i32
    scf.for %scan3A_30 = %scan3A_8 to %scan3A_10 step %scan3A_11  : i32 {
      %mul3A_31 = arith.constant 1 : i32
      %mul3A_32 = arith.muli %scan3A_30, %mul3A_31 : i32
      %add3A_33 = arith.constant 0 : i32
      %add3A_34 = arith.addi %add3A_33, %mul3A_32 : i32
      %mul3A_35 = arith.constant 624 : i32
      %mul3A_36 = arith.muli %arg1, %mul3A_35 : i32
      %mul3A_37 = arith.constant 104 : i32
      %mul3A_38 = arith.muli %add3A_34, %mul3A_37 : i32
      %add3A_39 = arith.addi %mul3A_36, %mul3A_38 : i32
      "tpu.region"() ({
        %run_scoped3A = tpu.sem_alloc : memref<!tpu.dma_semaphore, #tpu.memory_space<semaphore_mem>>
        %dma_start3A = arith.constant 0 : i32
        %dma_start3A_40 = tpu.memref_slice %arg15[%add3A_39, %dma_start3A] : memref<10000x128xf32, #tpu.memory_space<vmem_shared>> -> memref<104x128xf32, #tpu.memory_space<vmem_shared>>
        %dma_start3A_41 = arith.constant 0 : i32
        %dma_start3A_42 = tpu.memref_slice %arg15[%add3A_39, %dma_start3A_41] : memref<10000x128xf32, #tpu.memory_space<vmem_shared>> -> memref<104x128xf32, #tpu.memory_space<vmem_shared>>
        tpu.enqueue_dma source(%arg14 : memref<104x128xf32, #tpu.memory_space<vmem>>) target(%dma_start3A_42 : memref<104x128xf32, #tpu.memory_space<vmem_shared>>) target_semaphore(%run_scoped3A : memref<!tpu.dma_semaphore, #tpu.memory_space<semaphore_mem>>)
        %dma_wait3A = arith.constant 0 : i32
        %dma_wait3A_43 = tpu.memref_slice %arg15[%add3A_39, %dma_wait3A] : memref<10000x128xf32, #tpu.memory_space<vmem_shared>> -> memref<104x128xf32, #tpu.memory_space<vmem_shared>>
        %dma_wait3A_44 = arith.constant 0 : i32
        %dma_wait3A_45 = tpu.memref_slice %arg15[%add3A_39, %dma_wait3A_44] : memref<10000x128xf32, #tpu.memory_space<vmem_shared>> -> memref<104x128xf32, #tpu.memory_space<vmem_shared>>
        tpu.wait_dma2 semaphore(%run_scoped3A : memref<!tpu.dma_semaphore, #tpu.memory_space<semaphore_mem>>) src(%arg14 : memref<104x128xf32, #tpu.memory_space<vmem>>) dst(%dma_wait3A_45 : memref<104x128xf32, #tpu.memory_space<vmem_shared>>)
        tpu.yield
      }) : () -> ()
    }
    %scan3A_12 = arith.constant 6 : i32
    %eq3A = arith.constant 15 : i32
    %eq3A_13 = arith.cmpi eq, %arg1, %eq3A : i32
    %convert_element_type3A = arith.extui %eq3A_13 : i1 to i32
    %cond3A = arith.constant 0 : i32
    %cond3A_14 = arith.cmpi ne, %convert_element_type3A, %cond3A : i32
    scf.if %cond3A_14 {
      "tpu.region"() ({
        %run_scoped3A = tpu.sem_alloc : memref<!tpu.dma_semaphore, #tpu.memory_space<semaphore_mem>>
        %dma_start3A = arith.constant 0 : i32
        %dma_start3A_30 = arith.constant 0 : i32
        %dma_start3A_31 = tpu.memref_slice %arg14[%dma_start3A, %dma_start3A_30] : memref<104x128xf32, #tpu.memory_space<vmem>> -> memref<16x128xf32, #tpu.memory_space<vmem>>
        %dma_start3A_32 = arith.constant 9984 : i32
        %dma_start3A_33 = arith.constant 0 : i32
        %dma_start3A_34 = tpu.memref_slice %arg15[%dma_start3A_32, %dma_start3A_33] : memref<10000x128xf32, #tpu.memory_space<vmem_shared>> -> memref<16x128xf32, #tpu.memory_space<vmem_shared>>
        %dma_start3A_35 = arith.constant 9984 : i32
        %dma_start3A_36 = arith.constant 0 : i32
        %dma_start3A_37 = tpu.memref_slice %arg15[%dma_start3A_35, %dma_start3A_36] : memref<10000x128xf32, #tpu.memory_space<vmem_shared>> -> memref<16x128xf32, #tpu.memory_space<vmem_shared>>
        %dma_start3A_38 = arith.constant 0 : i32
        %dma_start3A_39 = arith.constant 0 : i32
        %dma_start3A_40 = tpu.memref_slice %arg14[%dma_start3A_38, %dma_start3A_39] : memref<104x128xf32, #tpu.memory_space<vmem>> -> memref<16x128xf32, #tpu.memory_space<vmem>>
        tpu.enqueue_dma source(%dma_start3A_40 : memref<16x128xf32, #tpu.memory_space<vmem>>) target(%dma_start3A_37 : memref<16x128xf32, #tpu.memory_space<vmem_shared>>) target_semaphore(%run_scoped3A : memref<!tpu.dma_semaphore, #tpu.memory_space<semaphore_mem>>)
        %dma_wait3A = arith.constant 0 : i32
        %dma_wait3A_41 = arith.constant 0 : i32
        %dma_wait3A_42 = tpu.memref_slice %arg14[%dma_wait3A, %dma_wait3A_41] : memref<104x128xf32, #tpu.memory_space<vmem>> -> memref<16x128xf32, #tpu.memory_space<vmem>>
        %dma_wait3A_43 = arith.constant 9984 : i32
        %dma_wait3A_44 = arith.constant 0 : i32
        %dma_wait3A_45 = tpu.memref_slice %arg15[%dma_wait3A_43, %dma_wait3A_44] : memref<10000x128xf32, #tpu.memory_space<vmem_shared>> -> memref<16x128xf32, #tpu.memory_space<vmem_shared>>
        %dma_wait3A_46 = arith.constant 9984 : i32
        %dma_wait3A_47 = arith.constant 0 : i32
        %dma_wait3A_48 = tpu.memref_slice %arg15[%dma_wait3A_46, %dma_wait3A_47] : memref<10000x128xf32, #tpu.memory_space<vmem_shared>> -> memref<16x128xf32, #tpu.memory_space<vmem_shared>>
        %dma_wait3A_49 = arith.constant 0 : i32
        %dma_wait3A_50 = arith.constant 0 : i32
        %dma_wait3A_51 = tpu.memref_slice %arg14[%dma_wait3A_49, %dma_wait3A_50] : memref<104x128xf32, #tpu.memory_space<vmem>> -> memref<16x128xf32, #tpu.memory_space<vmem>>
        tpu.wait_dma2 semaphore(%run_scoped3A : memref<!tpu.dma_semaphore, #tpu.memory_space<semaphore_mem>>) src(%dma_wait3A_51 : memref<16x128xf32, #tpu.memory_space<vmem>>) dst(%dma_wait3A_48 : memref<16x128xf32, #tpu.memory_space<vmem_shared>>)
        tpu.yield
      }) : () -> ()
    } else {
    }
    %barrier3A = arith.constant 0 : index
    tpu.barrier barrier_id(%barrier3A)
    %scan3A_15 = arith.constant 0 : i32
    %scan3A_16 = arith.constant 125 : i32
    %scan3A_17 = arith.addi %scan3A_15, %scan3A_16 : i32
    %scan3A_18 = arith.constant 1 : i32
    scf.for %scan3A_30 = %scan3A_15 to %scan3A_17 step %scan3A_18  : i32 {
      %mul3A_31 = arith.constant 1 : i32
      %mul3A_32 = arith.muli %scan3A_30, %mul3A_31 : i32
      %add3A_33 = arith.constant 0 : i32
      %add3A_34 = arith.addi %add3A_33, %mul3A_32 : i32
      %mul3A_35 = arith.constant 10000 : i32
      %mul3A_36 = arith.muli %arg1, %mul3A_35 : i32
      %mul3A_37 = arith.constant 80 : i32
      %mul3A_38 = arith.muli %add3A_34, %mul3A_37 : i32
      %add3A_39 = arith.addi %mul3A_36, %mul3A_38 : i32
      "tpu.region"() ({
        %run_scoped3A = tpu.sem_alloc : memref<!tpu.dma_semaphore, #tpu.memory_space<semaphore_mem>>
        %dma_start3A_152 = tpu.memref_slice %arg5[%add3A_39] : memref<160000xi32, #tpu.memory_space<hbm>> -> memref<80xi32, #tpu.memory_space<hbm>>
        %dma_start3A_153 = tpu.memref_slice %arg5[%add3A_39] : memref<160000xi32, #tpu.memory_space<hbm>> -> memref<80xi32, #tpu.memory_space<hbm>>
        tpu.enqueue_dma source(%dma_start3A_153 : memref<80xi32, #tpu.memory_space<hbm>>) target(%arg8 : memref<80xi32, #tpu.memory_space<vmem>>) target_semaphore(%run_scoped3A : memref<!tpu.dma_semaphore, #tpu.memory_space<semaphore_mem>>)
        %dma_wait3A_154 = tpu.memref_slice %arg5[%add3A_39] : memref<160000xi32, #tpu.memory_space<hbm>> -> memref<80xi32, #tpu.memory_space<hbm>>
        %dma_wait3A_155 = tpu.memref_slice %arg5[%add3A_39] : memref<160000xi32, #tpu.memory_space<hbm>> -> memref<80xi32, #tpu.memory_space<hbm>>
        tpu.wait_dma2 semaphore(%run_scoped3A : memref<!tpu.dma_semaphore, #tpu.memory_space<semaphore_mem>>) src(%dma_wait3A_155 : memref<80xi32, #tpu.memory_space<hbm>>) dst(%arg8 : memref<80xi32, #tpu.memory_space<vmem>>)
        tpu.yield
      }) : () -> ()
      "tpu.region"() ({
        %run_scoped3A = tpu.sem_alloc : memref<!tpu.dma_semaphore, #tpu.memory_space<semaphore_mem>>
        %dma_start3A_152 = tpu.memref_slice %arg6[%add3A_39] : memref<160000xi32, #tpu.memory_space<hbm>> -> memref<80xi32, #tpu.memory_space<hbm>>
        %dma_start3A_153 = tpu.memref_slice %arg6[%add3A_39] : memref<160000xi32, #tpu.memory_space<hbm>> -> memref<80xi32, #tpu.memory_space<hbm>>
        tpu.enqueue_dma source(%dma_start3A_153 : memref<80xi32, #tpu.memory_space<hbm>>) target(%arg10 : memref<80xi32, #tpu.memory_space<vmem>>) target_semaphore(%run_scoped3A : memref<!tpu.dma_semaphore, #tpu.memory_space<semaphore_mem>>)
        %dma_wait3A_154 = tpu.memref_slice %arg6[%add3A_39] : memref<160000xi32, #tpu.memory_space<hbm>> -> memref<80xi32, #tpu.memory_space<hbm>>
        %dma_wait3A_155 = tpu.memref_slice %arg6[%add3A_39] : memref<160000xi32, #tpu.memory_space<hbm>> -> memref<80xi32, #tpu.memory_space<hbm>>
        tpu.wait_dma2 semaphore(%run_scoped3A : memref<!tpu.dma_semaphore, #tpu.memory_space<semaphore_mem>>) src(%dma_wait3A_155 : memref<80xi32, #tpu.memory_space<hbm>>) dst(%arg10 : memref<80xi32, #tpu.memory_space<vmem>>)
        tpu.yield
      }) : () -> ()
      %get3A = arith.constant 0 : index
      %get3A_40 = tpu.vector_load %arg8[%get3A] {strides = array<i32>} : memref<80xi32, #tpu.memory_space<vmem>>, vector<16xi32>,
      %get3A_41 = vector.shape_cast %get3A_40 : vector<16xi32> to vector<16xi32>
      %add3A_42 = vector.broadcast %mul3A_0 : i32 to vector<16xi32>
      %add3A_43 = arith.addi %get3A_41, %add3A_42 : vector<16xi32>
      %swap3A = arith.constant 0 : index
      %swap3A_44 = tpu.vector_load %arg9[%swap3A] {strides = array<i32>} : memref<80xi32, #tpu.memory_space<vmem>>, vector<16xi32>,
      %swap3A_45 = vector.shape_cast %swap3A_44 : vector<16xi32> to vector<16xi32>
      %swap3A_46 = vector.shape_cast %add3A_43 : vector<16xi32> to vector<16xi32>
      tpu.vector_store %arg9[%swap3A], %swap3A_46 {strides = array<i32>} : memref<80xi32, #tpu.memory_space<vmem>>, vector<16xi32>,
      %get3A_47 = arith.constant 0 : index
      %get3A_48 = tpu.vector_load %arg10[%get3A_47] {strides = array<i32>} : memref<80xi32, #tpu.memory_space<vmem>>, vector<16xi32>,
      %get3A_49 = vector.shape_cast %get3A_48 : vector<16xi32> to vector<16xi32>
      %add3A_50 = vector.broadcast %mul3A_0 : i32 to vector<16xi32>
      %add3A_51 = arith.addi %get3A_49, %add3A_50 : vector<16xi32>
      %swap3A_52 = arith.constant 0 : index
      %swap3A_53 = tpu.vector_load %arg10[%swap3A_52] {strides = array<i32>} : memref<80xi32, #tpu.memory_space<vmem>>, vector<16xi32>,
      %swap3A_54 = vector.shape_cast %swap3A_53 : vector<16xi32> to vector<16xi32>
      %swap3A_55 = vector.shape_cast %add3A_51 : vector<16xi32> to vector<16xi32>
      tpu.vector_store %arg10[%swap3A_52], %swap3A_55 {strides = array<i32>} : memref<80xi32, #tpu.memory_space<vmem>>, vector<16xi32>,
      %get3A_56 = arith.constant 16 : index
      %get3A_57 = tpu.vector_load %arg8[%get3A_56] {strides = array<i32>} : memref<80xi32, #tpu.memory_space<vmem>>, vector<16xi32>,
      %get3A_58 = vector.shape_cast %get3A_57 : vector<16xi32> to vector<16xi32>
      %add3A_59 = vector.broadcast %mul3A_0 : i32 to vector<16xi32>
      %add3A_60 = arith.addi %get3A_58, %add3A_59 : vector<16xi32>
      %swap3A_61 = arith.constant 16 : index
      %swap3A_62 = tpu.vector_load %arg9[%swap3A_61] {strides = array<i32>} : memref<80xi32, #tpu.memory_space<vmem>>, vector<16xi32>,
      %swap3A_63 = vector.shape_cast %swap3A_62 : vector<16xi32> to vector<16xi32>
      %swap3A_64 = vector.shape_cast %add3A_60 : vector<16xi32> to vector<16xi32>
      tpu.vector_store %arg9[%swap3A_61], %swap3A_64 {strides = array<i32>} : memref<80xi32, #tpu.memory_space<vmem>>, vector<16xi32>,
      %get3A_65 = arith.constant 16 : index
      %get3A_66 = tpu.vector_load %arg10[%get3A_65] {strides = array<i32>} : memref<80xi32, #tpu.memory_space<vmem>>, vector<16xi32>,
      %get3A_67 = vector.shape_cast %get3A_66 : vector<16xi32> to vector<16xi32>
      %add3A_68 = vector.broadcast %mul3A_0 : i32 to vector<16xi32>
      %add3A_69 = arith.addi %get3A_67, %add3A_68 : vector<16xi32>
      %swap3A_70 = arith.constant 16 : index
      %swap3A_71 = tpu.vector_load %arg10[%swap3A_70] {strides = array<i32>} : memref<80xi32, #tpu.memory_space<vmem>>, vector<16xi32>,
      %swap3A_72 = vector.shape_cast %swap3A_71 : vector<16xi32> to vector<16xi32>
      %swap3A_73 = vector.shape_cast %add3A_69 : vector<16xi32> to vector<16xi32>
      tpu.vector_store %arg10[%swap3A_70], %swap3A_73 {strides = array<i32>} : memref<80xi32, #tpu.memory_space<vmem>>, vector<16xi32>,
      %get3A_74 = arith.constant 32 : index
      %get3A_75 = tpu.vector_load %arg8[%get3A_74] {strides = array<i32>} : memref<80xi32, #tpu.memory_space<vmem>>, vector<16xi32>,
      %get3A_76 = vector.shape_cast %get3A_75 : vector<16xi32> to vector<16xi32>
      %add3A_77 = vector.broadcast %mul3A_0 : i32 to vector<16xi32>
      %add3A_78 = arith.addi %get3A_76, %add3A_77 : vector<16xi32>
      %swap3A_79 = arith.constant 32 : index
      %swap3A_80 = tpu.vector_load %arg9[%swap3A_79] {strides = array<i32>} : memref<80xi32, #tpu.memory_space<vmem>>, vector<16xi32>,
      %swap3A_81 = vector.shape_cast %swap3A_80 : vector<16xi32> to vector<16xi32>
      %swap3A_82 = vector.shape_cast %add3A_78 : vector<16xi32> to vector<16xi32>
      tpu.vector_store %arg9[%swap3A_79], %swap3A_82 {strides = array<i32>} : memref<80xi32, #tpu.memory_space<vmem>>, vector<16xi32>,
      %get3A_83 = arith.constant 32 : index
      %get3A_84 = tpu.vector_load %arg10[%get3A_83] {strides = array<i32>} : memref<80xi32, #tpu.memory_space<vmem>>, vector<16xi32>,
      %get3A_85 = vector.shape_cast %get3A_84 : vector<16xi32> to vector<16xi32>
      %add3A_86 = vector.broadcast %mul3A_0 : i32 to vector<16xi32>
      %add3A_87 = arith.addi %get3A_85, %add3A_86 : vector<16xi32>
      %swap3A_88 = arith.constant 32 : index
      %swap3A_89 = tpu.vector_load %arg10[%swap3A_88] {strides = array<i32>} : memref<80xi32, #tpu.memory_space<vmem>>, vector<16xi32>,
      %swap3A_90 = vector.shape_cast %swap3A_89 : vector<16xi32> to vector<16xi32>
      %swap3A_91 = vector.shape_cast %add3A_87 : vector<16xi32> to vector<16xi32>
      tpu.vector_store %arg10[%swap3A_88], %swap3A_91 {strides = array<i32>} : memref<80xi32, #tpu.memory_space<vmem>>, vector<16xi32>,
      %get3A_92 = arith.constant 48 : index
      %get3A_93 = tpu.vector_load %arg8[%get3A_92] {strides = array<i32>} : memref<80xi32, #tpu.memory_space<vmem>>, vector<16xi32>,
      %get3A_94 = vector.shape_cast %get3A_93 : vector<16xi32> to vector<16xi32>
      %add3A_95 = vector.broadcast %mul3A_0 : i32 to vector<16xi32>
      %add3A_96 = arith.addi %get3A_94, %add3A_95 : vector<16xi32>
      %swap3A_97 = arith.constant 48 : index
      %swap3A_98 = tpu.vector_load %arg9[%swap3A_97] {strides = array<i32>} : memref<80xi32, #tpu.memory_space<vmem>>, vector<16xi32>,
      %swap3A_99 = vector.shape_cast %swap3A_98 : vector<16xi32> to vector<16xi32>
      %swap3A_100 = vector.shape_cast %add3A_96 : vector<16xi32> to vector<16xi32>
      tpu.vector_store %arg9[%swap3A_97], %swap3A_100 {strides = array<i32>} : memref<80xi32, #tpu.memory_space<vmem>>, vector<16xi32>,
      %get3A_101 = arith.constant 48 : index
      %get3A_102 = tpu.vector_load %arg10[%get3A_101] {strides = array<i32>} : memref<80xi32, #tpu.memory_space<vmem>>, vector<16xi32>,
      %get3A_103 = vector.shape_cast %get3A_102 : vector<16xi32> to vector<16xi32>
      %add3A_104 = vector.broadcast %mul3A_0 : i32 to vector<16xi32>
      %add3A_105 = arith.addi %get3A_103, %add3A_104 : vector<16xi32>
      %swap3A_106 = arith.constant 48 : index
      %swap3A_107 = tpu.vector_load %arg10[%swap3A_106] {strides = array<i32>} : memref<80xi32, #tpu.memory_space<vmem>>, vector<16xi32>,
      %swap3A_108 = vector.shape_cast %swap3A_107 : vector<16xi32> to vector<16xi32>
      %swap3A_109 = vector.shape_cast %add3A_105 : vector<16xi32> to vector<16xi32>
      tpu.vector_store %arg10[%swap3A_106], %swap3A_109 {strides = array<i32>} : memref<80xi32, #tpu.memory_space<vmem>>, vector<16xi32>,
      %get3A_110 = arith.constant 64 : index
      %get3A_111 = tpu.vector_load %arg8[%get3A_110] {strides = array<i32>} : memref<80xi32, #tpu.memory_space<vmem>>, vector<16xi32>,
      %get3A_112 = vector.shape_cast %get3A_111 : vector<16xi32> to vector<16xi32>
      %add3A_113 = vector.broadcast %mul3A_0 : i32 to vector<16xi32>
      %add3A_114 = arith.addi %get3A_112, %add3A_113 : vector<16xi32>
      %swap3A_115 = arith.constant 64 : index
      %swap3A_116 = tpu.vector_load %arg9[%swap3A_115] {strides = array<i32>} : memref<80xi32, #tpu.memory_space<vmem>>, vector<16xi32>,
      %swap3A_117 = vector.shape_cast %swap3A_116 : vector<16xi32> to vector<16xi32>
      %swap3A_118 = vector.shape_cast %add3A_114 : vector<16xi32> to vector<16xi32>
      tpu.vector_store %arg9[%swap3A_115], %swap3A_118 {strides = array<i32>} : memref<80xi32, #tpu.memory_space<vmem>>, vector<16xi32>,
      %get3A_119 = arith.constant 64 : index
      %get3A_120 = tpu.vector_load %arg10[%get3A_119] {strides = array<i32>} : memref<80xi32, #tpu.memory_space<vmem>>, vector<16xi32>,
      %get3A_121 = vector.shape_cast %get3A_120 : vector<16xi32> to vector<16xi32>
      %add3A_122 = vector.broadcast %mul3A_0 : i32 to vector<16xi32>
      %add3A_123 = arith.addi %get3A_121, %add3A_122 : vector<16xi32>
      %swap3A_124 = arith.constant 64 : index
      %swap3A_125 = tpu.vector_load %arg10[%swap3A_124] {strides = array<i32>} : memref<80xi32, #tpu.memory_space<vmem>>, vector<16xi32>,
      %swap3A_126 = vector.shape_cast %swap3A_125 : vector<16xi32> to vector<16xi32>
      %swap3A_127 = vector.shape_cast %add3A_123 : vector<16xi32> to vector<16xi32>
      tpu.vector_store %arg10[%swap3A_124], %swap3A_127 {strides = array<i32>} : memref<80xi32, #tpu.memory_space<vmem>>, vector<16xi32>,
      %dma_start3A = arith.constant 0 : i32
      %dma_start3A_128 = arith.constant 0 : i32
      %dma_start3A_129 = tpu.memref_slice %arg2[%dma_start3A, %dma_start3A_128] : memref<20000x128xf32, #tpu.memory_space<hbm>> -> memref<20000x128xf32, #tpu.memory_space<hbm>>
      tpu.enqueue_indirect_dma source(%dma_start3A_129 : memref<20000x128xf32, #tpu.memory_space<hbm>>) target(%arg11 : memref<80x128xf32, #tpu.memory_space<vmem>>) offsets(%arg9 : memref<80xi32, #tpu.memory_space<vmem>>) semaphore(%arg16 : memref<!tpu.dma_semaphore, #tpu.memory_space<semaphore_mem>>)
      %dma_start3A_130 = arith.constant 0 : i32
      %dma_start3A_131 = arith.constant 0 : i32
      %dma_start3A_132 = tpu.memref_slice %arg3[%dma_start3A_130, %dma_start3A_131] : memref<20000x128xf32, #tpu.memory_space<hbm>> -> memref<20000x128xf32, #tpu.memory_space<hbm>>
      tpu.enqueue_indirect_dma source(%dma_start3A_132 : memref<20000x128xf32, #tpu.memory_space<hbm>>) target(%arg12 : memref<80x128xf32, #tpu.memory_space<vmem>>) offsets(%arg10 : memref<80xi32, #tpu.memory_space<vmem>>) semaphore(%arg17 : memref<!tpu.dma_semaphore, #tpu.memory_space<semaphore_mem>>)
      %add3A_133 = arith.addi %mul3A_2, %add3A_39 : i32
      %dma_start3A_134 = arith.constant 0 : i32
      %dma_start3A_135 = tpu.memref_slice %arg4[%add3A_133, %dma_start3A_134] : memref<320000x128xf32, #tpu.memory_space<hbm>> -> memref<80x128xf32, #tpu.memory_space<hbm>>
      %dma_start3A_136 = arith.constant 0 : i32
      %dma_start3A_137 = tpu.memref_slice %arg4[%add3A_133, %dma_start3A_136] : memref<320000x128xf32, #tpu.memory_space<hbm>> -> memref<80x128xf32, #tpu.memory_space<hbm>>
      tpu.enqueue_dma source(%dma_start3A_137 : memref<80x128xf32, #tpu.memory_space<hbm>>) target(%arg13 : memref<80x128xf32, #tpu.memory_space<vmem>>) target_semaphore(%arg18 : memref<!tpu.dma_semaphore, #tpu.memory_space<semaphore_mem>>)
      %dma_wait3A = arith.constant 0 : i32
      %dma_wait3A_138 = arith.constant 0 : i32
      %dma_wait3A_139 = tpu.memref_slice %arg2[%dma_wait3A, %dma_wait3A_138] : memref<20000x128xf32, #tpu.memory_space<hbm>> -> memref<20000x128xf32, #tpu.memory_space<hbm>>
      tpu.wait_indirect_dma semaphore(%arg16 : memref<!tpu.dma_semaphore, #tpu.memory_space<semaphore_mem>>) src(%dma_wait3A_139 : memref<20000x128xf32, #tpu.memory_space<hbm>>) dst(%arg11 : memref<80x128xf32, #tpu.memory_space<vmem>>)
      %dma_wait3A_140 = arith.constant 0 : i32
      %dma_wait3A_141 = arith.constant 0 : i32
      %dma_wait3A_142 = tpu.memref_slice %arg3[%dma_wait3A_140, %dma_wait3A_141] : memref<20000x128xf32, #tpu.memory_space<hbm>> -> memref<20000x128xf32, #tpu.memory_space<hbm>>
      tpu.wait_indirect_dma semaphore(%arg17 : memref<!tpu.dma_semaphore, #tpu.memory_space<semaphore_mem>>) src(%dma_wait3A_142 : memref<20000x128xf32, #tpu.memory_space<hbm>>) dst(%arg12 : memref<80x128xf32, #tpu.memory_space<vmem>>)
      %dma_wait3A_143 = arith.constant 0 : i32
      %dma_wait3A_144 = tpu.memref_slice %arg4[%add3A_133, %dma_wait3A_143] : memref<320000x128xf32, #tpu.memory_space<hbm>> -> memref<80x128xf32, #tpu.memory_space<hbm>>
      %dma_wait3A_145 = arith.constant 0 : i32
      %dma_wait3A_146 = tpu.memref_slice %arg4[%add3A_133, %dma_wait3A_145] : memref<320000x128xf32, #tpu.memory_space<hbm>> -> memref<80x128xf32, #tpu.memory_space<hbm>>
      tpu.wait_dma2 semaphore(%arg18 : memref<!tpu.dma_semaphore, #tpu.memory_space<semaphore_mem>>) src(%dma_wait3A_146 : memref<80x128xf32, #tpu.memory_space<hbm>>) dst(%arg13 : memref<80x128xf32, #tpu.memory_space<vmem>>)
      %scan3A_147 = arith.constant 0 : i32
      %scan3A_148 = arith.constant 80 : i32
      %scan3A_149 = arith.addi %scan3A_147, %scan3A_148 : i32
      %scan3A_150 = arith.constant 1 : i32
      scf.for %scan3A_152 = %scan3A_147 to %scan3A_149 step %scan3A_150  : i32 {
        %mul3A_153 = arith.constant 1 : i32
        %mul3A_154 = arith.muli %scan3A_152, %mul3A_153 : i32
        %add3A_155 = arith.constant 0 : i32
        %add3A_156 = arith.addi %add3A_155, %mul3A_154 : i32
        %get3A_157 = arith.index_cast %add3A_156 : i32 to index
        %get3A_158 = arith.constant 0 : index
        %get3A_159 = tpu.vector_load %arg11[%get3A_157, %get3A_158] {strides = array<i32>} : memref<80x128xf32, #tpu.memory_space<vmem>>, vector<1x16xf32>,
        %get3A_160 = vector.shape_cast %get3A_159 : vector<1x16xf32> to vector<1x16xf32>
        %get3A_161 = arith.index_cast %add3A_156 : i32 to index
        %get3A_162 = arith.constant 0 : index
        %get3A_163 = tpu.vector_load %arg12[%get3A_161, %get3A_162] {strides = array<i32>} : memref<80x128xf32, #tpu.memory_space<vmem>>, vector<1x16xf32>,
        %get3A_164 = vector.shape_cast %get3A_163 : vector<1x16xf32> to vector<1x16xf32>
        %add3A_165 = arith.addf %get3A_160, %get3A_164 : vector<1x16xf32>
        %get3A_166 = arith.index_cast %add3A_156 : i32 to index
        %get3A_167 = arith.constant 0 : index
        %get3A_168 = tpu.vector_load %arg13[%get3A_166, %get3A_167] {strides = array<i32>} : memref<80x128xf32, #tpu.memory_space<vmem>>, vector<1x16xf32>,
        %get3A_169 = vector.shape_cast %get3A_168 : vector<1x16xf32> to vector<1x16xf32>
        %add3A_170 = arith.addf %add3A_165, %get3A_169 : vector<1x16xf32>
        %max3A = arith.constant 0.000000e+00 : f32
        %max3A_171 = vector.broadcast %max3A : f32 to vector<1x16xf32>
        %max3A_172 = arith.maximumf %add3A_170, %max3A_171 : vector<1x16xf32>
        %convert_element_type3A_173 = arith.truncf %max3A_172 : vector<1x16xf32> to vector<1x16xbf16>
        %convert_element_type3A_174 = arith.extf %convert_element_type3A_173 : vector<1x16xbf16> to vector<1x16xf32>
        %swap3A_175 = arith.index_cast %add3A_156 : i32 to index
        %swap3A_176 = arith.constant 0 : index
        %swap3A_177 = tpu.vector_load %arg11[%swap3A_175, %swap3A_176] {strides = array<i32>} : memref<80x128xf32, #tpu.memory_space<vmem>>, vector<1x16xf32>,
        %swap3A_178 = vector.shape_cast %swap3A_177 : vector<1x16xf32> to vector<1x16xf32>
        %swap3A_179 = vector.shape_cast %convert_element_type3A_174 : vector<1x16xf32> to vector<1x16xf32>
        tpu.vector_store %arg11[%swap3A_175, %swap3A_176], %swap3A_179 {strides = array<i32>} : memref<80x128xf32, #tpu.memory_space<vmem>>, vector<1x16xf32>,
        %get3A_180 = arith.index_cast %add3A_156 : i32 to index
        %get3A_181 = arith.constant 16 : index
        %get3A_182 = tpu.vector_load %arg11[%get3A_180, %get3A_181] {strides = array<i32>} : memref<80x128xf32, #tpu.memory_space<vmem>>, vector<1x16xf32>,
        %get3A_183 = vector.shape_cast %get3A_182 : vector<1x16xf32> to vector<1x16xf32>
        %get3A_184 = arith.index_cast %add3A_156 : i32 to index
        %get3A_185 = arith.constant 16 : index
        %get3A_186 = tpu.vector_load %arg12[%get3A_184, %get3A_185] {strides = array<i32>} : memref<80x128xf32, #tpu.memory_space<vmem>>, vector<1x16xf32>,
        %get3A_187 = vector.shape_cast %get3A_186 : vector<1x16xf32> to vector<1x16xf32>
        %add3A_188 = arith.addf %get3A_183, %get3A_187 : vector<1x16xf32>
        %get3A_189 = arith.index_cast %add3A_156 : i32 to index
        %get3A_190 = arith.constant 16 : index
        %get3A_191 = tpu.vector_load %arg13[%get3A_189, %get3A_190] {strides = array<i32>} : memref<80x128xf32, #tpu.memory_space<vmem>>, vector<1x16xf32>,
        %get3A_192 = vector.shape_cast %get3A_191 : vector<1x16xf32> to vector<1x16xf32>
        %add3A_193 = arith.addf %add3A_188, %get3A_192 : vector<1x16xf32>
        %max3A_194 = arith.constant 0.000000e+00 : f32
        %max3A_195 = vector.broadcast %max3A_194 : f32 to vector<1x16xf32>
        %max3A_196 = arith.maximumf %add3A_193, %max3A_195 : vector<1x16xf32>
        %convert_element_type3A_197 = arith.truncf %max3A_196 : vector<1x16xf32> to vector<1x16xbf16>
        %convert_element_type3A_198 = arith.extf %convert_element_type3A_197 : vector<1x16xbf16> to vector<1x16xf32>
        %swap3A_199 = arith.index_cast %add3A_156 : i32 to index
        %swap3A_200 = arith.constant 16 : index
        %swap3A_201 = tpu.vector_load %arg11[%swap3A_199, %swap3A_200] {strides = array<i32>} : memref<80x128xf32, #tpu.memory_space<vmem>>, vector<1x16xf32>,
        %swap3A_202 = vector.shape_cast %swap3A_201 : vector<1x16xf32> to vector<1x16xf32>
        %swap3A_203 = vector.shape_cast %convert_element_type3A_198 : vector<1x16xf32> to vector<1x16xf32>
        tpu.vector_store %arg11[%swap3A_199, %swap3A_200], %swap3A_203 {strides = array<i32>} : memref<80x128xf32, #tpu.memory_space<vmem>>, vector<1x16xf32>,
        %get3A_204 = arith.index_cast %add3A_156 : i32 to index
        %get3A_205 = arith.constant 32 : index
        %get3A_206 = tpu.vector_load %arg11[%get3A_204, %get3A_205] {strides = array<i32>} : memref<80x128xf32, #tpu.memory_space<vmem>>, vector<1x16xf32>,
        %get3A_207 = vector.shape_cast %get3A_206 : vector<1x16xf32> to vector<1x16xf32>
        %get3A_208 = arith.index_cast %add3A_156 : i32 to index
        %get3A_209 = arith.constant 32 : index
        %get3A_210 = tpu.vector_load %arg12[%get3A_208, %get3A_209] {strides = array<i32>} : memref<80x128xf32, #tpu.memory_space<vmem>>, vector<1x16xf32>,
        %get3A_211 = vector.shape_cast %get3A_210 : vector<1x16xf32> to vector<1x16xf32>
        %add3A_212 = arith.addf %get3A_207, %get3A_211 : vector<1x16xf32>
        %get3A_213 = arith.index_cast %add3A_156 : i32 to index
        %get3A_214 = arith.constant 32 : index
        %get3A_215 = tpu.vector_load %arg13[%get3A_213, %get3A_214] {strides = array<i32>} : memref<80x128xf32, #tpu.memory_space<vmem>>, vector<1x16xf32>,
        %get3A_216 = vector.shape_cast %get3A_215 : vector<1x16xf32> to vector<1x16xf32>
        %add3A_217 = arith.addf %add3A_212, %get3A_216 : vector<1x16xf32>
        %max3A_218 = arith.constant 0.000000e+00 : f32
        %max3A_219 = vector.broadcast %max3A_218 : f32 to vector<1x16xf32>
        %max3A_220 = arith.maximumf %add3A_217, %max3A_219 : vector<1x16xf32>
        %convert_element_type3A_221 = arith.truncf %max3A_220 : vector<1x16xf32> to vector<1x16xbf16>
        %convert_element_type3A_222 = arith.extf %convert_element_type3A_221 : vector<1x16xbf16> to vector<1x16xf32>
        %swap3A_223 = arith.index_cast %add3A_156 : i32 to index
        %swap3A_224 = arith.constant 32 : index
        %swap3A_225 = tpu.vector_load %arg11[%swap3A_223, %swap3A_224] {strides = array<i32>} : memref<80x128xf32, #tpu.memory_space<vmem>>, vector<1x16xf32>,
        %swap3A_226 = vector.shape_cast %swap3A_225 : vector<1x16xf32> to vector<1x16xf32>
        %swap3A_227 = vector.shape_cast %convert_element_type3A_222 : vector<1x16xf32> to vector<1x16xf32>
        tpu.vector_store %arg11[%swap3A_223, %swap3A_224], %swap3A_227 {strides = array<i32>} : memref<80x128xf32, #tpu.memory_space<vmem>>, vector<1x16xf32>,
        %get3A_228 = arith.index_cast %add3A_156 : i32 to index
        %get3A_229 = arith.constant 48 : index
        %get3A_230 = tpu.vector_load %arg11[%get3A_228, %get3A_229] {strides = array<i32>} : memref<80x128xf32, #tpu.memory_space<vmem>>, vector<1x16xf32>,
        %get3A_231 = vector.shape_cast %get3A_230 : vector<1x16xf32> to vector<1x16xf32>
        %get3A_232 = arith.index_cast %add3A_156 : i32 to index
        %get3A_233 = arith.constant 48 : index
        %get3A_234 = tpu.vector_load %arg12[%get3A_232, %get3A_233] {strides = array<i32>} : memref<80x128xf32, #tpu.memory_space<vmem>>, vector<1x16xf32>,
        %get3A_235 = vector.shape_cast %get3A_234 : vector<1x16xf32> to vector<1x16xf32>
        %add3A_236 = arith.addf %get3A_231, %get3A_235 : vector<1x16xf32>
        %get3A_237 = arith.index_cast %add3A_156 : i32 to index
        %get3A_238 = arith.constant 48 : index
        %get3A_239 = tpu.vector_load %arg13[%get3A_237, %get3A_238] {strides = array<i32>} : memref<80x128xf32, #tpu.memory_space<vmem>>, vector<1x16xf32>,
        %get3A_240 = vector.shape_cast %get3A_239 : vector<1x16xf32> to vector<1x16xf32>
        %add3A_241 = arith.addf %add3A_236, %get3A_240 : vector<1x16xf32>
        %max3A_242 = arith.constant 0.000000e+00 : f32
        %max3A_243 = vector.broadcast %max3A_242 : f32 to vector<1x16xf32>
        %max3A_244 = arith.maximumf %add3A_241, %max3A_243 : vector<1x16xf32>
        %convert_element_type3A_245 = arith.truncf %max3A_244 : vector<1x16xf32> to vector<1x16xbf16>
        %convert_element_type3A_246 = arith.extf %convert_element_type3A_245 : vector<1x16xbf16> to vector<1x16xf32>
        %swap3A_247 = arith.index_cast %add3A_156 : i32 to index
        %swap3A_248 = arith.constant 48 : index
        %swap3A_249 = tpu.vector_load %arg11[%swap3A_247, %swap3A_248] {strides = array<i32>} : memref<80x128xf32, #tpu.memory_space<vmem>>, vector<1x16xf32>,
        %swap3A_250 = vector.shape_cast %swap3A_249 : vector<1x16xf32> to vector<1x16xf32>
        %swap3A_251 = vector.shape_cast %convert_element_type3A_246 : vector<1x16xf32> to vector<1x16xf32>
        tpu.vector_store %arg11[%swap3A_247, %swap3A_248], %swap3A_251 {strides = array<i32>} : memref<80x128xf32, #tpu.memory_space<vmem>>, vector<1x16xf32>,
        %get3A_252 = arith.index_cast %add3A_156 : i32 to index
        %get3A_253 = arith.constant 64 : index
        %get3A_254 = tpu.vector_load %arg11[%get3A_252, %get3A_253] {strides = array<i32>} : memref<80x128xf32, #tpu.memory_space<vmem>>, vector<1x16xf32>,
        %get3A_255 = vector.shape_cast %get3A_254 : vector<1x16xf32> to vector<1x16xf32>
        %get3A_256 = arith.index_cast %add3A_156 : i32 to index
        %get3A_257 = arith.constant 64 : index
        %get3A_258 = tpu.vector_load %arg12[%get3A_256, %get3A_257] {strides = array<i32>} : memref<80x128xf32, #tpu.memory_space<vmem>>, vector<1x16xf32>,
        %get3A_259 = vector.shape_cast %get3A_258 : vector<1x16xf32> to vector<1x16xf32>
        %add3A_260 = arith.addf %get3A_255, %get3A_259 : vector<1x16xf32>
        %get3A_261 = arith.index_cast %add3A_156 : i32 to index
        %get3A_262 = arith.constant 64 : index
        %get3A_263 = tpu.vector_load %arg13[%get3A_261, %get3A_262] {strides = array<i32>} : memref<80x128xf32, #tpu.memory_space<vmem>>, vector<1x16xf32>,
        %get3A_264 = vector.shape_cast %get3A_263 : vector<1x16xf32> to vector<1x16xf32>
        %add3A_265 = arith.addf %add3A_260, %get3A_264 : vector<1x16xf32>
        %max3A_266 = arith.constant 0.000000e+00 : f32
        %max3A_267 = vector.broadcast %max3A_266 : f32 to vector<1x16xf32>
        %max3A_268 = arith.maximumf %add3A_265, %max3A_267 : vector<1x16xf32>
        %convert_element_type3A_269 = arith.truncf %max3A_268 : vector<1x16xf32> to vector<1x16xbf16>
        %convert_element_type3A_270 = arith.extf %convert_element_type3A_269 : vector<1x16xbf16> to vector<1x16xf32>
        %swap3A_271 = arith.index_cast %add3A_156 : i32 to index
        %swap3A_272 = arith.constant 64 : index
        %swap3A_273 = tpu.vector_load %arg11[%swap3A_271, %swap3A_272] {strides = array<i32>} : memref<80x128xf32, #tpu.memory_space<vmem>>, vector<1x16xf32>,
        %swap3A_274 = vector.shape_cast %swap3A_273 : vector<1x16xf32> to vector<1x16xf32>
        %swap3A_275 = vector.shape_cast %convert_element_type3A_270 : vector<1x16xf32> to vector<1x16xf32>
        tpu.vector_store %arg11[%swap3A_271, %swap3A_272], %swap3A_275 {strides = array<i32>} : memref<80x128xf32, #tpu.memory_space<vmem>>, vector<1x16xf32>,
        %get3A_276 = arith.index_cast %add3A_156 : i32 to index
        %get3A_277 = arith.constant 80 : index
        %get3A_278 = tpu.vector_load %arg11[%get3A_276, %get3A_277] {strides = array<i32>} : memref<80x128xf32, #tpu.memory_space<vmem>>, vector<1x16xf32>,
        %get3A_279 = vector.shape_cast %get3A_278 : vector<1x16xf32> to vector<1x16xf32>
        %get3A_280 = arith.index_cast %add3A_156 : i32 to index
        %get3A_281 = arith.constant 80 : index
        %get3A_282 = tpu.vector_load %arg12[%get3A_280, %get3A_281] {strides = array<i32>} : memref<80x128xf32, #tpu.memory_space<vmem>>, vector<1x16xf32>,
        %get3A_283 = vector.shape_cast %get3A_282 : vector<1x16xf32> to vector<1x16xf32>
        %add3A_284 = arith.addf %get3A_279, %get3A_283 : vector<1x16xf32>
        %get3A_285 = arith.index_cast %add3A_156 : i32 to index
        %get3A_286 = arith.constant 80 : index
        %get3A_287 = tpu.vector_load %arg13[%get3A_285, %get3A_286] {strides = array<i32>} : memref<80x128xf32, #tpu.memory_space<vmem>>, vector<1x16xf32>,
        %get3A_288 = vector.shape_cast %get3A_287 : vector<1x16xf32> to vector<1x16xf32>
        %add3A_289 = arith.addf %add3A_284, %get3A_288 : vector<1x16xf32>
        %max3A_290 = arith.constant 0.000000e+00 : f32
        %max3A_291 = vector.broadcast %max3A_290 : f32 to vector<1x16xf32>
        %max3A_292 = arith.maximumf %add3A_289, %max3A_291 : vector<1x16xf32>
        %convert_element_type3A_293 = arith.truncf %max3A_292 : vector<1x16xf32> to vector<1x16xbf16>
        %convert_element_type3A_294 = arith.extf %convert_element_type3A_293 : vector<1x16xbf16> to vector<1x16xf32>
        %swap3A_295 = arith.index_cast %add3A_156 : i32 to index
        %swap3A_296 = arith.constant 80 : index
        %swap3A_297 = tpu.vector_load %arg11[%swap3A_295, %swap3A_296] {strides = array<i32>} : memref<80x128xf32, #tpu.memory_space<vmem>>, vector<1x16xf32>,
        %swap3A_298 = vector.shape_cast %swap3A_297 : vector<1x16xf32> to vector<1x16xf32>
        %swap3A_299 = vector.shape_cast %convert_element_type3A_294 : vector<1x16xf32> to vector<1x16xf32>
        tpu.vector_store %arg11[%swap3A_295, %swap3A_296], %swap3A_299 {strides = array<i32>} : memref<80x128xf32, #tpu.memory_space<vmem>>, vector<1x16xf32>,
        %get3A_300 = arith.index_cast %add3A_156 : i32 to index
        %get3A_301 = arith.constant 96 : index
        %get3A_302 = tpu.vector_load %arg11[%get3A_300, %get3A_301] {strides = array<i32>} : memref<80x128xf32, #tpu.memory_space<vmem>>, vector<1x16xf32>,
        %get3A_303 = vector.shape_cast %get3A_302 : vector<1x16xf32> to vector<1x16xf32>
        %get3A_304 = arith.index_cast %add3A_156 : i32 to index
        %get3A_305 = arith.constant 96 : index
        %get3A_306 = tpu.vector_load %arg12[%get3A_304, %get3A_305] {strides = array<i32>} : memref<80x128xf32, #tpu.memory_space<vmem>>, vector<1x16xf32>,
        %get3A_307 = vector.shape_cast %get3A_306 : vector<1x16xf32> to vector<1x16xf32>
        %add3A_308 = arith.addf %get3A_303, %get3A_307 : vector<1x16xf32>
        %get3A_309 = arith.index_cast %add3A_156 : i32 to index
        %get3A_310 = arith.constant 96 : index
        %get3A_311 = tpu.vector_load %arg13[%get3A_309, %get3A_310] {strides = array<i32>} : memref<80x128xf32, #tpu.memory_space<vmem>>, vector<1x16xf32>,
        %get3A_312 = vector.shape_cast %get3A_311 : vector<1x16xf32> to vector<1x16xf32>
        %add3A_313 = arith.addf %add3A_308, %get3A_312 : vector<1x16xf32>
        %max3A_314 = arith.constant 0.000000e+00 : f32
        %max3A_315 = vector.broadcast %max3A_314 : f32 to vector<1x16xf32>
        %max3A_316 = arith.maximumf %add3A_313, %max3A_315 : vector<1x16xf32>
        %convert_element_type3A_317 = arith.truncf %max3A_316 : vector<1x16xf32> to vector<1x16xbf16>
        %convert_element_type3A_318 = arith.extf %convert_element_type3A_317 : vector<1x16xbf16> to vector<1x16xf32>
        %swap3A_319 = arith.index_cast %add3A_156 : i32 to index
        %swap3A_320 = arith.constant 96 : index
        %swap3A_321 = tpu.vector_load %arg11[%swap3A_319, %swap3A_320] {strides = array<i32>} : memref<80x128xf32, #tpu.memory_space<vmem>>, vector<1x16xf32>,
        %swap3A_322 = vector.shape_cast %swap3A_321 : vector<1x16xf32> to vector<1x16xf32>
        %swap3A_323 = vector.shape_cast %convert_element_type3A_318 : vector<1x16xf32> to vector<1x16xf32>
        tpu.vector_store %arg11[%swap3A_319, %swap3A_320], %swap3A_323 {strides = array<i32>} : memref<80x128xf32, #tpu.memory_space<vmem>>, vector<1x16xf32>,
        %get3A_324 = arith.index_cast %add3A_156 : i32 to index
        %get3A_325 = arith.constant 112 : index
        %get3A_326 = tpu.vector_load %arg11[%get3A_324, %get3A_325] {strides = array<i32>} : memref<80x128xf32, #tpu.memory_space<vmem>>, vector<1x16xf32>,
        %get3A_327 = vector.shape_cast %get3A_326 : vector<1x16xf32> to vector<1x16xf32>
        %get3A_328 = arith.index_cast %add3A_156 : i32 to index
        %get3A_329 = arith.constant 112 : index
        %get3A_330 = tpu.vector_load %arg12[%get3A_328, %get3A_329] {strides = array<i32>} : memref<80x128xf32, #tpu.memory_space<vmem>>, vector<1x16xf32>,
        %get3A_331 = vector.shape_cast %get3A_330 : vector<1x16xf32> to vector<1x16xf32>
        %add3A_332 = arith.addf %get3A_327, %get3A_331 : vector<1x16xf32>
        %get3A_333 = arith.index_cast %add3A_156 : i32 to index
        %get3A_334 = arith.constant 112 : index
        %get3A_335 = tpu.vector_load %arg13[%get3A_333, %get3A_334] {strides = array<i32>} : memref<80x128xf32, #tpu.memory_space<vmem>>, vector<1x16xf32>,
        %get3A_336 = vector.shape_cast %get3A_335 : vector<1x16xf32> to vector<1x16xf32>
        %add3A_337 = arith.addf %add3A_332, %get3A_336 : vector<1x16xf32>
        %max3A_338 = arith.constant 0.000000e+00 : f32
        %max3A_339 = vector.broadcast %max3A_338 : f32 to vector<1x16xf32>
        %max3A_340 = arith.maximumf %add3A_337, %max3A_339 : vector<1x16xf32>
        %convert_element_type3A_341 = arith.truncf %max3A_340 : vector<1x16xf32> to vector<1x16xbf16>
        %convert_element_type3A_342 = arith.extf %convert_element_type3A_341 : vector<1x16xbf16> to vector<1x16xf32>
        %swap3A_343 = arith.index_cast %add3A_156 : i32 to index
        %swap3A_344 = arith.constant 112 : index
        %swap3A_345 = tpu.vector_load %arg11[%swap3A_343, %swap3A_344] {strides = array<i32>} : memref<80x128xf32, #tpu.memory_space<vmem>>, vector<1x16xf32>,
        %swap3A_346 = vector.shape_cast %swap3A_345 : vector<1x16xf32> to vector<1x16xf32>
        %swap3A_347 = vector.shape_cast %convert_element_type3A_342 : vector<1x16xf32> to vector<1x16xf32>
        tpu.vector_store %arg11[%swap3A_343, %swap3A_344], %swap3A_347 {strides = array<i32>} : memref<80x128xf32, #tpu.memory_space<vmem>>, vector<1x16xf32>,
      }
      %scan3A_151 = arith.constant 80 : i32
      "tpu.region"() ({
        %run_scoped3A = tpu.sem_alloc : memref<!tpu.dma_semaphore, #tpu.memory_space<semaphore_mem>>
        %dma_start3A_152 = arith.constant 0 : i32
        %dma_start3A_153 = arith.constant 0 : i32
        %dma_start3A_154 = tpu.memref_slice %arg15[%dma_start3A_152, %dma_start3A_153] : memref<10000x128xf32, #tpu.memory_space<vmem_shared>> -> memref<10000x128xf32, #tpu.memory_space<vmem_shared>>
        tpu.enqueue_indirect_dma source(%arg11 : memref<80x128xf32, #tpu.memory_space<vmem>>) target(%dma_start3A_154 : memref<10000x128xf32, #tpu.memory_space<vmem_shared>>) offsets(%arg8 : memref<80xi32, #tpu.memory_space<vmem>>) semaphore(%run_scoped3A : memref<!tpu.dma_semaphore, #tpu.memory_space<semaphore_mem>>) {add = true}
        %dma_wait3A_155 = arith.constant 0 : i32
        %dma_wait3A_156 = arith.constant 0 : i32
        %dma_wait3A_157 = tpu.memref_slice %arg15[%dma_wait3A_155, %dma_wait3A_156] : memref<10000x128xf32, #tpu.memory_space<vmem_shared>> -> memref<10000x128xf32, #tpu.memory_space<vmem_shared>>
        tpu.wait_indirect_dma semaphore(%run_scoped3A : memref<!tpu.dma_semaphore, #tpu.memory_space<semaphore_mem>>) src(%arg11 : memref<80x128xf32, #tpu.memory_space<vmem>>) dst(%dma_wait3A_157 : memref<10000x128xf32, #tpu.memory_space<vmem_shared>>)
        tpu.yield
      }) : () -> ()
    }
    %scan3A_19 = arith.constant 125 : i32
    %barrier3A_20 = arith.constant 0 : index
    tpu.barrier barrier_id(%barrier3A_20)
    %mul3A_21 = arith.constant 624 : i32
    %mul3A_22 = arith.muli %arg1, %mul3A_21 : i32
    %mul3A_23 = arith.constant 624 : i32
    %mul3A_24 = arith.muli %arg1, %mul3A_23 : i32
    %add3A = arith.addi %mul3A_0, %mul3A_24 : i32
    "tpu.region"() ({
      %run_scoped3A = tpu.sem_alloc : memref<!tpu.dma_semaphore, #tpu.memory_space<semaphore_mem>>
      %dma_start3A = arith.constant 0 : i32
      %dma_start3A_30 = tpu.memref_slice %arg7[%add3A, %dma_start3A] : memref<20000x128xf32, #tpu.memory_space<hbm>> -> memref<624x128xf32, #tpu.memory_space<hbm>>
      %dma_start3A_31 = arith.constant 0 : i32
      %dma_start3A_32 = tpu.memref_slice %arg15[%mul3A_22, %dma_start3A_31] : memref<10000x128xf32, #tpu.memory_space<vmem_shared>> -> memref<624x128xf32, #tpu.memory_space<vmem_shared>>
      tpu.enqueue_dma source(%dma_start3A_32 : memref<624x128xf32, #tpu.memory_space<vmem_shared>>) target(%dma_start3A_30 : memref<624x128xf32, #tpu.memory_space<hbm>>) target_semaphore(%run_scoped3A : memref<!tpu.dma_semaphore, #tpu.memory_space<semaphore_mem>>)
      %dma_wait3A = arith.constant 0 : i32
      %dma_wait3A_33 = tpu.memref_slice %arg7[%add3A, %dma_wait3A] : memref<20000x128xf32, #tpu.memory_space<hbm>> -> memref<624x128xf32, #tpu.memory_space<hbm>>
      %dma_wait3A_34 = arith.constant 0 : i32
      %dma_wait3A_35 = tpu.memref_slice %arg15[%mul3A_22, %dma_wait3A_34] : memref<10000x128xf32, #tpu.memory_space<vmem_shared>> -> memref<624x128xf32, #tpu.memory_space<vmem_shared>>
      tpu.wait_dma2 semaphore(%run_scoped3A : memref<!tpu.dma_semaphore, #tpu.memory_space<semaphore_mem>>) src(%dma_wait3A_35 : memref<624x128xf32, #tpu.memory_space<vmem_shared>>) dst(%dma_wait3A_33 : memref<624x128xf32, #tpu.memory_space<hbm>>)
      tpu.yield
    }) : () -> ()
    %eq3A_25 = arith.constant 15 : i32
    %eq3A_26 = arith.cmpi eq, %arg1, %eq3A_25 : i32
    %convert_element_type3A_27 = arith.extui %eq3A_26 : i1 to i32
    %cond3A_28 = arith.constant 0 : i32
    %cond3A_29 = arith.cmpi ne, %convert_element_type3A_27, %cond3A_28 : i32
    scf.if %cond3A_29 {
      %add3A_30 = arith.constant 9984 : i32
      %add3A_31 = arith.addi %mul3A_0, %add3A_30 : i32
      "tpu.region"() ({
        %run_scoped3A = tpu.sem_alloc : memref<!tpu.dma_semaphore, #tpu.memory_space<semaphore_mem>>
        %dma_start3A = arith.constant 0 : i32
        %dma_start3A_32 = tpu.memref_slice %arg7[%add3A_31, %dma_start3A] : memref<20000x128xf32, #tpu.memory_space<hbm>> -> memref<16x128xf32, #tpu.memory_space<hbm>>
        %dma_start3A_33 = arith.constant 9984 : i32
        %dma_start3A_34 = arith.constant 0 : i32
        %dma_start3A_35 = tpu.memref_slice %arg15[%dma_start3A_33, %dma_start3A_34] : memref<10000x128xf32, #tpu.memory_space<vmem_shared>> -> memref<16x128xf32, #tpu.memory_space<vmem_shared>>
        tpu.enqueue_dma source(%dma_start3A_35 : memref<16x128xf32, #tpu.memory_space<vmem_shared>>) target(%dma_start3A_32 : memref<16x128xf32, #tpu.memory_space<hbm>>) target_semaphore(%run_scoped3A : memref<!tpu.dma_semaphore, #tpu.memory_space<semaphore_mem>>)
        %dma_wait3A = arith.constant 0 : i32
        %dma_wait3A_36 = tpu.memref_slice %arg7[%add3A_31, %dma_wait3A] : memref<20000x128xf32, #tpu.memory_space<hbm>> -> memref<16x128xf32, #tpu.memory_space<hbm>>
        %dma_wait3A_37 = arith.constant 9984 : i32
        %dma_wait3A_38 = arith.constant 0 : i32
        %dma_wait3A_39 = tpu.memref_slice %arg15[%dma_wait3A_37, %dma_wait3A_38] : memref<10000x128xf32, #tpu.memory_space<vmem_shared>> -> memref<16x128xf32, #tpu.memory_space<vmem_shared>>
        tpu.wait_dma2 semaphore(%run_scoped3A : memref<!tpu.dma_semaphore, #tpu.memory_space<semaphore_mem>>) src(%dma_wait3A_39 : memref<16x128xf32, #tpu.memory_space<vmem_shared>>) dst(%dma_wait3A_36 : memref<16x128xf32, #tpu.memory_space<hbm>>)
        tpu.yield
      }) : () -> ()
    } else {
    }
    return
  }
}

#map = affine_map<(d0, d1) -> (0, 0)>
#map1 = affine_map<(d0, d1) -> (0)>
module attributes {stable_mosaic.version = 14 : i64} {
  func.func @_edge_body(%arg0: i32, %arg1: i32, %arg2: memref<20000x128xf32, #tpu.memory_space<hbm>>, %arg3: memref<20000x128xf32, #tpu.memory_space<hbm>>, %arg4: memref<320000x128xf32, #tpu.memory_space<hbm>>, %arg5: memref<160000xi32, #tpu.memory_space<hbm>>, %arg6: memref<160000xi32, #tpu.memory_space<hbm>>, %arg7: memref<20000x128xf32, #tpu.memory_space<hbm>>, %arg8: memref<80xi32, #tpu.memory_space<vmem>>, %arg9: memref<80xi32, #tpu.memory_space<vmem>>, %arg10: memref<80xi32, #tpu.memory_space<vmem>>, %arg11: memref<80x128xf32, #tpu.memory_space<vmem>>, %arg12: memref<80x128xf32, #tpu.memory_space<vmem>>, %arg13: memref<80x128xf32, #tpu.memory_space<vmem>>, %arg14: memref<104x128xf32, #tpu.memory_space<vmem>>, %arg15: memref<10000x128xf32, #tpu.memory_space<vmem_shared>>, %arg16: memref<!tpu.dma_semaphore, #tpu.memory_space<semaphore_mem>>, %arg17: memref<!tpu.dma_semaphore, #tpu.memory_space<semaphore_mem>>, %arg18: memref<!tpu.dma_semaphore, #tpu.memory_space<semaphore_mem>>) attributes {dimension_semantics = [#tpu.dimension_semantics<core_parallel>, #tpu.dimension_semantics<subcore_parallel>], iteration_bounds = array<i64: 2, 16>, scalar_prefetch = 0 : i64, scratch_operands = 11 : i64, tpu.core_type = #tpu.core_type<sc_vector_subcore>, window_params = [{transform_indices = #map}, {transform_indices = #map}, {transform_indices = #map}, {transform_indices = #map1}, {transform_indices = #map1}, {transform_indices = #map}]} {
    %mul3A = arith.constant 10000 : i32
    %mul3A_0 = arith.muli %arg0, %mul3A : i32
    %mul3A_1 = arith.constant 160000 : i32
    %mul3A_2 = arith.muli %arg0, %mul3A_1 : i32
    %broadcast_in_dim3A = arith.constant 0.000000e+00 : f32
    %broadcast_in_dim3A_3 = vector.broadcast %broadcast_in_dim3A : f32 to vector<1x16xf32>
    %scan3A = arith.constant 0 : i32
    %scan3A_4 = arith.constant 104 : i32
    %scan3A_5 = arith.addi %scan3A, %scan3A_4 : i32
    %scan3A_6 = arith.constant 1 : i32
    scf.for %scan3A_30 = %scan3A to %scan3A_5 step %scan3A_6  : i32 {
      %mul3A_31 = arith.constant 1 : i32
      %mul3A_32 = arith.muli %scan3A_30, %mul3A_31 : i32
      %add3A_33 = arith.constant 0 : i32
      %add3A_34 = arith.addi %add3A_33, %mul3A_32 : i32
      %swap3A = arith.index_cast %add3A_34 : i32 to index
      %swap3A_35 = arith.constant 0 : index
      %swap3A_36 = tpu.vector_load %arg14[%swap3A, %swap3A_35] {strides = array<i32>} : memref<104x128xf32, #tpu.memory_space<vmem>>, vector<1x16xf32>,
      %swap3A_37 = vector.shape_cast %swap3A_36 : vector<1x16xf32> to vector<1x16xf32>
      %swap3A_38 = vector.shape_cast %broadcast_in_dim3A_3 : vector<1x16xf32> to vector<1x16xf32>
      tpu.vector_store %arg14[%swap3A, %swap3A_35], %swap3A_38 {strides = array<i32>} : memref<104x128xf32, #tpu.memory_space<vmem>>, vector<1x16xf32>,
      %swap3A_39 = arith.index_cast %add3A_34 : i32 to index
      %swap3A_40 = arith.constant 16 : index
      %swap3A_41 = tpu.vector_load %arg14[%swap3A_39, %swap3A_40] {strides = array<i32>} : memref<104x128xf32, #tpu.memory_space<vmem>>, vector<1x16xf32>,
      %swap3A_42 = vector.shape_cast %swap3A_41 : vector<1x16xf32> to vector<1x16xf32>
      %swap3A_43 = vector.shape_cast %broadcast_in_dim3A_3 : vector<1x16xf32> to vector<1x16xf32>
      tpu.vector_store %arg14[%swap3A_39, %swap3A_40], %swap3A_43 {strides = array<i32>} : memref<104x128xf32, #tpu.memory_space<vmem>>, vector<1x16xf32>,
      %swap3A_44 = arith.index_cast %add3A_34 : i32 to index
      %swap3A_45 = arith.constant 32 : index
      %swap3A_46 = tpu.vector_load %arg14[%swap3A_44, %swap3A_45] {strides = array<i32>} : memref<104x128xf32, #tpu.memory_space<vmem>>, vector<1x16xf32>,
      %swap3A_47 = vector.shape_cast %swap3A_46 : vector<1x16xf32> to vector<1x16xf32>
      %swap3A_48 = vector.shape_cast %broadcast_in_dim3A_3 : vector<1x16xf32> to vector<1x16xf32>
      tpu.vector_store %arg14[%swap3A_44, %swap3A_45], %swap3A_48 {strides = array<i32>} : memref<104x128xf32, #tpu.memory_space<vmem>>, vector<1x16xf32>,
      %swap3A_49 = arith.index_cast %add3A_34 : i32 to index
      %swap3A_50 = arith.constant 48 : index
      %swap3A_51 = tpu.vector_load %arg14[%swap3A_49, %swap3A_50] {strides = array<i32>} : memref<104x128xf32, #tpu.memory_space<vmem>>, vector<1x16xf32>,
      %swap3A_52 = vector.shape_cast %swap3A_51 : vector<1x16xf32> to vector<1x16xf32>
      %swap3A_53 = vector.shape_cast %broadcast_in_dim3A_3 : vector<1x16xf32> to vector<1x16xf32>
      tpu.vector_store %arg14[%swap3A_49, %swap3A_50], %swap3A_53 {strides = array<i32>} : memref<104x128xf32, #tpu.memory_space<vmem>>, vector<1x16xf32>,
      %swap3A_54 = arith.index_cast %add3A_34 : i32 to index
      %swap3A_55 = arith.constant 64 : index
      %swap3A_56 = tpu.vector_load %arg14[%swap3A_54, %swap3A_55] {strides = array<i32>} : memref<104x128xf32, #tpu.memory_space<vmem>>, vector<1x16xf32>,
      %swap3A_57 = vector.shape_cast %swap3A_56 : vector<1x16xf32> to vector<1x16xf32>
      %swap3A_58 = vector.shape_cast %broadcast_in_dim3A_3 : vector<1x16xf32> to vector<1x16xf32>
      tpu.vector_store %arg14[%swap3A_54, %swap3A_55], %swap3A_58 {strides = array<i32>} : memref<104x128xf32, #tpu.memory_space<vmem>>, vector<1x16xf32>,
      %swap3A_59 = arith.index_cast %add3A_34 : i32 to index
      %swap3A_60 = arith.constant 80 : index
      %swap3A_61 = tpu.vector_load %arg14[%swap3A_59, %swap3A_60] {strides = array<i32>} : memref<104x128xf32, #tpu.memory_space<vmem>>, vector<1x16xf32>,
      %swap3A_62 = vector.shape_cast %swap3A_61 : vector<1x16xf32> to vector<1x16xf32>
      %swap3A_63 = vector.shape_cast %broadcast_in_dim3A_3 : vector<1x16xf32> to vector<1x16xf32>
      tpu.vector_store %arg14[%swap3A_59, %swap3A_60], %swap3A_63 {strides = array<i32>} : memref<104x128xf32, #tpu.memory_space<vmem>>, vector<1x16xf32>,
      %swap3A_64 = arith.index_cast %add3A_34 : i32 to index
      %swap3A_65 = arith.constant 96 : index
      %swap3A_66 = tpu.vector_load %arg14[%swap3A_64, %swap3A_65] {strides = array<i32>} : memref<104x128xf32, #tpu.memory_space<vmem>>, vector<1x16xf32>,
      %swap3A_67 = vector.shape_cast %swap3A_66 : vector<1x16xf32> to vector<1x16xf32>
      %swap3A_68 = vector.shape_cast %broadcast_in_dim3A_3 : vector<1x16xf32> to vector<1x16xf32>
      tpu.vector_store %arg14[%swap3A_64, %swap3A_65], %swap3A_68 {strides = array<i32>} : memref<104x128xf32, #tpu.memory_space<vmem>>, vector<1x16xf32>,
      %swap3A_69 = arith.index_cast %add3A_34 : i32 to index
      %swap3A_70 = arith.constant 112 : index
      %swap3A_71 = tpu.vector_load %arg14[%swap3A_69, %swap3A_70] {strides = array<i32>} : memref<104x128xf32, #tpu.memory_space<vmem>>, vector<1x16xf32>,
      %swap3A_72 = vector.shape_cast %swap3A_71 : vector<1x16xf32> to vector<1x16xf32>
      %swap3A_73 = vector.shape_cast %broadcast_in_dim3A_3 : vector<1x16xf32> to vector<1x16xf32>
      tpu.vector_store %arg14[%swap3A_69, %swap3A_70], %swap3A_73 {strides = array<i32>} : memref<104x128xf32, #tpu.memory_space<vmem>>, vector<1x16xf32>,
    }
    %scan3A_7 = arith.constant 104 : i32
    %scan3A_8 = arith.constant 0 : i32
    %scan3A_9 = arith.constant 6 : i32
    %scan3A_10 = arith.addi %scan3A_8, %scan3A_9 : i32
    %scan3A_11 = arith.constant 1 : i32
    scf.for %scan3A_30 = %scan3A_8 to %scan3A_10 step %scan3A_11  : i32 {
      %mul3A_31 = arith.constant 1 : i32
      %mul3A_32 = arith.muli %scan3A_30, %mul3A_31 : i32
      %add3A_33 = arith.constant 0 : i32
      %add3A_34 = arith.addi %add3A_33, %mul3A_32 : i32
      %mul3A_35 = arith.constant 624 : i32
      %mul3A_36 = arith.muli %arg1, %mul3A_35 : i32
      %mul3A_37 = arith.constant 104 : i32
      %mul3A_38 = arith.muli %add3A_34, %mul3A_37 : i32
      %add3A_39 = arith.addi %mul3A_36, %mul3A_38 : i32
      "tpu.region"() ({
        %run_scoped3A = tpu.sem_alloc : memref<!tpu.dma_semaphore, #tpu.memory_space<semaphore_mem>>
        %dma_start3A = arith.constant 0 : i32
        %dma_start3A_40 = tpu.memref_slice %arg15[%add3A_39, %dma_start3A] : memref<10000x128xf32, #tpu.memory_space<vmem_shared>> -> memref<104x128xf32, #tpu.memory_space<vmem_shared>>
        %dma_start3A_41 = arith.constant 0 : i32
        %dma_start3A_42 = tpu.memref_slice %arg15[%add3A_39, %dma_start3A_41] : memref<10000x128xf32, #tpu.memory_space<vmem_shared>> -> memref<104x128xf32, #tpu.memory_space<vmem_shared>>
        tpu.enqueue_dma source(%arg14 : memref<104x128xf32, #tpu.memory_space<vmem>>) target(%dma_start3A_42 : memref<104x128xf32, #tpu.memory_space<vmem_shared>>) target_semaphore(%run_scoped3A : memref<!tpu.dma_semaphore, #tpu.memory_space<semaphore_mem>>)
        %dma_wait3A = arith.constant 0 : i32
        %dma_wait3A_43 = tpu.memref_slice %arg15[%add3A_39, %dma_wait3A] : memref<10000x128xf32, #tpu.memory_space<vmem_shared>> -> memref<104x128xf32, #tpu.memory_space<vmem_shared>>
        %dma_wait3A_44 = arith.constant 0 : i32
        %dma_wait3A_45 = tpu.memref_slice %arg15[%add3A_39, %dma_wait3A_44] : memref<10000x128xf32, #tpu.memory_space<vmem_shared>> -> memref<104x128xf32, #tpu.memory_space<vmem_shared>>
        tpu.wait_dma2 semaphore(%run_scoped3A : memref<!tpu.dma_semaphore, #tpu.memory_space<semaphore_mem>>) src(%arg14 : memref<104x128xf32, #tpu.memory_space<vmem>>) dst(%dma_wait3A_45 : memref<104x128xf32, #tpu.memory_space<vmem_shared>>)
        tpu.yield
      }) : () -> ()
    }
    %scan3A_12 = arith.constant 6 : i32
    %eq3A = arith.constant 15 : i32
    %eq3A_13 = arith.cmpi eq, %arg1, %eq3A : i32
    %convert_element_type3A = arith.extui %eq3A_13 : i1 to i32
    %cond3A = arith.constant 0 : i32
    %cond3A_14 = arith.cmpi ne, %convert_element_type3A, %cond3A : i32
    scf.if %cond3A_14 {
      "tpu.region"() ({
        %run_scoped3A = tpu.sem_alloc : memref<!tpu.dma_semaphore, #tpu.memory_space<semaphore_mem>>
        %dma_start3A = arith.constant 0 : i32
        %dma_start3A_30 = arith.constant 0 : i32
        %dma_start3A_31 = tpu.memref_slice %arg14[%dma_start3A, %dma_start3A_30] : memref<104x128xf32, #tpu.memory_space<vmem>> -> memref<16x128xf32, #tpu.memory_space<vmem>>
        %dma_start3A_32 = arith.constant 9984 : i32
        %dma_start3A_33 = arith.constant 0 : i32
        %dma_start3A_34 = tpu.memref_slice %arg15[%dma_start3A_32, %dma_start3A_33] : memref<10000x128xf32, #tpu.memory_space<vmem_shared>> -> memref<16x128xf32, #tpu.memory_space<vmem_shared>>
        %dma_start3A_35 = arith.constant 9984 : i32
        %dma_start3A_36 = arith.constant 0 : i32
        %dma_start3A_37 = tpu.memref_slice %arg15[%dma_start3A_35, %dma_start3A_36] : memref<10000x128xf32, #tpu.memory_space<vmem_shared>> -> memref<16x128xf32, #tpu.memory_space<vmem_shared>>
        %dma_start3A_38 = arith.constant 0 : i32
        %dma_start3A_39 = arith.constant 0 : i32
        %dma_start3A_40 = tpu.memref_slice %arg14[%dma_start3A_38, %dma_start3A_39] : memref<104x128xf32, #tpu.memory_space<vmem>> -> memref<16x128xf32, #tpu.memory_space<vmem>>
        tpu.enqueue_dma source(%dma_start3A_40 : memref<16x128xf32, #tpu.memory_space<vmem>>) target(%dma_start3A_37 : memref<16x128xf32, #tpu.memory_space<vmem_shared>>) target_semaphore(%run_scoped3A : memref<!tpu.dma_semaphore, #tpu.memory_space<semaphore_mem>>)
        %dma_wait3A = arith.constant 0 : i32
        %dma_wait3A_41 = arith.constant 0 : i32
        %dma_wait3A_42 = tpu.memref_slice %arg14[%dma_wait3A, %dma_wait3A_41] : memref<104x128xf32, #tpu.memory_space<vmem>> -> memref<16x128xf32, #tpu.memory_space<vmem>>
        %dma_wait3A_43 = arith.constant 9984 : i32
        %dma_wait3A_44 = arith.constant 0 : i32
        %dma_wait3A_45 = tpu.memref_slice %arg15[%dma_wait3A_43, %dma_wait3A_44] : memref<10000x128xf32, #tpu.memory_space<vmem_shared>> -> memref<16x128xf32, #tpu.memory_space<vmem_shared>>
        %dma_wait3A_46 = arith.constant 9984 : i32
        %dma_wait3A_47 = arith.constant 0 : i32
        %dma_wait3A_48 = tpu.memref_slice %arg15[%dma_wait3A_46, %dma_wait3A_47] : memref<10000x128xf32, #tpu.memory_space<vmem_shared>> -> memref<16x128xf32, #tpu.memory_space<vmem_shared>>
        %dma_wait3A_49 = arith.constant 0 : i32
        %dma_wait3A_50 = arith.constant 0 : i32
        %dma_wait3A_51 = tpu.memref_slice %arg14[%dma_wait3A_49, %dma_wait3A_50] : memref<104x128xf32, #tpu.memory_space<vmem>> -> memref<16x128xf32, #tpu.memory_space<vmem>>
        tpu.wait_dma2 semaphore(%run_scoped3A : memref<!tpu.dma_semaphore, #tpu.memory_space<semaphore_mem>>) src(%dma_wait3A_51 : memref<16x128xf32, #tpu.memory_space<vmem>>) dst(%dma_wait3A_48 : memref<16x128xf32, #tpu.memory_space<vmem_shared>>)
        tpu.yield
      }) : () -> ()
    } else {
    }
    %barrier3A = arith.constant 0 : index
    tpu.barrier barrier_id(%barrier3A)
    %scan3A_15 = arith.constant 0 : i32
    %scan3A_16 = arith.constant 125 : i32
    %scan3A_17 = arith.addi %scan3A_15, %scan3A_16 : i32
    %scan3A_18 = arith.constant 1 : i32
    scf.for %scan3A_30 = %scan3A_15 to %scan3A_17 step %scan3A_18  : i32 {
      %mul3A_31 = arith.constant 1 : i32
      %mul3A_32 = arith.muli %scan3A_30, %mul3A_31 : i32
      %add3A_33 = arith.constant 0 : i32
      %add3A_34 = arith.addi %add3A_33, %mul3A_32 : i32
      %mul3A_35 = arith.constant 10000 : i32
      %mul3A_36 = arith.muli %arg1, %mul3A_35 : i32
      %mul3A_37 = arith.constant 80 : i32
      %mul3A_38 = arith.muli %add3A_34, %mul3A_37 : i32
      %add3A_39 = arith.addi %mul3A_36, %mul3A_38 : i32
      "tpu.region"() ({
        %run_scoped3A = tpu.sem_alloc : memref<!tpu.dma_semaphore, #tpu.memory_space<semaphore_mem>>
        %dma_start3A_152 = tpu.memref_slice %arg5[%add3A_39] : memref<160000xi32, #tpu.memory_space<hbm>> -> memref<80xi32, #tpu.memory_space<hbm>>
        %dma_start3A_153 = tpu.memref_slice %arg5[%add3A_39] : memref<160000xi32, #tpu.memory_space<hbm>> -> memref<80xi32, #tpu.memory_space<hbm>>
        tpu.enqueue_dma source(%dma_start3A_153 : memref<80xi32, #tpu.memory_space<hbm>>) target(%arg8 : memref<80xi32, #tpu.memory_space<vmem>>) target_semaphore(%run_scoped3A : memref<!tpu.dma_semaphore, #tpu.memory_space<semaphore_mem>>)
        %dma_wait3A_154 = tpu.memref_slice %arg5[%add3A_39] : memref<160000xi32, #tpu.memory_space<hbm>> -> memref<80xi32, #tpu.memory_space<hbm>>
        %dma_wait3A_155 = tpu.memref_slice %arg5[%add3A_39] : memref<160000xi32, #tpu.memory_space<hbm>> -> memref<80xi32, #tpu.memory_space<hbm>>
        tpu.wait_dma2 semaphore(%run_scoped3A : memref<!tpu.dma_semaphore, #tpu.memory_space<semaphore_mem>>) src(%dma_wait3A_155 : memref<80xi32, #tpu.memory_space<hbm>>) dst(%arg8 : memref<80xi32, #tpu.memory_space<vmem>>)
        tpu.yield
      }) : () -> ()
      "tpu.region"() ({
        %run_scoped3A = tpu.sem_alloc : memref<!tpu.dma_semaphore, #tpu.memory_space<semaphore_mem>>
        %dma_start3A_152 = tpu.memref_slice %arg6[%add3A_39] : memref<160000xi32, #tpu.memory_space<hbm>> -> memref<80xi32, #tpu.memory_space<hbm>>
        %dma_start3A_153 = tpu.memref_slice %arg6[%add3A_39] : memref<160000xi32, #tpu.memory_space<hbm>> -> memref<80xi32, #tpu.memory_space<hbm>>
        tpu.enqueue_dma source(%dma_start3A_153 : memref<80xi32, #tpu.memory_space<hbm>>) target(%arg10 : memref<80xi32, #tpu.memory_space<vmem>>) target_semaphore(%run_scoped3A : memref<!tpu.dma_semaphore, #tpu.memory_space<semaphore_mem>>)
        %dma_wait3A_154 = tpu.memref_slice %arg6[%add3A_39] : memref<160000xi32, #tpu.memory_space<hbm>> -> memref<80xi32, #tpu.memory_space<hbm>>
        %dma_wait3A_155 = tpu.memref_slice %arg6[%add3A_39] : memref<160000xi32, #tpu.memory_space<hbm>> -> memref<80xi32, #tpu.memory_space<hbm>>
        tpu.wait_dma2 semaphore(%run_scoped3A : memref<!tpu.dma_semaphore, #tpu.memory_space<semaphore_mem>>) src(%dma_wait3A_155 : memref<80xi32, #tpu.memory_space<hbm>>) dst(%arg10 : memref<80xi32, #tpu.memory_space<vmem>>)
        tpu.yield
      }) : () -> ()
      %get3A = arith.constant 0 : index
      %get3A_40 = tpu.vector_load %arg8[%get3A] {strides = array<i32>} : memref<80xi32, #tpu.memory_space<vmem>>, vector<16xi32>,
      %get3A_41 = vector.shape_cast %get3A_40 : vector<16xi32> to vector<16xi32>
      %add3A_42 = vector.broadcast %mul3A_0 : i32 to vector<16xi32>
      %add3A_43 = arith.addi %get3A_41, %add3A_42 : vector<16xi32>
      %swap3A = arith.constant 0 : index
      %swap3A_44 = tpu.vector_load %arg9[%swap3A] {strides = array<i32>} : memref<80xi32, #tpu.memory_space<vmem>>, vector<16xi32>,
      %swap3A_45 = vector.shape_cast %swap3A_44 : vector<16xi32> to vector<16xi32>
      %swap3A_46 = vector.shape_cast %add3A_43 : vector<16xi32> to vector<16xi32>
      tpu.vector_store %arg9[%swap3A], %swap3A_46 {strides = array<i32>} : memref<80xi32, #tpu.memory_space<vmem>>, vector<16xi32>,
      %get3A_47 = arith.constant 0 : index
      %get3A_48 = tpu.vector_load %arg10[%get3A_47] {strides = array<i32>} : memref<80xi32, #tpu.memory_space<vmem>>, vector<16xi32>,
      %get3A_49 = vector.shape_cast %get3A_48 : vector<16xi32> to vector<16xi32>
      %add3A_50 = vector.broadcast %mul3A_0 : i32 to vector<16xi32>
      %add3A_51 = arith.addi %get3A_49, %add3A_50 : vector<16xi32>
      %swap3A_52 = arith.constant 0 : index
      %swap3A_53 = tpu.vector_load %arg10[%swap3A_52] {strides = array<i32>} : memref<80xi32, #tpu.memory_space<vmem>>, vector<16xi32>,
      %swap3A_54 = vector.shape_cast %swap3A_53 : vector<16xi32> to vector<16xi32>
      %swap3A_55 = vector.shape_cast %add3A_51 : vector<16xi32> to vector<16xi32>
      tpu.vector_store %arg10[%swap3A_52], %swap3A_55 {strides = array<i32>} : memref<80xi32, #tpu.memory_space<vmem>>, vector<16xi32>,
      %get3A_56 = arith.constant 16 : index
      %get3A_57 = tpu.vector_load %arg8[%get3A_56] {strides = array<i32>} : memref<80xi32, #tpu.memory_space<vmem>>, vector<16xi32>,
      %get3A_58 = vector.shape_cast %get3A_57 : vector<16xi32> to vector<16xi32>
      %add3A_59 = vector.broadcast %mul3A_0 : i32 to vector<16xi32>
      %add3A_60 = arith.addi %get3A_58, %add3A_59 : vector<16xi32>
      %swap3A_61 = arith.constant 16 : index
      %swap3A_62 = tpu.vector_load %arg9[%swap3A_61] {strides = array<i32>} : memref<80xi32, #tpu.memory_space<vmem>>, vector<16xi32>,
      %swap3A_63 = vector.shape_cast %swap3A_62 : vector<16xi32> to vector<16xi32>
      %swap3A_64 = vector.shape_cast %add3A_60 : vector<16xi32> to vector<16xi32>
      tpu.vector_store %arg9[%swap3A_61], %swap3A_64 {strides = array<i32>} : memref<80xi32, #tpu.memory_space<vmem>>, vector<16xi32>,
      %get3A_65 = arith.constant 16 : index
      %get3A_66 = tpu.vector_load %arg10[%get3A_65] {strides = array<i32>} : memref<80xi32, #tpu.memory_space<vmem>>, vector<16xi32>,
      %get3A_67 = vector.shape_cast %get3A_66 : vector<16xi32> to vector<16xi32>
      %add3A_68 = vector.broadcast %mul3A_0 : i32 to vector<16xi32>
      %add3A_69 = arith.addi %get3A_67, %add3A_68 : vector<16xi32>
      %swap3A_70 = arith.constant 16 : index
      %swap3A_71 = tpu.vector_load %arg10[%swap3A_70] {strides = array<i32>} : memref<80xi32, #tpu.memory_space<vmem>>, vector<16xi32>,
      %swap3A_72 = vector.shape_cast %swap3A_71 : vector<16xi32> to vector<16xi32>
      %swap3A_73 = vector.shape_cast %add3A_69 : vector<16xi32> to vector<16xi32>
      tpu.vector_store %arg10[%swap3A_70], %swap3A_73 {strides = array<i32>} : memref<80xi32, #tpu.memory_space<vmem>>, vector<16xi32>,
      %get3A_74 = arith.constant 32 : index
      %get3A_75 = tpu.vector_load %arg8[%get3A_74] {strides = array<i32>} : memref<80xi32, #tpu.memory_space<vmem>>, vector<16xi32>,
      %get3A_76 = vector.shape_cast %get3A_75 : vector<16xi32> to vector<16xi32>
      %add3A_77 = vector.broadcast %mul3A_0 : i32 to vector<16xi32>
      %add3A_78 = arith.addi %get3A_76, %add3A_77 : vector<16xi32>
      %swap3A_79 = arith.constant 32 : index
      %swap3A_80 = tpu.vector_load %arg9[%swap3A_79] {strides = array<i32>} : memref<80xi32, #tpu.memory_space<vmem>>, vector<16xi32>,
      %swap3A_81 = vector.shape_cast %swap3A_80 : vector<16xi32> to vector<16xi32>
      %swap3A_82 = vector.shape_cast %add3A_78 : vector<16xi32> to vector<16xi32>
      tpu.vector_store %arg9[%swap3A_79], %swap3A_82 {strides = array<i32>} : memref<80xi32, #tpu.memory_space<vmem>>, vector<16xi32>,
      %get3A_83 = arith.constant 32 : index
      %get3A_84 = tpu.vector_load %arg10[%get3A_83] {strides = array<i32>} : memref<80xi32, #tpu.memory_space<vmem>>, vector<16xi32>,
      %get3A_85 = vector.shape_cast %get3A_84 : vector<16xi32> to vector<16xi32>
      %add3A_86 = vector.broadcast %mul3A_0 : i32 to vector<16xi32>
      %add3A_87 = arith.addi %get3A_85, %add3A_86 : vector<16xi32>
      %swap3A_88 = arith.constant 32 : index
      %swap3A_89 = tpu.vector_load %arg10[%swap3A_88] {strides = array<i32>} : memref<80xi32, #tpu.memory_space<vmem>>, vector<16xi32>,
      %swap3A_90 = vector.shape_cast %swap3A_89 : vector<16xi32> to vector<16xi32>
      %swap3A_91 = vector.shape_cast %add3A_87 : vector<16xi32> to vector<16xi32>
      tpu.vector_store %arg10[%swap3A_88], %swap3A_91 {strides = array<i32>} : memref<80xi32, #tpu.memory_space<vmem>>, vector<16xi32>,
      %get3A_92 = arith.constant 48 : index
      %get3A_93 = tpu.vector_load %arg8[%get3A_92] {strides = array<i32>} : memref<80xi32, #tpu.memory_space<vmem>>, vector<16xi32>,
      %get3A_94 = vector.shape_cast %get3A_93 : vector<16xi32> to vector<16xi32>
      %add3A_95 = vector.broadcast %mul3A_0 : i32 to vector<16xi32>
      %add3A_96 = arith.addi %get3A_94, %add3A_95 : vector<16xi32>
      %swap3A_97 = arith.constant 48 : index
      %swap3A_98 = tpu.vector_load %arg9[%swap3A_97] {strides = array<i32>} : memref<80xi32, #tpu.memory_space<vmem>>, vector<16xi32>,
      %swap3A_99 = vector.shape_cast %swap3A_98 : vector<16xi32> to vector<16xi32>
      %swap3A_100 = vector.shape_cast %add3A_96 : vector<16xi32> to vector<16xi32>
      tpu.vector_store %arg9[%swap3A_97], %swap3A_100 {strides = array<i32>} : memref<80xi32, #tpu.memory_space<vmem>>, vector<16xi32>,
      %get3A_101 = arith.constant 48 : index
      %get3A_102 = tpu.vector_load %arg10[%get3A_101] {strides = array<i32>} : memref<80xi32, #tpu.memory_space<vmem>>, vector<16xi32>,
      %get3A_103 = vector.shape_cast %get3A_102 : vector<16xi32> to vector<16xi32>
      %add3A_104 = vector.broadcast %mul3A_0 : i32 to vector<16xi32>
      %add3A_105 = arith.addi %get3A_103, %add3A_104 : vector<16xi32>
      %swap3A_106 = arith.constant 48 : index
      %swap3A_107 = tpu.vector_load %arg10[%swap3A_106] {strides = array<i32>} : memref<80xi32, #tpu.memory_space<vmem>>, vector<16xi32>,
      %swap3A_108 = vector.shape_cast %swap3A_107 : vector<16xi32> to vector<16xi32>
      %swap3A_109 = vector.shape_cast %add3A_105 : vector<16xi32> to vector<16xi32>
      tpu.vector_store %arg10[%swap3A_106], %swap3A_109 {strides = array<i32>} : memref<80xi32, #tpu.memory_space<vmem>>, vector<16xi32>,
      %get3A_110 = arith.constant 64 : index
      %get3A_111 = tpu.vector_load %arg8[%get3A_110] {strides = array<i32>} : memref<80xi32, #tpu.memory_space<vmem>>, vector<16xi32>,
      %get3A_112 = vector.shape_cast %get3A_111 : vector<16xi32> to vector<16xi32>
      %add3A_113 = vector.broadcast %mul3A_0 : i32 to vector<16xi32>
      %add3A_114 = arith.addi %get3A_112, %add3A_113 : vector<16xi32>
      %swap3A_115 = arith.constant 64 : index
      %swap3A_116 = tpu.vector_load %arg9[%swap3A_115] {strides = array<i32>} : memref<80xi32, #tpu.memory_space<vmem>>, vector<16xi32>,
      %swap3A_117 = vector.shape_cast %swap3A_116 : vector<16xi32> to vector<16xi32>
      %swap3A_118 = vector.shape_cast %add3A_114 : vector<16xi32> to vector<16xi32>
      tpu.vector_store %arg9[%swap3A_115], %swap3A_118 {strides = array<i32>} : memref<80xi32, #tpu.memory_space<vmem>>, vector<16xi32>,
      %get3A_119 = arith.constant 64 : index
      %get3A_120 = tpu.vector_load %arg10[%get3A_119] {strides = array<i32>} : memref<80xi32, #tpu.memory_space<vmem>>, vector<16xi32>,
      %get3A_121 = vector.shape_cast %get3A_120 : vector<16xi32> to vector<16xi32>
      %add3A_122 = vector.broadcast %mul3A_0 : i32 to vector<16xi32>
      %add3A_123 = arith.addi %get3A_121, %add3A_122 : vector<16xi32>
      %swap3A_124 = arith.constant 64 : index
      %swap3A_125 = tpu.vector_load %arg10[%swap3A_124] {strides = array<i32>} : memref<80xi32, #tpu.memory_space<vmem>>, vector<16xi32>,
      %swap3A_126 = vector.shape_cast %swap3A_125 : vector<16xi32> to vector<16xi32>
      %swap3A_127 = vector.shape_cast %add3A_123 : vector<16xi32> to vector<16xi32>
      tpu.vector_store %arg10[%swap3A_124], %swap3A_127 {strides = array<i32>} : memref<80xi32, #tpu.memory_space<vmem>>, vector<16xi32>,
      %dma_start3A = arith.constant 0 : i32
      %dma_start3A_128 = arith.constant 0 : i32
      %dma_start3A_129 = tpu.memref_slice %arg2[%dma_start3A, %dma_start3A_128] : memref<20000x128xf32, #tpu.memory_space<hbm>> -> memref<20000x128xf32, #tpu.memory_space<hbm>>
      tpu.enqueue_indirect_dma source(%dma_start3A_129 : memref<20000x128xf32, #tpu.memory_space<hbm>>) target(%arg11 : memref<80x128xf32, #tpu.memory_space<vmem>>) offsets(%arg9 : memref<80xi32, #tpu.memory_space<vmem>>) semaphore(%arg16 : memref<!tpu.dma_semaphore, #tpu.memory_space<semaphore_mem>>)
      %dma_start3A_130 = arith.constant 0 : i32
      %dma_start3A_131 = arith.constant 0 : i32
      %dma_start3A_132 = tpu.memref_slice %arg3[%dma_start3A_130, %dma_start3A_131] : memref<20000x128xf32, #tpu.memory_space<hbm>> -> memref<20000x128xf32, #tpu.memory_space<hbm>>
      tpu.enqueue_indirect_dma source(%dma_start3A_132 : memref<20000x128xf32, #tpu.memory_space<hbm>>) target(%arg12 : memref<80x128xf32, #tpu.memory_space<vmem>>) offsets(%arg10 : memref<80xi32, #tpu.memory_space<vmem>>) semaphore(%arg17 : memref<!tpu.dma_semaphore, #tpu.memory_space<semaphore_mem>>)
      %add3A_133 = arith.addi %mul3A_2, %add3A_39 : i32
      %dma_start3A_134 = arith.constant 0 : i32
      %dma_start3A_135 = tpu.memref_slice %arg4[%add3A_133, %dma_start3A_134] : memref<320000x128xf32, #tpu.memory_space<hbm>> -> memref<80x128xf32, #tpu.memory_space<hbm>>
      %dma_start3A_136 = arith.constant 0 : i32
      %dma_start3A_137 = tpu.memref_slice %arg4[%add3A_133, %dma_start3A_136] : memref<320000x128xf32, #tpu.memory_space<hbm>> -> memref<80x128xf32, #tpu.memory_space<hbm>>
      tpu.enqueue_dma source(%dma_start3A_137 : memref<80x128xf32, #tpu.memory_space<hbm>>) target(%arg13 : memref<80x128xf32, #tpu.memory_space<vmem>>) target_semaphore(%arg18 : memref<!tpu.dma_semaphore, #tpu.memory_space<semaphore_mem>>)
      %dma_wait3A = arith.constant 0 : i32
      %dma_wait3A_138 = arith.constant 0 : i32
      %dma_wait3A_139 = tpu.memref_slice %arg2[%dma_wait3A, %dma_wait3A_138] : memref<20000x128xf32, #tpu.memory_space<hbm>> -> memref<20000x128xf32, #tpu.memory_space<hbm>>
      tpu.wait_indirect_dma semaphore(%arg16 : memref<!tpu.dma_semaphore, #tpu.memory_space<semaphore_mem>>) src(%dma_wait3A_139 : memref<20000x128xf32, #tpu.memory_space<hbm>>) dst(%arg11 : memref<80x128xf32, #tpu.memory_space<vmem>>)
      %dma_wait3A_140 = arith.constant 0 : i32
      %dma_wait3A_141 = arith.constant 0 : i32
      %dma_wait3A_142 = tpu.memref_slice %arg3[%dma_wait3A_140, %dma_wait3A_141] : memref<20000x128xf32, #tpu.memory_space<hbm>> -> memref<20000x128xf32, #tpu.memory_space<hbm>>
      tpu.wait_indirect_dma semaphore(%arg17 : memref<!tpu.dma_semaphore, #tpu.memory_space<semaphore_mem>>) src(%dma_wait3A_142 : memref<20000x128xf32, #tpu.memory_space<hbm>>) dst(%arg12 : memref<80x128xf32, #tpu.memory_space<vmem>>)
      %dma_wait3A_143 = arith.constant 0 : i32
      %dma_wait3A_144 = tpu.memref_slice %arg4[%add3A_133, %dma_wait3A_143] : memref<320000x128xf32, #tpu.memory_space<hbm>> -> memref<80x128xf32, #tpu.memory_space<hbm>>
      %dma_wait3A_145 = arith.constant 0 : i32
      %dma_wait3A_146 = tpu.memref_slice %arg4[%add3A_133, %dma_wait3A_145] : memref<320000x128xf32, #tpu.memory_space<hbm>> -> memref<80x128xf32, #tpu.memory_space<hbm>>
      tpu.wait_dma2 semaphore(%arg18 : memref<!tpu.dma_semaphore, #tpu.memory_space<semaphore_mem>>) src(%dma_wait3A_146 : memref<80x128xf32, #tpu.memory_space<hbm>>) dst(%arg13 : memref<80x128xf32, #tpu.memory_space<vmem>>)
      %scan3A_147 = arith.constant 0 : i32
      %scan3A_148 = arith.constant 80 : i32
      %scan3A_149 = arith.addi %scan3A_147, %scan3A_148 : i32
      %scan3A_150 = arith.constant 1 : i32
      scf.for %scan3A_152 = %scan3A_147 to %scan3A_149 step %scan3A_150  : i32 {
        %mul3A_153 = arith.constant 1 : i32
        %mul3A_154 = arith.muli %scan3A_152, %mul3A_153 : i32
        %add3A_155 = arith.constant 0 : i32
        %add3A_156 = arith.addi %add3A_155, %mul3A_154 : i32
        %get3A_157 = arith.index_cast %add3A_156 : i32 to index
        %get3A_158 = arith.constant 0 : index
        %get3A_159 = tpu.vector_load %arg11[%get3A_157, %get3A_158] {strides = array<i32>} : memref<80x128xf32, #tpu.memory_space<vmem>>, vector<1x16xf32>,
        %get3A_160 = vector.shape_cast %get3A_159 : vector<1x16xf32> to vector<1x16xf32>
        %get3A_161 = arith.index_cast %add3A_156 : i32 to index
        %get3A_162 = arith.constant 0 : index
        %get3A_163 = tpu.vector_load %arg12[%get3A_161, %get3A_162] {strides = array<i32>} : memref<80x128xf32, #tpu.memory_space<vmem>>, vector<1x16xf32>,
        %get3A_164 = vector.shape_cast %get3A_163 : vector<1x16xf32> to vector<1x16xf32>
        %add3A_165 = arith.addf %get3A_160, %get3A_164 : vector<1x16xf32>
        %get3A_166 = arith.index_cast %add3A_156 : i32 to index
        %get3A_167 = arith.constant 0 : index
        %get3A_168 = tpu.vector_load %arg13[%get3A_166, %get3A_167] {strides = array<i32>} : memref<80x128xf32, #tpu.memory_space<vmem>>, vector<1x16xf32>,
        %get3A_169 = vector.shape_cast %get3A_168 : vector<1x16xf32> to vector<1x16xf32>
        %add3A_170 = arith.addf %add3A_165, %get3A_169 : vector<1x16xf32>
        %max3A = arith.constant 0.000000e+00 : f32
        %max3A_171 = vector.broadcast %max3A : f32 to vector<1x16xf32>
        %max3A_172 = arith.maximumf %add3A_170, %max3A_171 : vector<1x16xf32>
        %convert_element_type3A_173 = arith.truncf %max3A_172 : vector<1x16xf32> to vector<1x16xbf16>
        %convert_element_type3A_174 = arith.extf %convert_element_type3A_173 : vector<1x16xbf16> to vector<1x16xf32>
        %swap3A_175 = arith.index_cast %add3A_156 : i32 to index
        %swap3A_176 = arith.constant 0 : index
        %swap3A_177 = tpu.vector_load %arg11[%swap3A_175, %swap3A_176] {strides = array<i32>} : memref<80x128xf32, #tpu.memory_space<vmem>>, vector<1x16xf32>,
        %swap3A_178 = vector.shape_cast %swap3A_177 : vector<1x16xf32> to vector<1x16xf32>
        %swap3A_179 = vector.shape_cast %convert_element_type3A_174 : vector<1x16xf32> to vector<1x16xf32>
        tpu.vector_store %arg11[%swap3A_175, %swap3A_176], %swap3A_179 {strides = array<i32>} : memref<80x128xf32, #tpu.memory_space<vmem>>, vector<1x16xf32>,
        %get3A_180 = arith.index_cast %add3A_156 : i32 to index
        %get3A_181 = arith.constant 16 : index
        %get3A_182 = tpu.vector_load %arg11[%get3A_180, %get3A_181] {strides = array<i32>} : memref<80x128xf32, #tpu.memory_space<vmem>>, vector<1x16xf32>,
        %get3A_183 = vector.shape_cast %get3A_182 : vector<1x16xf32> to vector<1x16xf32>
        %get3A_184 = arith.index_cast %add3A_156 : i32 to index
        %get3A_185 = arith.constant 16 : index
        %get3A_186 = tpu.vector_load %arg12[%get3A_184, %get3A_185] {strides = array<i32>} : memref<80x128xf32, #tpu.memory_space<vmem>>, vector<1x16xf32>,
        %get3A_187 = vector.shape_cast %get3A_186 : vector<1x16xf32> to vector<1x16xf32>
        %add3A_188 = arith.addf %get3A_183, %get3A_187 : vector<1x16xf32>
        %get3A_189 = arith.index_cast %add3A_156 : i32 to index
        %get3A_190 = arith.constant 16 : index
        %get3A_191 = tpu.vector_load %arg13[%get3A_189, %get3A_190] {strides = array<i32>} : memref<80x128xf32, #tpu.memory_space<vmem>>, vector<1x16xf32>,
        %get3A_192 = vector.shape_cast %get3A_191 : vector<1x16xf32> to vector<1x16xf32>
        %add3A_193 = arith.addf %add3A_188, %get3A_192 : vector<1x16xf32>
        %max3A_194 = arith.constant 0.000000e+00 : f32
        %max3A_195 = vector.broadcast %max3A_194 : f32 to vector<1x16xf32>
        %max3A_196 = arith.maximumf %add3A_193, %max3A_195 : vector<1x16xf32>
        %convert_element_type3A_197 = arith.truncf %max3A_196 : vector<1x16xf32> to vector<1x16xbf16>
        %convert_element_type3A_198 = arith.extf %convert_element_type3A_197 : vector<1x16xbf16> to vector<1x16xf32>
        %swap3A_199 = arith.index_cast %add3A_156 : i32 to index
        %swap3A_200 = arith.constant 16 : index
        %swap3A_201 = tpu.vector_load %arg11[%swap3A_199, %swap3A_200] {strides = array<i32>} : memref<80x128xf32, #tpu.memory_space<vmem>>, vector<1x16xf32>,
        %swap3A_202 = vector.shape_cast %swap3A_201 : vector<1x16xf32> to vector<1x16xf32>
        %swap3A_203 = vector.shape_cast %convert_element_type3A_198 : vector<1x16xf32> to vector<1x16xf32>
        tpu.vector_store %arg11[%swap3A_199, %swap3A_200], %swap3A_203 {strides = array<i32>} : memref<80x128xf32, #tpu.memory_space<vmem>>, vector<1x16xf32>,
        %get3A_204 = arith.index_cast %add3A_156 : i32 to index
        %get3A_205 = arith.constant 32 : index
        %get3A_206 = tpu.vector_load %arg11[%get3A_204, %get3A_205] {strides = array<i32>} : memref<80x128xf32, #tpu.memory_space<vmem>>, vector<1x16xf32>,
        %get3A_207 = vector.shape_cast %get3A_206 : vector<1x16xf32> to vector<1x16xf32>
        %get3A_208 = arith.index_cast %add3A_156 : i32 to index
        %get3A_209 = arith.constant 32 : index
        %get3A_210 = tpu.vector_load %arg12[%get3A_208, %get3A_209] {strides = array<i32>} : memref<80x128xf32, #tpu.memory_space<vmem>>, vector<1x16xf32>,
        %get3A_211 = vector.shape_cast %get3A_210 : vector<1x16xf32> to vector<1x16xf32>
        %add3A_212 = arith.addf %get3A_207, %get3A_211 : vector<1x16xf32>
        %get3A_213 = arith.index_cast %add3A_156 : i32 to index
        %get3A_214 = arith.constant 32 : index
        %get3A_215 = tpu.vector_load %arg13[%get3A_213, %get3A_214] {strides = array<i32>} : memref<80x128xf32, #tpu.memory_space<vmem>>, vector<1x16xf32>,
        %get3A_216 = vector.shape_cast %get3A_215 : vector<1x16xf32> to vector<1x16xf32>
        %add3A_217 = arith.addf %add3A_212, %get3A_216 : vector<1x16xf32>
        %max3A_218 = arith.constant 0.000000e+00 : f32
        %max3A_219 = vector.broadcast %max3A_218 : f32 to vector<1x16xf32>
        %max3A_220 = arith.maximumf %add3A_217, %max3A_219 : vector<1x16xf32>
        %convert_element_type3A_221 = arith.truncf %max3A_220 : vector<1x16xf32> to vector<1x16xbf16>
        %convert_element_type3A_222 = arith.extf %convert_element_type3A_221 : vector<1x16xbf16> to vector<1x16xf32>
        %swap3A_223 = arith.index_cast %add3A_156 : i32 to index
        %swap3A_224 = arith.constant 32 : index
        %swap3A_225 = tpu.vector_load %arg11[%swap3A_223, %swap3A_224] {strides = array<i32>} : memref<80x128xf32, #tpu.memory_space<vmem>>, vector<1x16xf32>,
        %swap3A_226 = vector.shape_cast %swap3A_225 : vector<1x16xf32> to vector<1x16xf32>
        %swap3A_227 = vector.shape_cast %convert_element_type3A_222 : vector<1x16xf32> to vector<1x16xf32>
        tpu.vector_store %arg11[%swap3A_223, %swap3A_224], %swap3A_227 {strides = array<i32>} : memref<80x128xf32, #tpu.memory_space<vmem>>, vector<1x16xf32>,
        %get3A_228 = arith.index_cast %add3A_156 : i32 to index
        %get3A_229 = arith.constant 48 : index
        %get3A_230 = tpu.vector_load %arg11[%get3A_228, %get3A_229] {strides = array<i32>} : memref<80x128xf32, #tpu.memory_space<vmem>>, vector<1x16xf32>,
        %get3A_231 = vector.shape_cast %get3A_230 : vector<1x16xf32> to vector<1x16xf32>
        %get3A_232 = arith.index_cast %add3A_156 : i32 to index
        %get3A_233 = arith.constant 48 : index
        %get3A_234 = tpu.vector_load %arg12[%get3A_232, %get3A_233] {strides = array<i32>} : memref<80x128xf32, #tpu.memory_space<vmem>>, vector<1x16xf32>,
        %get3A_235 = vector.shape_cast %get3A_234 : vector<1x16xf32> to vector<1x16xf32>
        %add3A_236 = arith.addf %get3A_231, %get3A_235 : vector<1x16xf32>
        %get3A_237 = arith.index_cast %add3A_156 : i32 to index
        %get3A_238 = arith.constant 48 : index
        %get3A_239 = tpu.vector_load %arg13[%get3A_237, %get3A_238] {strides = array<i32>} : memref<80x128xf32, #tpu.memory_space<vmem>>, vector<1x16xf32>,
        %get3A_240 = vector.shape_cast %get3A_239 : vector<1x16xf32> to vector<1x16xf32>
        %add3A_241 = arith.addf %add3A_236, %get3A_240 : vector<1x16xf32>
        %max3A_242 = arith.constant 0.000000e+00 : f32
        %max3A_243 = vector.broadcast %max3A_242 : f32 to vector<1x16xf32>
        %max3A_244 = arith.maximumf %add3A_241, %max3A_243 : vector<1x16xf32>
        %convert_element_type3A_245 = arith.truncf %max3A_244 : vector<1x16xf32> to vector<1x16xbf16>
        %convert_element_type3A_246 = arith.extf %convert_element_type3A_245 : vector<1x16xbf16> to vector<1x16xf32>
        %swap3A_247 = arith.index_cast %add3A_156 : i32 to index
        %swap3A_248 = arith.constant 48 : index
        %swap3A_249 = tpu.vector_load %arg11[%swap3A_247, %swap3A_248] {strides = array<i32>} : memref<80x128xf32, #tpu.memory_space<vmem>>, vector<1x16xf32>,
        %swap3A_250 = vector.shape_cast %swap3A_249 : vector<1x16xf32> to vector<1x16xf32>
        %swap3A_251 = vector.shape_cast %convert_element_type3A_246 : vector<1x16xf32> to vector<1x16xf32>
        tpu.vector_store %arg11[%swap3A_247, %swap3A_248], %swap3A_251 {strides = array<i32>} : memref<80x128xf32, #tpu.memory_space<vmem>>, vector<1x16xf32>,
        %get3A_252 = arith.index_cast %add3A_156 : i32 to index
        %get3A_253 = arith.constant 64 : index
        %get3A_254 = tpu.vector_load %arg11[%get3A_252, %get3A_253] {strides = array<i32>} : memref<80x128xf32, #tpu.memory_space<vmem>>, vector<1x16xf32>,
        %get3A_255 = vector.shape_cast %get3A_254 : vector<1x16xf32> to vector<1x16xf32>
        %get3A_256 = arith.index_cast %add3A_156 : i32 to index
        %get3A_257 = arith.constant 64 : index
        %get3A_258 = tpu.vector_load %arg12[%get3A_256, %get3A_257] {strides = array<i32>} : memref<80x128xf32, #tpu.memory_space<vmem>>, vector<1x16xf32>,
        %get3A_259 = vector.shape_cast %get3A_258 : vector<1x16xf32> to vector<1x16xf32>
        %add3A_260 = arith.addf %get3A_255, %get3A_259 : vector<1x16xf32>
        %get3A_261 = arith.index_cast %add3A_156 : i32 to index
        %get3A_262 = arith.constant 64 : index
        %get3A_263 = tpu.vector_load %arg13[%get3A_261, %get3A_262] {strides = array<i32>} : memref<80x128xf32, #tpu.memory_space<vmem>>, vector<1x16xf32>,
        %get3A_264 = vector.shape_cast %get3A_263 : vector<1x16xf32> to vector<1x16xf32>
        %add3A_265 = arith.addf %add3A_260, %get3A_264 : vector<1x16xf32>
        %max3A_266 = arith.constant 0.000000e+00 : f32
        %max3A_267 = vector.broadcast %max3A_266 : f32 to vector<1x16xf32>
        %max3A_268 = arith.maximumf %add3A_265, %max3A_267 : vector<1x16xf32>
        %convert_element_type3A_269 = arith.truncf %max3A_268 : vector<1x16xf32> to vector<1x16xbf16>
        %convert_element_type3A_270 = arith.extf %convert_element_type3A_269 : vector<1x16xbf16> to vector<1x16xf32>
        %swap3A_271 = arith.index_cast %add3A_156 : i32 to index
        %swap3A_272 = arith.constant 64 : index
        %swap3A_273 = tpu.vector_load %arg11[%swap3A_271, %swap3A_272] {strides = array<i32>} : memref<80x128xf32, #tpu.memory_space<vmem>>, vector<1x16xf32>,
        %swap3A_274 = vector.shape_cast %swap3A_273 : vector<1x16xf32> to vector<1x16xf32>
        %swap3A_275 = vector.shape_cast %convert_element_type3A_270 : vector<1x16xf32> to vector<1x16xf32>
        tpu.vector_store %arg11[%swap3A_271, %swap3A_272], %swap3A_275 {strides = array<i32>} : memref<80x128xf32, #tpu.memory_space<vmem>>, vector<1x16xf32>,
        %get3A_276 = arith.index_cast %add3A_156 : i32 to index
        %get3A_277 = arith.constant 80 : index
        %get3A_278 = tpu.vector_load %arg11[%get3A_276, %get3A_277] {strides = array<i32>} : memref<80x128xf32, #tpu.memory_space<vmem>>, vector<1x16xf32>,
        %get3A_279 = vector.shape_cast %get3A_278 : vector<1x16xf32> to vector<1x16xf32>
        %get3A_280 = arith.index_cast %add3A_156 : i32 to index
        %get3A_281 = arith.constant 80 : index
        %get3A_282 = tpu.vector_load %arg12[%get3A_280, %get3A_281] {strides = array<i32>} : memref<80x128xf32, #tpu.memory_space<vmem>>, vector<1x16xf32>,
        %get3A_283 = vector.shape_cast %get3A_282 : vector<1x16xf32> to vector<1x16xf32>
        %add3A_284 = arith.addf %get3A_279, %get3A_283 : vector<1x16xf32>
        %get3A_285 = arith.index_cast %add3A_156 : i32 to index
        %get3A_286 = arith.constant 80 : index
        %get3A_287 = tpu.vector_load %arg13[%get3A_285, %get3A_286] {strides = array<i32>} : memref<80x128xf32, #tpu.memory_space<vmem>>, vector<1x16xf32>,
        %get3A_288 = vector.shape_cast %get3A_287 : vector<1x16xf32> to vector<1x16xf32>
        %add3A_289 = arith.addf %add3A_284, %get3A_288 : vector<1x16xf32>
        %max3A_290 = arith.constant 0.000000e+00 : f32
        %max3A_291 = vector.broadcast %max3A_290 : f32 to vector<1x16xf32>
        %max3A_292 = arith.maximumf %add3A_289, %max3A_291 : vector<1x16xf32>
        %convert_element_type3A_293 = arith.truncf %max3A_292 : vector<1x16xf32> to vector<1x16xbf16>
        %convert_element_type3A_294 = arith.extf %convert_element_type3A_293 : vector<1x16xbf16> to vector<1x16xf32>
        %swap3A_295 = arith.index_cast %add3A_156 : i32 to index
        %swap3A_296 = arith.constant 80 : index
        %swap3A_297 = tpu.vector_load %arg11[%swap3A_295, %swap3A_296] {strides = array<i32>} : memref<80x128xf32, #tpu.memory_space<vmem>>, vector<1x16xf32>,
        %swap3A_298 = vector.shape_cast %swap3A_297 : vector<1x16xf32> to vector<1x16xf32>
        %swap3A_299 = vector.shape_cast %convert_element_type3A_294 : vector<1x16xf32> to vector<1x16xf32>
        tpu.vector_store %arg11[%swap3A_295, %swap3A_296], %swap3A_299 {strides = array<i32>} : memref<80x128xf32, #tpu.memory_space<vmem>>, vector<1x16xf32>,
        %get3A_300 = arith.index_cast %add3A_156 : i32 to index
        %get3A_301 = arith.constant 96 : index
        %get3A_302 = tpu.vector_load %arg11[%get3A_300, %get3A_301] {strides = array<i32>} : memref<80x128xf32, #tpu.memory_space<vmem>>, vector<1x16xf32>,
        %get3A_303 = vector.shape_cast %get3A_302 : vector<1x16xf32> to vector<1x16xf32>
        %get3A_304 = arith.index_cast %add3A_156 : i32 to index
        %get3A_305 = arith.constant 96 : index
        %get3A_306 = tpu.vector_load %arg12[%get3A_304, %get3A_305] {strides = array<i32>} : memref<80x128xf32, #tpu.memory_space<vmem>>, vector<1x16xf32>,
        %get3A_307 = vector.shape_cast %get3A_306 : vector<1x16xf32> to vector<1x16xf32>
        %add3A_308 = arith.addf %get3A_303, %get3A_307 : vector<1x16xf32>
        %get3A_309 = arith.index_cast %add3A_156 : i32 to index
        %get3A_310 = arith.constant 96 : index
        %get3A_311 = tpu.vector_load %arg13[%get3A_309, %get3A_310] {strides = array<i32>} : memref<80x128xf32, #tpu.memory_space<vmem>>, vector<1x16xf32>,
        %get3A_312 = vector.shape_cast %get3A_311 : vector<1x16xf32> to vector<1x16xf32>
        %add3A_313 = arith.addf %add3A_308, %get3A_312 : vector<1x16xf32>
        %max3A_314 = arith.constant 0.000000e+00 : f32
        %max3A_315 = vector.broadcast %max3A_314 : f32 to vector<1x16xf32>
        %max3A_316 = arith.maximumf %add3A_313, %max3A_315 : vector<1x16xf32>
        %convert_element_type3A_317 = arith.truncf %max3A_316 : vector<1x16xf32> to vector<1x16xbf16>
        %convert_element_type3A_318 = arith.extf %convert_element_type3A_317 : vector<1x16xbf16> to vector<1x16xf32>
        %swap3A_319 = arith.index_cast %add3A_156 : i32 to index
        %swap3A_320 = arith.constant 96 : index
        %swap3A_321 = tpu.vector_load %arg11[%swap3A_319, %swap3A_320] {strides = array<i32>} : memref<80x128xf32, #tpu.memory_space<vmem>>, vector<1x16xf32>,
        %swap3A_322 = vector.shape_cast %swap3A_321 : vector<1x16xf32> to vector<1x16xf32>
        %swap3A_323 = vector.shape_cast %convert_element_type3A_318 : vector<1x16xf32> to vector<1x16xf32>
        tpu.vector_store %arg11[%swap3A_319, %swap3A_320], %swap3A_323 {strides = array<i32>} : memref<80x128xf32, #tpu.memory_space<vmem>>, vector<1x16xf32>,
        %get3A_324 = arith.index_cast %add3A_156 : i32 to index
        %get3A_325 = arith.constant 112 : index
        %get3A_326 = tpu.vector_load %arg11[%get3A_324, %get3A_325] {strides = array<i32>} : memref<80x128xf32, #tpu.memory_space<vmem>>, vector<1x16xf32>,
        %get3A_327 = vector.shape_cast %get3A_326 : vector<1x16xf32> to vector<1x16xf32>
        %get3A_328 = arith.index_cast %add3A_156 : i32 to index
        %get3A_329 = arith.constant 112 : index
        %get3A_330 = tpu.vector_load %arg12[%get3A_328, %get3A_329] {strides = array<i32>} : memref<80x128xf32, #tpu.memory_space<vmem>>, vector<1x16xf32>,
        %get3A_331 = vector.shape_cast %get3A_330 : vector<1x16xf32> to vector<1x16xf32>
        %add3A_332 = arith.addf %get3A_327, %get3A_331 : vector<1x16xf32>
        %get3A_333 = arith.index_cast %add3A_156 : i32 to index
        %get3A_334 = arith.constant 112 : index
        %get3A_335 = tpu.vector_load %arg13[%get3A_333, %get3A_334] {strides = array<i32>} : memref<80x128xf32, #tpu.memory_space<vmem>>, vector<1x16xf32>,
        %get3A_336 = vector.shape_cast %get3A_335 : vector<1x16xf32> to vector<1x16xf32>
        %add3A_337 = arith.addf %add3A_332, %get3A_336 : vector<1x16xf32>
        %max3A_338 = arith.constant 0.000000e+00 : f32
        %max3A_339 = vector.broadcast %max3A_338 : f32 to vector<1x16xf32>
        %max3A_340 = arith.maximumf %add3A_337, %max3A_339 : vector<1x16xf32>
        %convert_element_type3A_341 = arith.truncf %max3A_340 : vector<1x16xf32> to vector<1x16xbf16>
        %convert_element_type3A_342 = arith.extf %convert_element_type3A_341 : vector<1x16xbf16> to vector<1x16xf32>
        %swap3A_343 = arith.index_cast %add3A_156 : i32 to index
        %swap3A_344 = arith.constant 112 : index
        %swap3A_345 = tpu.vector_load %arg11[%swap3A_343, %swap3A_344] {strides = array<i32>} : memref<80x128xf32, #tpu.memory_space<vmem>>, vector<1x16xf32>,
        %swap3A_346 = vector.shape_cast %swap3A_345 : vector<1x16xf32> to vector<1x16xf32>
        %swap3A_347 = vector.shape_cast %convert_element_type3A_342 : vector<1x16xf32> to vector<1x16xf32>
        tpu.vector_store %arg11[%swap3A_343, %swap3A_344], %swap3A_347 {strides = array<i32>} : memref<80x128xf32, #tpu.memory_space<vmem>>, vector<1x16xf32>,
      }
      %scan3A_151 = arith.constant 80 : i32
      "tpu.region"() ({
        %run_scoped3A = tpu.sem_alloc : memref<!tpu.dma_semaphore, #tpu.memory_space<semaphore_mem>>
        %dma_start3A_152 = arith.constant 0 : i32
        %dma_start3A_153 = arith.constant 0 : i32
        %dma_start3A_154 = tpu.memref_slice %arg15[%dma_start3A_152, %dma_start3A_153] : memref<10000x128xf32, #tpu.memory_space<vmem_shared>> -> memref<10000x128xf32, #tpu.memory_space<vmem_shared>>
        tpu.enqueue_indirect_dma source(%arg11 : memref<80x128xf32, #tpu.memory_space<vmem>>) target(%dma_start3A_154 : memref<10000x128xf32, #tpu.memory_space<vmem_shared>>) offsets(%arg8 : memref<80xi32, #tpu.memory_space<vmem>>) semaphore(%run_scoped3A : memref<!tpu.dma_semaphore, #tpu.memory_space<semaphore_mem>>) {add = true}
        %dma_wait3A_155 = arith.constant 0 : i32
        %dma_wait3A_156 = arith.constant 0 : i32
        %dma_wait3A_157 = tpu.memref_slice %arg15[%dma_wait3A_155, %dma_wait3A_156] : memref<10000x128xf32, #tpu.memory_space<vmem_shared>> -> memref<10000x128xf32, #tpu.memory_space<vmem_shared>>
        tpu.wait_indirect_dma semaphore(%run_scoped3A : memref<!tpu.dma_semaphore, #tpu.memory_space<semaphore_mem>>) src(%arg11 : memref<80x128xf32, #tpu.memory_space<vmem>>) dst(%dma_wait3A_157 : memref<10000x128xf32, #tpu.memory_space<vmem_shared>>)
        tpu.yield
      }) : () -> ()
    }
    %scan3A_19 = arith.constant 125 : i32
    %barrier3A_20 = arith.constant 0 : index
    tpu.barrier barrier_id(%barrier3A_20)
    %mul3A_21 = arith.constant 624 : i32
    %mul3A_22 = arith.muli %arg1, %mul3A_21 : i32
    %mul3A_23 = arith.constant 624 : i32
    %mul3A_24 = arith.muli %arg1, %mul3A_23 : i32
    %add3A = arith.addi %mul3A_0, %mul3A_24 : i32
    "tpu.region"() ({
      %run_scoped3A = tpu.sem_alloc : memref<!tpu.dma_semaphore, #tpu.memory_space<semaphore_mem>>
      %dma_start3A = arith.constant 0 : i32
      %dma_start3A_30 = tpu.memref_slice %arg7[%add3A, %dma_start3A] : memref<20000x128xf32, #tpu.memory_space<hbm>> -> memref<624x128xf32, #tpu.memory_space<hbm>>
      %dma_start3A_31 = arith.constant 0 : i32
      %dma_start3A_32 = tpu.memref_slice %arg15[%mul3A_22, %dma_start3A_31] : memref<10000x128xf32, #tpu.memory_space<vmem_shared>> -> memref<624x128xf32, #tpu.memory_space<vmem_shared>>
      tpu.enqueue_dma source(%dma_start3A_32 : memref<624x128xf32, #tpu.memory_space<vmem_shared>>) target(%dma_start3A_30 : memref<624x128xf32, #tpu.memory_space<hbm>>) target_semaphore(%run_scoped3A : memref<!tpu.dma_semaphore, #tpu.memory_space<semaphore_mem>>)
      %dma_wait3A = arith.constant 0 : i32
      %dma_wait3A_33 = tpu.memref_slice %arg7[%add3A, %dma_wait3A] : memref<20000x128xf32, #tpu.memory_space<hbm>> -> memref<624x128xf32, #tpu.memory_space<hbm>>
      %dma_wait3A_34 = arith.constant 0 : i32
      %dma_wait3A_35 = tpu.memref_slice %arg15[%mul3A_22, %dma_wait3A_34] : memref<10000x128xf32, #tpu.memory_space<vmem_shared>> -> memref<624x128xf32, #tpu.memory_space<vmem_shared>>
      tpu.wait_dma2 semaphore(%run_scoped3A : memref<!tpu.dma_semaphore, #tpu.memory_space<semaphore_mem>>) src(%dma_wait3A_35 : memref<624x128xf32, #tpu.memory_space<vmem_shared>>) dst(%dma_wait3A_33 : memref<624x128xf32, #tpu.memory_space<hbm>>)
      tpu.yield
    }) : () -> ()
    %eq3A_25 = arith.constant 15 : i32
    %eq3A_26 = arith.cmpi eq, %arg1, %eq3A_25 : i32
    %convert_element_type3A_27 = arith.extui %eq3A_26 : i1 to i32
    %cond3A_28 = arith.constant 0 : i32
    %cond3A_29 = arith.cmpi ne, %convert_element_type3A_27, %cond3A_28 : i32
    scf.if %cond3A_29 {
      %add3A_30 = arith.constant 9984 : i32
      %add3A_31 = arith.addi %mul3A_0, %add3A_30 : i32
      "tpu.region"() ({
        %run_scoped3A = tpu.sem_alloc : memref<!tpu.dma_semaphore, #tpu.memory_space<semaphore_mem>>
        %dma_start3A = arith.constant 0 : i32
        %dma_start3A_32 = tpu.memref_slice %arg7[%add3A_31, %dma_start3A] : memref<20000x128xf32, #tpu.memory_space<hbm>> -> memref<16x128xf32, #tpu.memory_space<hbm>>
        %dma_start3A_33 = arith.constant 9984 : i32
        %dma_start3A_34 = arith.constant 0 : i32
        %dma_start3A_35 = tpu.memref_slice %arg15[%dma_start3A_33, %dma_start3A_34] : memref<10000x128xf32, #tpu.memory_space<vmem_shared>> -> memref<16x128xf32, #tpu.memory_space<vmem_shared>>
        tpu.enqueue_dma source(%dma_start3A_35 : memref<16x128xf32, #tpu.memory_space<vmem_shared>>) target(%dma_start3A_32 : memref<16x128xf32, #tpu.memory_space<hbm>>) target_semaphore(%run_scoped3A : memref<!tpu.dma_semaphore, #tpu.memory_space<semaphore_mem>>)
        %dma_wait3A = arith.constant 0 : i32
        %dma_wait3A_36 = tpu.memref_slice %arg7[%add3A_31, %dma_wait3A] : memref<20000x128xf32, #tpu.memory_space<hbm>> -> memref<16x128xf32, #tpu.memory_space<hbm>>
        %dma_wait3A_37 = arith.constant 9984 : i32
        %dma_wait3A_38 = arith.constant 0 : i32
        %dma_wait3A_39 = tpu.memref_slice %arg15[%dma_wait3A_37, %dma_wait3A_38] : memref<10000x128xf32, #tpu.memory_space<vmem_shared>> -> memref<16x128xf32, #tpu.memory_space<vmem_shared>>
        tpu.wait_dma2 semaphore(%run_scoped3A : memref<!tpu.dma_semaphore, #tpu.memory_space<semaphore_mem>>) src(%dma_wait3A_39 : memref<16x128xf32, #tpu.memory_space<vmem_shared>>) dst(%dma_wait3A_36 : memref<16x128xf32, #tpu.memory_space<hbm>>)
        tpu.yield
      }) : () -> ()
    } else {
    }
    return
  }
}

module attributes {stable_mosaic.version = 14 : i64} {
  func.func @_ab_body(%arg0: memref<10000x256xf32, #tpu.memory_space<vmem>>, %arg1: memref<256x256xf32, #tpu.memory_space<vmem>>, %arg2: memref<256x256xf32, #tpu.memory_space<vmem>>, %arg3: memref<2x10000x128xf32, #tpu.memory_space<vmem>>, %arg4: memref<2x10000x128xf32, #tpu.memory_space<vmem>>) attributes {dimension_semantics = [], scalar_prefetch = 0 : i64, scratch_operands = 0 : i64, tpu.core_type = #tpu.core_type<tc>} {
    %get3A = arith.constant 0 : index
    %get3A_0 = arith.constant 0 : index
    %get3A_1 = vector.load %arg0[%get3A, %get3A_0] : memref<10000x256xf32, #tpu.memory_space<vmem>>, vector<10000x256xf32>
    %get3A_2 = arith.constant 0 : index
    %get3A_3 = arith.constant 0 : index
    %get3A_4 = vector.load %arg1[%get3A_2, %get3A_3] : memref<256x256xf32, #tpu.memory_space<vmem>>, vector<256x256xf32>
    %convert_element_type3A = arith.truncf %get3A_1 : vector<10000x256xf32> to vector<10000x256xbf16>
    %convert_element_type3A_5 = arith.truncf %get3A_4 : vector<256x256xf32> to vector<256x256xbf16>
    %dot_general3A = arith.constant dense<0.000000e+00> : vector<10000x256xf32>
    %dot_general3A_6 = tpu.matmul %convert_element_type3A, %convert_element_type3A_5, %dot_general3A {dimension_numbers = #tpu.dot_dimension_numbers<[1], [1], [0], [0], [0, 0, 1, 0], [], []>, transpose_lhs_hint = false} : vector<10000x256xbf16>, vector<256x256xbf16>, vector<10000x256xf32> -> vector<10000x256xf32>
    %get3A_7 = arith.constant 0 : index
    %get3A_8 = arith.constant 0 : index
    %get3A_9 = vector.load %arg2[%get3A_7, %get3A_8] : memref<256x256xf32, #tpu.memory_space<vmem>>, vector<256x256xf32>
    %convert_element_type3A_10 = arith.truncf %get3A_1 : vector<10000x256xf32> to vector<10000x256xbf16>
    %convert_element_type3A_11 = arith.truncf %get3A_9 : vector<256x256xf32> to vector<256x256xbf16>
    %dot_general3A_12 = arith.constant dense<0.000000e+00> : vector<10000x256xf32>
    %dot_general3A_13 = tpu.matmul %convert_element_type3A_10, %convert_element_type3A_11, %dot_general3A_12 {dimension_numbers = #tpu.dot_dimension_numbers<[1], [1], [0], [0], [0, 0, 1, 0], [], []>, transpose_lhs_hint = false} : vector<10000x256xbf16>, vector<256x256xbf16>, vector<10000x256xf32> -> vector<10000x256xf32>
    %slice3A = vector.extract_strided_slice %dot_general3A_6 {offsets = [0, 0], sizes = [10000, 128], strides = [1, 1]} : vector<10000x256xf32> to vector<10000x128xf32>
    %swap3A = arith.constant 0 : index
    %swap3A_14 = arith.constant 0 : index
    %swap3A_15 = arith.constant 0 : index
    %swap3A_16 = vector.load %arg3[%swap3A, %swap3A_14, %swap3A_15] : memref<2x10000x128xf32, #tpu.memory_space<vmem>>, vector<1x10000x128xf32>
    %swap3A_17 = vector.shape_cast %swap3A_16 : vector<1x10000x128xf32> to vector<10000x128xf32>
    %swap3A_18 = vector.shape_cast %slice3A : vector<10000x128xf32> to vector<1x10000x128xf32>
    tpu.vector_store %arg3[%swap3A, %swap3A_14, %swap3A_15], %swap3A_18 {strides = array<i32>} : memref<2x10000x128xf32, #tpu.memory_space<vmem>>, vector<1x10000x128xf32>,
    %slice3A_19 = vector.extract_strided_slice %dot_general3A_6 {offsets = [0, 128], sizes = [10000, 128], strides = [1, 1]} : vector<10000x256xf32> to vector<10000x128xf32>
    %swap3A_20 = arith.constant 1 : index
    %swap3A_21 = arith.constant 0 : index
    %swap3A_22 = arith.constant 0 : index
    %swap3A_23 = vector.load %arg3[%swap3A_20, %swap3A_21, %swap3A_22] : memref<2x10000x128xf32, #tpu.memory_space<vmem>>, vector<1x10000x128xf32>
    %swap3A_24 = vector.shape_cast %swap3A_23 : vector<1x10000x128xf32> to vector<10000x128xf32>
    %swap3A_25 = vector.shape_cast %slice3A_19 : vector<10000x128xf32> to vector<1x10000x128xf32>
    tpu.vector_store %arg3[%swap3A_20, %swap3A_21, %swap3A_22], %swap3A_25 {strides = array<i32>} : memref<2x10000x128xf32, #tpu.memory_space<vmem>>, vector<1x10000x128xf32>,
    %slice3A_26 = vector.extract_strided_slice %dot_general3A_13 {offsets = [0, 0], sizes = [10000, 128], strides = [1, 1]} : vector<10000x256xf32> to vector<10000x128xf32>
    %swap3A_27 = arith.constant 0 : index
    %swap3A_28 = arith.constant 0 : index
    %swap3A_29 = arith.constant 0 : index
    %swap3A_30 = vector.load %arg4[%swap3A_27, %swap3A_28, %swap3A_29] : memref<2x10000x128xf32, #tpu.memory_space<vmem>>, vector<1x10000x128xf32>
    %swap3A_31 = vector.shape_cast %swap3A_30 : vector<1x10000x128xf32> to vector<10000x128xf32>
    %swap3A_32 = vector.shape_cast %slice3A_26 : vector<10000x128xf32> to vector<1x10000x128xf32>
    tpu.vector_store %arg4[%swap3A_27, %swap3A_28, %swap3A_29], %swap3A_32 {strides = array<i32>} : memref<2x10000x128xf32, #tpu.memory_space<vmem>>, vector<1x10000x128xf32>,
    %slice3A_33 = vector.extract_strided_slice %dot_general3A_13 {offsets = [0, 128], sizes = [10000, 128], strides = [1, 1]} : vector<10000x256xf32> to vector<10000x128xf32>
    %swap3A_34 = arith.constant 1 : index
    %swap3A_35 = arith.constant 0 : index
    %swap3A_36 = arith.constant 0 : index
    %swap3A_37 = vector.load %arg4[%swap3A_34, %swap3A_35, %swap3A_36] : memref<2x10000x128xf32, #tpu.memory_space<vmem>>, vector<1x10000x128xf32>
    %swap3A_38 = vector.shape_cast %swap3A_37 : vector<1x10000x128xf32> to vector<10000x128xf32>
    %swap3A_39 = vector.shape_cast %slice3A_33 : vector<10000x128xf32> to vector<1x10000x128xf32>
    tpu.vector_store %arg4[%swap3A_34, %swap3A_35, %swap3A_36], %swap3A_39 {strides = array<i32>} : memref<2x10000x128xf32, #tpu.memory_space<vmem>>, vector<1x10000x128xf32>,
    return
  }
}

module attributes {stable_mosaic.version = 14 : i64} {
  func.func @_h0_body(%arg0: memref<10000x256xf32, #tpu.memory_space<vmem>>, %arg1: memref<256x256xf32, #tpu.memory_space<vmem>>, %arg2: memref<1x256xf32, #tpu.memory_space<vmem>>, %arg3: memref<10000x256xf32, #tpu.memory_space<vmem>>) attributes {dimension_semantics = [], scalar_prefetch = 0 : i64, scratch_operands = 0 : i64, tpu.core_type = #tpu.core_type<tc>} {
    %get3A = arith.constant 0 : index
    %get3A_0 = arith.constant 0 : index
    %get3A_1 = vector.load %arg0[%get3A, %get3A_0] : memref<10000x256xf32, #tpu.memory_space<vmem>>, vector<10000x256xf32>
    %get3A_2 = arith.constant 0 : index
    %get3A_3 = arith.constant 0 : index
    %get3A_4 = vector.load %arg1[%get3A_2, %get3A_3] : memref<256x256xf32, #tpu.memory_space<vmem>>, vector<256x256xf32>
    %convert_element_type3A = arith.truncf %get3A_1 : vector<10000x256xf32> to vector<10000x256xbf16>
    %convert_element_type3A_5 = arith.truncf %get3A_4 : vector<256x256xf32> to vector<256x256xbf16>
    %dot_general3A = arith.constant dense<0.000000e+00> : vector<10000x256xf32>
    %dot_general3A_6 = tpu.matmul %convert_element_type3A, %convert_element_type3A_5, %dot_general3A {dimension_numbers = #tpu.dot_dimension_numbers<[1], [1], [0], [0], [0, 0, 1, 0], [], []>, transpose_lhs_hint = false} : vector<10000x256xbf16>, vector<256x256xbf16>, vector<10000x256xf32> -> vector<10000x256xf32>
    %get3A_7 = arith.constant 0 : index
    %get3A_8 = arith.constant 0 : index
    %get3A_9 = vector.load %arg2[%get3A_7, %get3A_8] : memref<1x256xf32, #tpu.memory_space<vmem>>, vector<1x256xf32>
    %add3A = vector.broadcast %get3A_9 : vector<1x256xf32> to vector<10000x256xf32>
    %add3A_10 = arith.addf %dot_general3A_6, %add3A : vector<10000x256xf32>
    %swap3A = arith.constant 0 : index
    %swap3A_11 = arith.constant 0 : index
    %swap3A_12 = vector.load %arg3[%swap3A, %swap3A_11] : memref<10000x256xf32, #tpu.memory_space<vmem>>, vector<10000x256xf32>
    tpu.vector_store %arg3[%swap3A, %swap3A_11], %add3A_10 {strides = array<i32>} : memref<10000x256xf32, #tpu.memory_space<vmem>>, vector<10000x256xf32>,
    return
  }
}

module attributes {stable_mosaic.version = 14 : i64} {
  func.func @_cgen_body(%arg0: i32, %arg1: memref<4000x16xf32, #tpu.memory_space<vmem>>, %arg2: memref<256x16xf32, #tpu.memory_space<vmem>>, %arg3: memref<1x256xf32, #tpu.memory_space<vmem>>, %arg4: memref<3x256x256xf32, #tpu.memory_space<vmem>>, %arg5: memref<3x1x256xf32, #tpu.memory_space<vmem>>, %arg6: memref<2x4000x128xf32, #tpu.memory_space<vmem>>, %arg7: memref<2x4000x128xf32, #tpu.memory_space<vmem>>, %arg8: memref<2x4000x128xf32, #tpu.memory_space<vmem>>) attributes {dimension_semantics = [#tpu.dimension_semantics<arbitrary>], iteration_bounds = array<i64: 40>, scalar_prefetch = 0 : i64, scratch_operands = 0 : i64, tpu.core_type = #tpu.core_type<tc>, window_params = [{transform_indices = @transform_0, window_bounds = array<i64: 4000, 16>}, {pipeline_mode = #tpu.pipeline_mode<synchronous>, transform_indices = @transform_1, window_bounds = array<i64: 256, 16>}, {pipeline_mode = #tpu.pipeline_mode<synchronous>, transform_indices = @transform_2, window_bounds = array<i64: 1, 256>}, {pipeline_mode = #tpu.pipeline_mode<synchronous>, transform_indices = @transform_3, window_bounds = array<i64: 3, 256, 256>}, {pipeline_mode = #tpu.pipeline_mode<synchronous>, transform_indices = @transform_4, window_bounds = array<i64: 3, 1, 256>}, {transform_indices = @transform_5, window_bounds = array<i64: 2, 4000, 128>}, {transform_indices = @transform_6, window_bounds = array<i64: 2, 4000, 128>}, {transform_indices = @transform_7, window_bounds = array<i64: 2, 4000, 128>}]} {
    %get3A = arith.constant 0 : index
    %get3A_0 = arith.constant 0 : index
    %get3A_1 = vector.load %arg1[%get3A, %get3A_0] : memref<4000x16xf32, #tpu.memory_space<vmem>>, vector<4000x16xf32>
    %get3A_2 = arith.constant 0 : index
    %get3A_3 = arith.constant 0 : index
    %get3A_4 = vector.load %arg2[%get3A_2, %get3A_3] : memref<256x16xf32, #tpu.memory_space<vmem>>, vector<256x16xf32>
    %convert_element_type3A = arith.truncf %get3A_1 : vector<4000x16xf32> to vector<4000x16xbf16>
    %convert_element_type3A_5 = arith.truncf %get3A_4 : vector<256x16xf32> to vector<256x16xbf16>
    %dot_general3A = arith.constant dense<0.000000e+00> : vector<4000x256xf32>
    %dot_general3A_6 = tpu.matmul %convert_element_type3A, %convert_element_type3A_5, %dot_general3A {dimension_numbers = #tpu.dot_dimension_numbers<[1], [1], [0], [0], [0, 0, 1, 0], [], []>, transpose_lhs_hint = false} : vector<4000x16xbf16>, vector<256x16xbf16>, vector<4000x256xf32> -> vector<4000x256xf32>
    %get3A_7 = arith.constant 0 : index
    %get3A_8 = arith.constant 0 : index
    %get3A_9 = vector.load %arg3[%get3A_7, %get3A_8] : memref<1x256xf32, #tpu.memory_space<vmem>>, vector<1x256xf32>
    %add3A = vector.broadcast %get3A_9 : vector<1x256xf32> to vector<4000x256xf32>
    %add3A_10 = arith.addf %dot_general3A_6, %add3A : vector<4000x256xf32>
    %get3A_11 = arith.constant 0 : index
    %get3A_12 = arith.constant 0 : index
    %get3A_13 = arith.constant 0 : index
    %get3A_14 = vector.load %arg4[%get3A_11, %get3A_12, %get3A_13] : memref<3x256x256xf32, #tpu.memory_space<vmem>>, vector<3x256x256xf32>
    %get3A_15 = arith.constant 0 : index
    %get3A_16 = arith.constant 0 : index
    %get3A_17 = arith.constant 0 : index
    %get3A_18 = vector.load %arg5[%get3A_15, %get3A_16, %get3A_17] : memref<3x1x256xf32, #tpu.memory_space<vmem>>, vector<3x1x256xf32>
    %slice3A = vector.extract_strided_slice %get3A_14 {offsets = [0, 0, 0], sizes = [1, 256, 256], strides = [1, 1, 1]} : vector<3x256x256xf32> to vector<1x256x256xf32>
    %squeeze3A = vector.shape_cast %slice3A : vector<1x256x256xf32> to vector<256x256xf32>
    %convert_element_type3A_19 = arith.truncf %add3A_10 : vector<4000x256xf32> to vector<4000x256xbf16>
    %convert_element_type3A_20 = arith.truncf %squeeze3A : vector<256x256xf32> to vector<256x256xbf16>
    %dot_general3A_21 = arith.constant dense<0.000000e+00> : vector<4000x256xf32>
    %dot_general3A_22 = tpu.matmul %convert_element_type3A_19, %convert_element_type3A_20, %dot_general3A_21 {dimension_numbers = #tpu.dot_dimension_numbers<[1], [1], [0], [0], [0, 0, 1, 0], [], []>, transpose_lhs_hint = false} : vector<4000x256xbf16>, vector<256x256xbf16>, vector<4000x256xf32> -> vector<4000x256xf32>
    %slice3A_23 = vector.extract_strided_slice %get3A_18 {offsets = [0, 0, 0], sizes = [1, 1, 256], strides = [1, 1, 1]} : vector<3x1x256xf32> to vector<1x1x256xf32>
    %squeeze3A_24 = vector.shape_cast %slice3A_23 : vector<1x1x256xf32> to vector<1x256xf32>
    %add3A_25 = vector.broadcast %squeeze3A_24 : vector<1x256xf32> to vector<4000x256xf32>
    %add3A_26 = arith.addf %dot_general3A_22, %add3A_25 : vector<4000x256xf32>
    %slice3A_27 = vector.extract_strided_slice %add3A_26 {offsets = [0, 0], sizes = [4000, 128], strides = [1, 1]} : vector<4000x256xf32> to vector<4000x128xf32>
    %swap3A = arith.constant 0 : index
    %swap3A_28 = arith.constant 0 : index
    %swap3A_29 = arith.constant 0 : index
    %swap3A_30 = vector.load %arg6[%swap3A, %swap3A_28, %swap3A_29] : memref<2x4000x128xf32, #tpu.memory_space<vmem>>, vector<1x4000x128xf32>
    %swap3A_31 = vector.shape_cast %swap3A_30 : vector<1x4000x128xf32> to vector<4000x128xf32>
    %swap3A_32 = vector.shape_cast %slice3A_27 : vector<4000x128xf32> to vector<1x4000x128xf32>
    tpu.vector_store %arg6[%swap3A, %swap3A_28, %swap3A_29], %swap3A_32 {strides = array<i32>} : memref<2x4000x128xf32, #tpu.memory_space<vmem>>, vector<1x4000x128xf32>,
    %slice3A_33 = vector.extract_strided_slice %add3A_26 {offsets = [0, 128], sizes = [4000, 128], strides = [1, 1]} : vector<4000x256xf32> to vector<4000x128xf32>
    %swap3A_34 = arith.constant 1 : index
    %swap3A_35 = arith.constant 0 : index
    %swap3A_36 = arith.constant 0 : index
    %swap3A_37 = vector.load %arg6[%swap3A_34, %swap3A_35, %swap3A_36] : memref<2x4000x128xf32, #tpu.memory_space<vmem>>, vector<1x4000x128xf32>
    %swap3A_38 = vector.shape_cast %swap3A_37 : vector<1x4000x128xf32> to vector<4000x128xf32>
    %swap3A_39 = vector.shape_cast %slice3A_33 : vector<4000x128xf32> to vector<1x4000x128xf32>
    tpu.vector_store %arg6[%swap3A_34, %swap3A_35, %swap3A_36], %swap3A_39 {strides = array<i32>} : memref<2x4000x128xf32, #tpu.memory_space<vmem>>, vector<1x4000x128xf32>,
    %slice3A_40 = vector.extract_strided_slice %get3A_14 {offsets = [1, 0, 0], sizes = [1, 256, 256], strides = [1, 1, 1]} : vector<3x256x256xf32> to vector<1x256x256xf32>
    %squeeze3A_41 = vector.shape_cast %slice3A_40 : vector<1x256x256xf32> to vector<256x256xf32>
    %convert_element_type3A_42 = arith.truncf %add3A_10 : vector<4000x256xf32> to vector<4000x256xbf16>
    %convert_element_type3A_43 = arith.truncf %squeeze3A_41 : vector<256x256xf32> to vector<256x256xbf16>
    %dot_general3A_44 = arith.constant dense<0.000000e+00> : vector<4000x256xf32>
    %dot_general3A_45 = tpu.matmul %convert_element_type3A_42, %convert_element_type3A_43, %dot_general3A_44 {dimension_numbers = #tpu.dot_dimension_numbers<[1], [1], [0], [0], [0, 0, 1, 0], [], []>, transpose_lhs_hint = false} : vector<4000x256xbf16>, vector<256x256xbf16>, vector<4000x256xf32> -> vector<4000x256xf32>
    %slice3A_46 = vector.extract_strided_slice %get3A_18 {offsets = [1, 0, 0], sizes = [1, 1, 256], strides = [1, 1, 1]} : vector<3x1x256xf32> to vector<1x1x256xf32>
    %squeeze3A_47 = vector.shape_cast %slice3A_46 : vector<1x1x256xf32> to vector<1x256xf32>
    %add3A_48 = vector.broadcast %squeeze3A_47 : vector<1x256xf32> to vector<4000x256xf32>
    %add3A_49 = arith.addf %dot_general3A_45, %add3A_48 : vector<4000x256xf32>
    %slice3A_50 = vector.extract_strided_slice %add3A_49 {offsets = [0, 0], sizes = [4000, 128], strides = [1, 1]} : vector<4000x256xf32> to vector<4000x128xf32>
    %swap3A_51 = arith.constant 0 : index
    %swap3A_52 = arith.constant 0 : index
    %swap3A_53 = arith.constant 0 : index
    %swap3A_54 = vector.load %arg7[%swap3A_51, %swap3A_52, %swap3A_53] : memref<2x4000x128xf32, #tpu.memory_space<vmem>>, vector<1x4000x128xf32>
    %swap3A_55 = vector.shape_cast %swap3A_54 : vector<1x4000x128xf32> to vector<4000x128xf32>
    %swap3A_56 = vector.shape_cast %slice3A_50 : vector<4000x128xf32> to vector<1x4000x128xf32>
    tpu.vector_store %arg7[%swap3A_51, %swap3A_52, %swap3A_53], %swap3A_56 {strides = array<i32>} : memref<2x4000x128xf32, #tpu.memory_space<vmem>>, vector<1x4000x128xf32>,
    %slice3A_57 = vector.extract_strided_slice %add3A_49 {offsets = [0, 128], sizes = [4000, 128], strides = [1, 1]} : vector<4000x256xf32> to vector<4000x128xf32>
    %swap3A_58 = arith.constant 1 : index
    %swap3A_59 = arith.constant 0 : index
    %swap3A_60 = arith.constant 0 : index
    %swap3A_61 = vector.load %arg7[%swap3A_58, %swap3A_59, %swap3A_60] : memref<2x4000x128xf32, #tpu.memory_space<vmem>>, vector<1x4000x128xf32>
    %swap3A_62 = vector.shape_cast %swap3A_61 : vector<1x4000x128xf32> to vector<4000x128xf32>
    %swap3A_63 = vector.shape_cast %slice3A_57 : vector<4000x128xf32> to vector<1x4000x128xf32>
    tpu.vector_store %arg7[%swap3A_58, %swap3A_59, %swap3A_60], %swap3A_63 {strides = array<i32>} : memref<2x4000x128xf32, #tpu.memory_space<vmem>>, vector<1x4000x128xf32>,
    %slice3A_64 = vector.extract_strided_slice %get3A_14 {offsets = [2, 0, 0], sizes = [1, 256, 256], strides = [1, 1, 1]} : vector<3x256x256xf32> to vector<1x256x256xf32>
    %squeeze3A_65 = vector.shape_cast %slice3A_64 : vector<1x256x256xf32> to vector<256x256xf32>
    %convert_element_type3A_66 = arith.truncf %add3A_10 : vector<4000x256xf32> to vector<4000x256xbf16>
    %convert_element_type3A_67 = arith.truncf %squeeze3A_65 : vector<256x256xf32> to vector<256x256xbf16>
    %dot_general3A_68 = arith.constant dense<0.000000e+00> : vector<4000x256xf32>
    %dot_general3A_69 = tpu.matmul %convert_element_type3A_66, %convert_element_type3A_67, %dot_general3A_68 {dimension_numbers = #tpu.dot_dimension_numbers<[1], [1], [0], [0], [0, 0, 1, 0], [], []>, transpose_lhs_hint = false} : vector<4000x256xbf16>, vector<256x256xbf16>, vector<4000x256xf32> -> vector<4000x256xf32>
    %slice3A_70 = vector.extract_strided_slice %get3A_18 {offsets = [2, 0, 0], sizes = [1, 1, 256], strides = [1, 1, 1]} : vector<3x1x256xf32> to vector<1x1x256xf32>
    %squeeze3A_71 = vector.shape_cast %slice3A_70 : vector<1x1x256xf32> to vector<1x256xf32>
    %add3A_72 = vector.broadcast %squeeze3A_71 : vector<1x256xf32> to vector<4000x256xf32>
    %add3A_73 = arith.addf %dot_general3A_69, %add3A_72 : vector<4000x256xf32>
    %slice3A_74 = vector.extract_strided_slice %add3A_73 {offsets = [0, 0], sizes = [4000, 128], strides = [1, 1]} : vector<4000x256xf32> to vector<4000x128xf32>
    %swap3A_75 = arith.constant 0 : index
    %swap3A_76 = arith.constant 0 : index
    %swap3A_77 = arith.constant 0 : index
    %swap3A_78 = vector.load %arg8[%swap3A_75, %swap3A_76, %swap3A_77] : memref<2x4000x128xf32, #tpu.memory_space<vmem>>, vector<1x4000x128xf32>
    %swap3A_79 = vector.shape_cast %swap3A_78 : vector<1x4000x128xf32> to vector<4000x128xf32>
    %swap3A_80 = vector.shape_cast %slice3A_74 : vector<4000x128xf32> to vector<1x4000x128xf32>
    tpu.vector_store %arg8[%swap3A_75, %swap3A_76, %swap3A_77], %swap3A_80 {strides = array<i32>} : memref<2x4000x128xf32, #tpu.memory_space<vmem>>, vector<1x4000x128xf32>,
    %slice3A_81 = vector.extract_strided_slice %add3A_73 {offsets = [0, 128], sizes = [4000, 128], strides = [1, 1]} : vector<4000x256xf32> to vector<4000x128xf32>
    %swap3A_82 = arith.constant 1 : index
    %swap3A_83 = arith.constant 0 : index
    %swap3A_84 = arith.constant 0 : index
    %swap3A_85 = vector.load %arg8[%swap3A_82, %swap3A_83, %swap3A_84] : memref<2x4000x128xf32, #tpu.memory_space<vmem>>, vector<1x4000x128xf32>
    %swap3A_86 = vector.shape_cast %swap3A_85 : vector<1x4000x128xf32> to vector<4000x128xf32>
    %swap3A_87 = vector.shape_cast %slice3A_81 : vector<4000x128xf32> to vector<1x4000x128xf32>
    tpu.vector_store %arg8[%swap3A_82, %swap3A_83, %swap3A_84], %swap3A_87 {strides = array<i32>} : memref<2x4000x128xf32, #tpu.memory_space<vmem>>, vector<1x4000x128xf32>,
    return
  }
  func.func @transform_0(%arg0: i32) -> (i32, i32) {
    %c0_i32 = arith.constant 0 : i32
    %c0_i32_0 = arith.constant 0 : i32
    return %arg0, %c0_i32 : i32, i32
  }
  func.func @transform_1(%arg0: i32) -> (i32, i32) {
    %c0_i32 = arith.constant 0 : i32
    %c0_i32_0 = arith.constant 0 : i32
    %c0_i32_1 = arith.constant 0 : i32
    return %c0_i32, %c0_i32_0 : i32, i32
  }
  func.func @transform_2(%arg0: i32) -> (i32, i32) {
    %c0_i32 = arith.constant 0 : i32
    %c0_i32_0 = arith.constant 0 : i32
    %c0_i32_1 = arith.constant 0 : i32
    return %c0_i32, %c0_i32_0 : i32, i32
  }
  func.func @transform_3(%arg0: i32) -> (i32, i32, i32) {
    %c0_i32 = arith.constant 0 : i32
    %c0_i32_0 = arith.constant 0 : i32
    %c0_i32_1 = arith.constant 0 : i32
    %c0_i32_2 = arith.constant 0 : i32
    return %c0_i32, %c0_i32_0, %c0_i32_1 : i32, i32, i32
  }
  func.func @transform_4(%arg0: i32) -> (i32, i32, i32) {
    %c0_i32 = arith.constant 0 : i32
    %c0_i32_0 = arith.constant 0 : i32
    %c0_i32_1 = arith.constant 0 : i32
    %c0_i32_2 = arith.constant 0 : i32
    return %c0_i32, %c0_i32_0, %c0_i32_1 : i32, i32, i32
  }
  func.func @transform_5(%arg0: i32) -> (i32, i32, i32) {
    %c0_i32 = arith.constant 0 : i32
    %c0_i32_0 = arith.constant 0 : i32
    %c0_i32_1 = arith.constant 0 : i32
    return %c0_i32, %arg0, %c0_i32_0 : i32, i32, i32
  }
  func.func @transform_6(%arg0: i32) -> (i32, i32, i32) {
    %c0_i32 = arith.constant 0 : i32
    %c0_i32_0 = arith.constant 0 : i32
    %c0_i32_1 = arith.constant 0 : i32
    return %c0_i32, %arg0, %c0_i32_0 : i32, i32, i32
  }
  func.func @transform_7(%arg0: i32) -> (i32, i32, i32) {
    %c0_i32 = arith.constant 0 : i32
    %c0_i32_0 = arith.constant 0 : i32
    %c0_i32_1 = arith.constant 0 : i32
    return %c0_i32, %arg0, %c0_i32_0 : i32, i32, i32
  }
}

module attributes {stable_mosaic.version = 14 : i64} {
  func.func @_bn_body(%arg0: memref<2x10000x128xf32, #tpu.memory_space<vmem>>, %arg1: memref<256x256xf32, #tpu.memory_space<vmem>>, %arg2: memref<1x256xf32, #tpu.memory_space<vmem>>, %arg3: memref<1x256xf32, #tpu.memory_space<vmem>>, %arg4: memref<10000x256xf32, #tpu.memory_space<vmem>>) attributes {dimension_semantics = [], scalar_prefetch = 0 : i64, scratch_operands = 0 : i64, tpu.core_type = #tpu.core_type<tc>} {
    %get3A = arith.constant 0 : index
    %get3A_0 = arith.constant 0 : index
    %get3A_1 = vector.load %arg1[%get3A, %get3A_0] : memref<256x256xf32, #tpu.memory_space<vmem>>, vector<256x256xf32>
    %get3A_2 = arith.constant 0 : index
    %get3A_3 = arith.constant 0 : index
    %get3A_4 = arith.constant 0 : index
    %get3A_5 = vector.load %arg0[%get3A_2, %get3A_3, %get3A_4] : memref<2x10000x128xf32, #tpu.memory_space<vmem>>, vector<1x10000x128xf32>
    %get3A_6 = vector.shape_cast %get3A_5 : vector<1x10000x128xf32> to vector<10000x128xf32>
    %slice3A = vector.extract_strided_slice %get3A_1 {offsets = [0, 0], sizes = [256, 128], strides = [1, 1]} : vector<256x256xf32> to vector<256x128xf32>
    %convert_element_type3A = arith.truncf %get3A_6 : vector<10000x128xf32> to vector<10000x128xbf16>
    %convert_element_type3A_7 = arith.extf %convert_element_type3A : vector<10000x128xbf16> to vector<10000x128xf32>
    %sub3A = arith.subf %get3A_6, %convert_element_type3A_7 : vector<10000x128xf32>
    %convert_element_type3A_8 = arith.truncf %sub3A : vector<10000x128xf32> to vector<10000x128xbf16>
    %convert_element_type3A_9 = arith.truncf %slice3A : vector<256x128xf32> to vector<256x128xbf16>
    %dot_general3A = arith.constant dense<0.000000e+00> : vector<10000x256xf32>
    %dot_general3A_10 = tpu.matmul %convert_element_type3A, %convert_element_type3A_9, %dot_general3A {dimension_numbers = #tpu.dot_dimension_numbers<[1], [1], [0], [0], [0, 0, 1, 0], [], []>, transpose_lhs_hint = false} : vector<10000x128xbf16>, vector<256x128xbf16>, vector<10000x256xf32> -> vector<10000x256xf32>
    %dot_general3A_11 = arith.constant dense<0.000000e+00> : vector<10000x256xf32>
    %dot_general3A_12 = tpu.matmul %convert_element_type3A_8, %convert_element_type3A_9, %dot_general3A_11 {dimension_numbers = #tpu.dot_dimension_numbers<[1], [1], [0], [0], [0, 0, 1, 0], [], []>, transpose_lhs_hint = false} : vector<10000x128xbf16>, vector<256x128xbf16>, vector<10000x256xf32> -> vector<10000x256xf32>
    %add3A = arith.addf %dot_general3A_10, %dot_general3A_12 : vector<10000x256xf32>
    %get3A_13 = arith.constant 1 : index
    %get3A_14 = arith.constant 0 : index
    %get3A_15 = arith.constant 0 : index
    %get3A_16 = vector.load %arg0[%get3A_13, %get3A_14, %get3A_15] : memref<2x10000x128xf32, #tpu.memory_space<vmem>>, vector<1x10000x128xf32>
    %get3A_17 = vector.shape_cast %get3A_16 : vector<1x10000x128xf32> to vector<10000x128xf32>
    %slice3A_18 = vector.extract_strided_slice %get3A_1 {offsets = [0, 128], sizes = [256, 128], strides = [1, 1]} : vector<256x256xf32> to vector<256x128xf32>
    %convert_element_type3A_19 = arith.truncf %get3A_17 : vector<10000x128xf32> to vector<10000x128xbf16>
    %convert_element_type3A_20 = arith.extf %convert_element_type3A_19 : vector<10000x128xbf16> to vector<10000x128xf32>
    %sub3A_21 = arith.subf %get3A_17, %convert_element_type3A_20 : vector<10000x128xf32>
    %convert_element_type3A_22 = arith.truncf %sub3A_21 : vector<10000x128xf32> to vector<10000x128xbf16>
    %convert_element_type3A_23 = arith.truncf %slice3A_18 : vector<256x128xf32> to vector<256x128xbf16>
    %dot_general3A_24 = arith.constant dense<0.000000e+00> : vector<10000x256xf32>
    %dot_general3A_25 = tpu.matmul %convert_element_type3A_19, %convert_element_type3A_23, %dot_general3A_24 {dimension_numbers = #tpu.dot_dimension_numbers<[1], [1], [0], [0], [0, 0, 1, 0], [], []>, transpose_lhs_hint = false} : vector<10000x128xbf16>, vector<256x128xbf16>, vector<10000x256xf32> -> vector<10000x256xf32>
    %dot_general3A_26 = arith.constant dense<0.000000e+00> : vector<10000x256xf32>
    %dot_general3A_27 = tpu.matmul %convert_element_type3A_22, %convert_element_type3A_23, %dot_general3A_26 {dimension_numbers = #tpu.dot_dimension_numbers<[1], [1], [0], [0], [0, 0, 1, 0], [], []>, transpose_lhs_hint = false} : vector<10000x128xbf16>, vector<256x128xbf16>, vector<10000x256xf32> -> vector<10000x256xf32>
    %add3A_28 = arith.addf %dot_general3A_25, %dot_general3A_27 : vector<10000x256xf32>
    %add3A_29 = arith.addf %add3A, %add3A_28 : vector<10000x256xf32>
    %reduce_sum3A = arith.constant dense<0.000000e+00> : vector<256xf32>
    %reduce_sum3A_30 = vector.multi_reduction <add>, %add3A_29, %reduce_sum3A [0] : vector<10000x256xf32> to vector<256xf32>
    %broadcast_in_dim3A = vector.shape_cast %reduce_sum3A_30 : vector<256xf32> to vector<1x256xf32>
    %div3A = arith.constant 1.000000e+04 : f32
    %div3A_31 = vector.broadcast %div3A : f32 to vector<1x256xf32>
    %div3A_32 = arith.divf %broadcast_in_dim3A, %div3A_31 : vector<1x256xf32>
    %sub3A_33 = vector.broadcast %div3A_32 : vector<1x256xf32> to vector<10000x256xf32>
    %sub3A_34 = arith.subf %add3A_29, %sub3A_33 : vector<10000x256xf32>
    %mul3A = arith.mulf %sub3A_34, %sub3A_34 : vector<10000x256xf32>
    %reduce_sum3A_35 = arith.constant dense<0.000000e+00> : vector<256xf32>
    %reduce_sum3A_36 = vector.multi_reduction <add>, %mul3A, %reduce_sum3A_35 [0] : vector<10000x256xf32> to vector<256xf32>
    %broadcast_in_dim3A_37 = vector.shape_cast %reduce_sum3A_36 : vector<256xf32> to vector<1x256xf32>
    %div3A_38 = arith.constant 1.000000e+04 : f32
    %div3A_39 = vector.broadcast %div3A_38 : f32 to vector<1x256xf32>
    %div3A_40 = arith.divf %broadcast_in_dim3A_37, %div3A_39 : vector<1x256xf32>
    %get3A_41 = arith.constant 0 : index
    %get3A_42 = arith.constant 0 : index
    %get3A_43 = vector.load %arg2[%get3A_41, %get3A_42] : memref<1x256xf32, #tpu.memory_space<vmem>>, vector<1x256xf32>
    %mul3A_44 = vector.broadcast %get3A_43 : vector<1x256xf32> to vector<10000x256xf32>
    %mul3A_45 = arith.mulf %mul3A_44, %sub3A_34 : vector<10000x256xf32>
    %add3A_46 = arith.constant 9.99999974E-6 : f32
    %add3A_47 = vector.broadcast %add3A_46 : f32 to vector<1x256xf32>
    %add3A_48 = arith.addf %div3A_40, %add3A_47 : vector<1x256xf32>
    %rsqrt3A = math.rsqrt %add3A_48 : vector<1x256xf32>
    %mul3A_49 = vector.broadcast %rsqrt3A : vector<1x256xf32> to vector<10000x256xf32>
    %mul3A_50 = arith.mulf %mul3A_45, %mul3A_49 : vector<10000x256xf32>
    %get3A_51 = arith.constant 0 : index
    %get3A_52 = arith.constant 0 : index
    %get3A_53 = vector.load %arg3[%get3A_51, %get3A_52] : memref<1x256xf32, #tpu.memory_space<vmem>>, vector<1x256xf32>
    %add3A_54 = vector.broadcast %get3A_53 : vector<1x256xf32> to vector<10000x256xf32>
    %add3A_55 = arith.addf %mul3A_50, %add3A_54 : vector<10000x256xf32>
    %max3A = arith.constant 0.000000e+00 : f32
    %max3A_56 = vector.broadcast %max3A : f32 to vector<10000x256xf32>
    %max3A_57 = arith.maximumf %add3A_55, %max3A_56 : vector<10000x256xf32>
    %swap3A = arith.constant 0 : index
    %swap3A_58 = arith.constant 0 : index
    %swap3A_59 = vector.load %arg4[%swap3A, %swap3A_58] : memref<10000x256xf32, #tpu.memory_space<vmem>>, vector<10000x256xf32>
    tpu.vector_store %arg4[%swap3A, %swap3A_58], %max3A_57 {strides = array<i32>} : memref<10000x256xf32, #tpu.memory_space<vmem>>, vector<10000x256xf32>,
    return
  }
}

module attributes {stable_mosaic.version = 14 : i64} {
  func.func @_pool_body(%arg0: memref<10000x256xf32, #tpu.memory_space<vmem>>, %arg1: memref<1x10000xi32, #tpu.memory_space<vmem>>, %arg2: memref<256x256xf32, #tpu.memory_space<vmem>>, %arg3: memref<1x256xf32, #tpu.memory_space<vmem>>, %arg4: memref<128x256xf32, #tpu.memory_space<vmem>>, %arg5: memref<1x128xf32, #tpu.memory_space<vmem>>, %arg6: memref<64x128xf32, #tpu.memory_space<vmem>>) attributes {dimension_semantics = [], scalar_prefetch = 0 : i64, scratch_operands = 0 : i64, tpu.core_type = #tpu.core_type<tc>} {
    %iota3A = tpu.iota {dimensions = array<i32: 0>} : vector<64x10000xi32>
    %get3A = arith.constant 0 : index
    %get3A_0 = arith.constant 0 : index
    %get3A_1 = vector.load %arg1[%get3A, %get3A_0] : memref<1x10000xi32, #tpu.memory_space<vmem>>, vector<1x10000xi32>
    %eq3A = vector.broadcast %get3A_1 : vector<1x10000xi32> to vector<64x10000xi32>
    %eq3A_2 = arith.cmpi eq, %eq3A, %iota3A : vector<64x10000xi32>
    %convert_element_type3A = arith.extui %eq3A_2 : vector<64x10000xi1> to vector<64x10000xi32>
    %convert_element_type3A_3 = arith.sitofp %convert_element_type3A : vector<64x10000xi32> to vector<64x10000xf32>
    %get3A_4 = arith.constant 0 : index
    %get3A_5 = arith.constant 0 : index
    %get3A_6 = vector.load %arg0[%get3A_4, %get3A_5] : memref<10000x256xf32, #tpu.memory_space<vmem>>, vector<10000x256xf32>
    %convert_element_type3A_7 = arith.truncf %get3A_6 : vector<10000x256xf32> to vector<10000x256xbf16>
    %convert_element_type3A_8 = arith.extf %convert_element_type3A_7 : vector<10000x256xbf16> to vector<10000x256xf32>
    %sub3A = arith.subf %get3A_6, %convert_element_type3A_8 : vector<10000x256xf32>
    %convert_element_type3A_9 = arith.truncf %sub3A : vector<10000x256xf32> to vector<10000x256xbf16>
    %convert_element_type3A_10 = arith.truncf %convert_element_type3A_3 : vector<64x10000xf32> to vector<64x10000xbf16>
    %dot_general3A = arith.constant dense<0.000000e+00> : vector<64x256xf32>
    %dot_general3A_11 = tpu.matmul %convert_element_type3A_10, %convert_element_type3A_7, %dot_general3A {dimension_numbers = #tpu.dot_dimension_numbers<[1], [0], [0], [1], [0, 0, 1, 1], [], []>, transpose_lhs_hint = false} : vector<64x10000xbf16>, vector<10000x256xbf16>, vector<64x256xf32> -> vector<64x256xf32>
    %dot_general3A_12 = arith.constant dense<0.000000e+00> : vector<64x256xf32>
    %dot_general3A_13 = tpu.matmul %convert_element_type3A_10, %convert_element_type3A_9, %dot_general3A_12 {dimension_numbers = #tpu.dot_dimension_numbers<[1], [0], [0], [1], [0, 0, 1, 1], [], []>, transpose_lhs_hint = false} : vector<64x10000xbf16>, vector<10000x256xbf16>, vector<64x256xf32> -> vector<64x256xf32>
    %add3A = arith.addf %dot_general3A_11, %dot_general3A_13 : vector<64x256xf32>
    %reduce_sum3A = arith.constant dense<0.000000e+00> : vector<64xf32>
    %reduce_sum3A_14 = vector.multi_reduction <add>, %convert_element_type3A_3, %reduce_sum3A [1] : vector<64x10000xf32> to vector<64xf32>
    %broadcast_in_dim3A = vector.shape_cast %reduce_sum3A_14 : vector<64xf32> to vector<64x1xf32>
    %max3A = arith.constant 1.000000e+00 : f32
    %max3A_15 = vector.broadcast %max3A : f32 to vector<64x1xf32>
    %max3A_16 = arith.maximumf %broadcast_in_dim3A, %max3A_15 : vector<64x1xf32>
    %div3A = vector.broadcast %max3A_16 : vector<64x1xf32> to vector<64x256xf32>
    %div3A_17 = arith.divf %add3A, %div3A : vector<64x256xf32>
    %get3A_18 = arith.constant 0 : index
    %get3A_19 = arith.constant 0 : index
    %get3A_20 = vector.load %arg2[%get3A_18, %get3A_19] : memref<256x256xf32, #tpu.memory_space<vmem>>, vector<256x256xf32>
    %convert_element_type3A_21 = arith.truncf %div3A_17 : vector<64x256xf32> to vector<64x256xbf16>
    %convert_element_type3A_22 = arith.truncf %get3A_20 : vector<256x256xf32> to vector<256x256xbf16>
    %dot_general3A_23 = arith.constant dense<0.000000e+00> : vector<64x256xf32>
    %dot_general3A_24 = tpu.matmul %convert_element_type3A_21, %convert_element_type3A_22, %dot_general3A_23 {dimension_numbers = #tpu.dot_dimension_numbers<[1], [1], [0], [0], [0, 0, 1, 0], [], []>, transpose_lhs_hint = false} : vector<64x256xbf16>, vector<256x256xbf16>, vector<64x256xf32> -> vector<64x256xf32>
    %get3A_25 = arith.constant 0 : index
    %get3A_26 = arith.constant 0 : index
    %get3A_27 = vector.load %arg3[%get3A_25, %get3A_26] : memref<1x256xf32, #tpu.memory_space<vmem>>, vector<1x256xf32>
    %add3A_28 = vector.broadcast %get3A_27 : vector<1x256xf32> to vector<64x256xf32>
    %add3A_29 = arith.addf %dot_general3A_24, %add3A_28 : vector<64x256xf32>
    %max3A_30 = arith.constant 0.000000e+00 : f32
    %max3A_31 = vector.broadcast %max3A_30 : f32 to vector<64x256xf32>
    %max3A_32 = arith.maximumf %add3A_29, %max3A_31 : vector<64x256xf32>
    %get3A_33 = arith.constant 0 : index
    %get3A_34 = arith.constant 0 : index
    %get3A_35 = vector.load %arg4[%get3A_33, %get3A_34] : memref<128x256xf32, #tpu.memory_space<vmem>>, vector<128x256xf32>
    %convert_element_type3A_36 = arith.truncf %max3A_32 : vector<64x256xf32> to vector<64x256xbf16>
    %convert_element_type3A_37 = arith.truncf %get3A_35 : vector<128x256xf32> to vector<128x256xbf16>
    %dot_general3A_38 = arith.constant dense<0.000000e+00> : vector<64x128xf32>
    %dot_general3A_39 = tpu.matmul %convert_element_type3A_36, %convert_element_type3A_37, %dot_general3A_38 {dimension_numbers = #tpu.dot_dimension_numbers<[1], [1], [0], [0], [0, 0, 1, 0], [], []>, transpose_lhs_hint = false} : vector<64x256xbf16>, vector<128x256xbf16>, vector<64x128xf32> -> vector<64x128xf32>
    %get3A_40 = arith.constant 0 : index
    %get3A_41 = arith.constant 0 : index
    %get3A_42 = vector.load %arg5[%get3A_40, %get3A_41] : memref<1x128xf32, #tpu.memory_space<vmem>>, vector<1x128xf32>
    %add3A_43 = vector.broadcast %get3A_42 : vector<1x128xf32> to vector<64x128xf32>
    %add3A_44 = arith.addf %dot_general3A_39, %add3A_43 : vector<64x128xf32>
    %swap3A = arith.constant 0 : index
    %swap3A_45 = arith.constant 0 : index
    %swap3A_46 = vector.load %arg6[%swap3A, %swap3A_45] : memref<64x128xf32, #tpu.memory_space<vmem>>, vector<64x128xf32>
    tpu.vector_store %arg6[%swap3A, %swap3A_45], %add3A_44 {strides = array<i32>} : memref<64x128xf32, #tpu.memory_space<vmem>>, vector<64x128xf32>,
    return
  }
}

</mosaic_0001>

<sc_bundles>
// kernel: kernel.14.cloned.1.call-start
scs
__scs_entry_jumppad:
0x0: {  	(pc) =	sbr.rel $0x88, $3  }
0x1: {  	(tag) =	ssettag $0x0;
	lr =	simm.s32 $0x1  }
0x2: {  	[smem:$0x3F86] =	sst lr;
	_ =	strace $0xD0000000  }
0x3: {  	_ = 	snop  }
0x4: {  	_ = 	snop  }
0x5: {  	_ = 	snop  }
0x6: {  	_ = 	snop  }
0x7: {  	_ = 	snop  }
__scs_overlays_trampoline_lowered:
0x8: {  	[smem:$0x3F95] =	sst s0  }
0x9: {  	[smem:$0x3F96] =	sst s1  }
0xa: {  	[smem:$0x3F97] =	sst s2  }
0xb: {  	[smem:$0x3F98] =	sst s3  }
0xc: {  	[smem:$0x3F99] =	sst s4  }
0xd: {  	[smem:$0x3F9A] =	sst s5  }
0xe: {  	[smem:$0x3F9B] =	sst s6  }
0xf: {  	[smem:$0x3F9C] =	sst s7  }
0x10: {  	[smem:$0x3F9D] =	sst s8  }
0x11: {  	[smem:$0x3F9E] =	sst s9;
	s0 =	simm.s32 @!p0 $0x0  }
0x12: {  	s1 =	sld [smem:$0x3F84];
	s0 =	simm.s32 @p0 $0x1  }
0x13: {  	[smem:$0x3F9F] =	sst s0;
	s0 =	simm.s32 @!p1 $0x0  }
0x14: {  	s2 =	sld [smem:$0x3F83];
	s0 =	simm.s32 @p1 $0x1  }
0x15: {  	[smem:$0x3FA0] =	sst s0;
	s0 =	simm.s32 @!p2 $0x0  }
0x16: {  	s3 =	sld [smem:$0x3FDB];
	s0 =	simm.s32 @p2 $0x1  }
0x17: {  	s4 =	simm.s32 $0x1BF5;
	[smem:$0x3FA2] =	sst s0  }
0x18: {  	s0 =	sld [smem:$0x3F85];
	_ =	swait.ge [sflag:s4], $0x0  }
0x19: {  	s7 =	sld [smem:$0x3F86]  }
0x1a: {  	s8 =	sadd.s32 $0xFFFFE003, lr  }
0x1b: {  	s9 =	sadd.s32 $0xFFFFFEF7, lr;
	s5 =	simm.s32 $0xFFFFFFFF;
	p2 =	slt.u32 s8, $0xFFFFF086  }
0x1c: {  	p1 =	slt.u32 s9, $0xF7A;
	s5 =	simm.s32 @!p2 $0x0  }
0x1d: {  	s5 =	simm.s32 @p1 $0x1;
	p0 =	seq.s32 s7, s2  }
0x1e: {  	s7 =	smul.u32 @!p0 $0xF7A, s2;
	p2 =	seq.s32 @!p0 s5, $0x0  }
0x1f: {  	s9 =	smul.u32 $0xF7A, s1;
	s8 =	simm.s32 @!p0 $0x1BF5;
	p2 =	por !p2, p0  }
0x20: {  	[sflag:s8] =	ssyncset.s32 @!p0 $0xFFFFF086;
	s6 =	sadd.s32 @!p0 s3, s7;
	s7 =	simm.s32 @!p0 $0x108  }
0x21: {  	s3 =	sadd.s32 s3, s9;
	s6 =	sadd.s32 @!p0 $0x88, s6;
	s7 =	simm.s32 @p2 $0x1082  }
0x22: {  	[simem:s7], [sflag:s8] =	dma.local @!p0 [hbm:s6], $0xF7A  }
0x23: {  	s9 =	sor.u32 $0xD0000000, s2;
	s6 =	simm.s32 $0x108;
	_ =	swait.ge @!p0 [sflag:s8], $0x0  }
0x24: {  	s3 =	sadd.s32 $0x88, s3;
	s6 =	simm.s32 @!p1 $0x1082;
	[sflag:s4] =	ssyncset.s32 $0xFFFFF086  }
0x25: {  	[simem:s6], [sflag:s4] =	dma.local [hbm:s3], $0xF7A  }
0x26: {  	[smem:$0x3F86] =	sst s1;
	(tag) =	ssettag s2;
	_ =	strace s9  }
0x27: {  	s1 =	sld [smem:$0x3F96]  }
0x28: {  	s2 =	sld [smem:$0x3F97]  }
0x29: {  	s4 =	sld [smem:$0x3F99]  }
0x2a: {  	p0 =	seq.s32 s5, $0x0;
	s5 =	sld [smem:$0x3F9A]  }
0x2b: {  	s6 =	sld [smem:$0x3F9B]  }
0x2c: {  	s7 =	sld [smem:$0x3F9C]  }
0x2d: {  	s3 =	simm.s32 $0x108;
	s8 =	sld [smem:$0x3F9D]  }
0x2e: {  	s3 =	simm.s32 @!p0 $0x1082;
	s9 =	sld [smem:$0x3F9E]  }
0x2f: {  	lr =	sadd.s32 s0, s3;
	s0 =	sld [smem:$0x3F95]  }
0x30: {  	s3 =	sld [smem:$0x3F98]  }
0x31: {  	[smem:$0x3FA1] =	sst s10  }
0x32: {  	s10 =	sld [smem:$0x3F9F];
	_ =	sdelay $0x3  }
0x33: {  	p0 =	seq.s32 s10, $0x1;
	s10 =	sld [smem:$0x3FA1];
	_ =	sdelay $0x3  }
0x34: {  	[smem:$0x3FA1] =	sst s10  }
0x35: {  	s10 =	sld [smem:$0x3FA0];
	_ =	sdelay $0x3  }
0x36: {  	p1 =	seq.s32 s10, $0x1;
	s10 =	sld [smem:$0x3FA1];
	_ =	sdelay $0x3  }
0x37: {  	[smem:$0x3FA1] =	sst s10  }
0x38: {  	s10 =	sld [smem:$0x3FA2]  }
0x39: {  	_ = 	snop;
	(pc) =	sbr.ind lr, $3  }
0x3a: {  	_ = 	snop  }
0x3b: {  	_ = 	snop  }
0x3c: {  	p2 =	seq.s32 s10, $0x1;
	s10 =	sld [smem:$0x3FA1]  }
0x3d: {  	_ =	shalt  }
0x3e: {  	_ =	shalt  }
0x3f: {  	_ =	shalt  }
0x40: {  	_ =	shalt  }
0x41: {  	_ =	shalt  }
0x42: {  	_ =	shalt  }
0x43: {  	_ =	shalt  }
0x44: {  	_ =	shalt  }
0x45: {  	_ =	shalt  }
0x46: {  	_ =	shalt  }
0x47: {  	_ =	shalt  }
0x48: {  	_ =	shalt  }
0x49: {  	_ =	shalt  }
0x4a: {  	_ =	shalt  }
0x4b: {  	_ =	shalt  }
0x4c: {  	_ =	shalt  }
0x4d: {  	_ =	shalt  }
0x4e: {  	_ =	shalt  }
0x4f: {  	_ =	shalt  }
0x50: {  	_ =	shalt  }
0x51: {  	_ =	shalt  }
0x52: {  	_ =	shalt  }
0x53: {  	_ =	shalt  }
0x54: {  	_ =	shalt  }
0x55: {  	_ =	shalt  }
0x56: {  	_ =	shalt  }
0x57: {  	_ =	shalt  }
0x58: {  	_ =	shalt  }
0x59: {  	_ =	shalt  }
0x5a: {  	_ =	shalt  }
0x5b: {  	_ =	shalt  }
0x5c: {  	_ =	shalt  }
0x5d: {  	_ =	shalt  }
0x5e: {  	_ =	shalt  }
0x5f: {  	_ =	shalt  }
0x60: {  	_ =	shalt  }
0x61: {  	_ =	shalt  }
0x62: {  	_ =	shalt  }
0x63: {  	_ =	shalt  }
0x64: {  	_ =	shalt  }
0x65: {  	_ =	shalt  }
0x66: {  	_ =	shalt  }
0x67: {  	_ =	shalt  }
0x68: {  	_ =	shalt  }
0x69: {  	_ =	shalt  }
0x6a: {  	_ =	shalt  }
0x6b: {  	_ =	shalt  }
0x6c: {  	_ =	shalt  }
0x6d: {  	_ =	shalt  }
0x6e: {  	_ =	shalt  }
0x6f: {  	_ =	shalt  }
0x70: {  	_ =	shalt  }
0x71: {  	_ =	shalt  }
0x72: {  	_ =	shalt  }
0x73: {  	_ =	shalt  }
0x74: {  	_ =	shalt  }
0x75: {  	_ =	shalt  }
0x76: {  	_ =	shalt  }
0x77: {  	_ =	shalt  }
0x78: {  	_ =	shalt  }
0x79: {  	_ =	shalt  }
0x7a: {  	_ =	shalt  }
0x7b: {  	_ =	shalt  }
0x7c: {  	_ =	shalt  }
0x7d: {  	_ =	shalt  }
0x7e: {  	_ =	shalt  }
0x7f: {  	_ =	shalt  }
0x80: {  	_ =	shalt  }
0x81: {  	_ =	shalt  }
0x82: {  	_ =	shalt  }
0x83: {  	_ =	shalt  }
0x84: {  	_ =	shalt  }
0x85: {  	_ =	shalt  }
0x86: {  	_ =	shalt  }
0x87: {  	_ =	shalt  }
.Lfunc_end0:
.L_simem_size_0:
called_computation_lowered:
.L_overlay_start_0:
0x88: {  	s2 =	sld [smem:$0x3FD9]  }
0x89: {  	s3 =	sld [smem:$0x3FFE];
	_ =	sdelay $0x1  }
0x8a: {  	s1 =	srdreg.scid  }
0x8b: {  	s0 =	sand.u32 $0x1, s1  }
0x8c: {  	s16 =	sshll.u32 s0, $0xA;
	s2 =	sadd.s32 s3, s2  }
0x8d: {  	s2 =	sadd.s32 s2, s16  }
0x8e: {  	[smem:$0x3FAD] =	sst s2  }
0x8f: {  	_ = 	snop  }
0x90: {  	(tm) =	ssettm $0x1  }
0x91: {  	s17 =	sld [smem:$0x3FFB];
	_ =	sdelay $0x3  }
0x92: {  	_ =	strace s17  }
0x93: {  	s2 =	sld [smem:$0x3FFC];
	_ =	sdelay $0x3  }
0x94: {  	_ =	strace s2  }
0x95: {  	s2 =	sld [smem:$0x3FFD];
	_ =	sdelay $0x3  }
0x96: {  	_ =	strace s2  }
0x97: {  	_ =	strace $0x8FFFFFFF  }
0x98: {  	s18 =	sld [smem:$0x3FDB];
	_ =	sdelay $0x1  }
0x99: {  	s19 =	simm.s32 $_scs_section_size  }
0x9a: {  	s4 =	simm.s32 $_size__tile_overlayer_lowered;
	s5 =	simm.s32 $_tile_overlayer_lowered  }
0x9b: {  	s22 =	simm.s32 $0x1BFF;
	s21 =	sshll.u32 s5, $0x1;
	s2 =	sadd.s32 s19, s18  }
0x9c: {  	s6 =	simm.s32 $0x0;
	s20 =	sshll.u32 s4, $0x1;
	s4 =	sadd.s32 s21, s2  }
0x9d: {  	[timem:s6], [sflag:s22] =	dma.local [hbm:s4], s20  }
0x9e: {  	_ =	swait.ge [sflag:s22], s20  }
0x9f: {  	s3 =	ssub.s32 $0x0, s20;
	[sflag:s22] =	ssyncset.done $0x0  }
0xa0: {  	[sflag:s22] =	ssyncadd.s32 s3;
	_ =	sdelay $0x1  }
0xa1: {  	s23 =	simm.s32 $0x1B8B  }
0xa2: {  	_ =	swait.ge [sflag:s23], $0x1  }
0xa3: {  	[sflag:s23] =	ssyncset.done $0x0  }
0xa4: {  	s25 =	simm.s32 $0x1B8E;
	s24 =	sld [smem:$0x3FFE];
	[sflag:s23] =	ssyncadd.s32 $0xFFFFFFFF  }
0xa5: {  	s26 =	simm.s32 $execute0_lowered;
	[smem:$0x3FD2] =	sst s25  }
0xa6: {  	s4 =	sshll.u32 s26, $0x1;
	_ =	strace $0x80000046;
	[dreg:$0x1] =	wrdreg $0xFFFFFFFF  }
0xa7: {  	s28 =	simm.s32 $_size_execute0_lowered;
	s2 =	sadd.s32 s2, s4;
	[dreg:$0x0] =	wrdreg $0x0  }
0xa8: {  	s4 =	sshll.u32 s28, $0x1;
	[dreg:$0x2] =	wrdreg s2  }
0xa9: {  	[dreg:$0x3] =	wrdreg s4  }
0xaa: {  	[dreg:$0x4] =	wrdreg $0xC0  }
0xab: {  	_ =	task [dreg:s6], $0x5FFFF  }
0xac: {  	[dreg:$0x1] =	wrdreg $0xFFFFFFFF  }
0xad: {  	[dreg:$0x0] =	wrdreg $0x60  }
0xae: {  	[dreg:$0x2] =	wrdreg s24  }
0xaf: {  	[dreg:$0x3] =	wrdreg $0xAD800  }
0xb0: {  	[dreg:$0x4] =	wrdreg $0x9  }
0xb1: {  	_ =	task.clear_ibuf [dreg:s6], $0x5FFFF;
	_ =	strace $0x90000046  }
0xb2: {  	s29 =	simm.s32 $0x9;
	_ =	strace $0x80000048  }
0xb3: {  	_ =	swait.ge [sflag:s29], $0x1  }
0xb4: {  	[sflag:s29] =	ssyncadd.s32 $0xFFFFFFFF  }
0xb5: {  	_ =	strace $0x90000048  }
0xb6: {  	_ =	sfence  }
0xb7: {  	s30 =	sld [smem:$0x0];
	_ =	sdelay $0x2  }
0xb8: {  	s31 =	sshll.u32 s1, $0xD;
	s1 =	sshrl.u32 s1, $0x2  }
0xb9: {  	s3 =	sand.u32 $0x4000, s31;
	s1 =	sadd.s32 s1, s30  }
0xba: {  	s0 =	sor.u32 s3, s0;
	s1 =	sshll.u32 s1, $0x11  }
0xbb: {  	s0 =	sor.u32 s1, s0  }
0xbc: {  	s0 =	sadd.s32 $0x8F2B, s0  }
0xbd: {  	[sflag:s0] =	ssyncadd.remote.s32 $0x1  }
0xbe: {  	_ =	sfence.sel $0xFFFF  }
0xbf: {  	[dreg:$0x0] =	wrdreg $0xFFFFFFFF;
	(pc) =	sbr.abs _section_cstart, $3  }
0xc0: {  	[dreg:$0x1] =	wrdreg $0xFFFFFFFF  }
0xc1: {  	_ =	task.clear_ibuf [dreg:s6], $0x2FFFF;
	_ =	strace $0x9FFFFFFF  }
0xc2: {  	(tm) =	ssettm $0x7FFFFFFF  }
0xc3: {  	_ =	shalt  }
tec
execute0_lowered:
.L_overlay_start_1:
0x0: {  	(tag) =	ssettag $0x1  }
0x1: {  	s0 =	rddreg [dreg:$0x0]  }
0x2: {  	s1 =	rddreg [dreg:$0x1]  }
0x3: {  	s2 =	simm.s32 $0x0;
	s4 =	srdreg.scid;
	s17 =	stileid.u32  }
0x4: {  	s21 =	simm.s32 $0x7980;
	s28 =	simm.s32 $0x2980;
	s29 =	simm.s32 $0x5180  }
0x5: {  	s30 =	simm.s32 $0x1;
	[smem:$0x7FF] =	sst s2;
	s3 =	sadd.s32 $0x289A00, s0  }
0x6: {  	s31 =	simm.s32 $0x2;
	s5 =	sadd.s32 $0x2D7C00, s0;
	s6 =	sadd.s32 $0x325E00, s0  }
0x7: {  	s4 =	sand.u32 $0x1, s4;
	s8 =	sadd.s32 $0x280A00, s0;
	s12 =	smul.u32 $0x270, s17  }
0x8: {  	s9 =	sadd.s32 $0x27BA00, s0;
	s14 =	smul.u32 $0x4E000, s17;
	s0 =	sadd.s32 $0xAA00, s0  }
0x9: {  	p0 =	sne.s32 s17, $0xF;
	s13 =	smul.u32 $0x2710, s4;
	s10 =	ssub.s32 $0x2, s4  }
0xa: {  	_ =	strace $0x80000047;
	s7 =	smul.u32 $0x27100, s4;
	s11 =	sshrl.u32 s10, $0x1  }
0xb: {  	s4 =	smul.u32 $0x138800, s4;
	s14 =	sshrl.u32 s14, $0x2;
	s15 =	ssub.s32 s10, s11  }
0xc: {  	s10 =	sadd.s32 $0x138000, s1;
	s11 =	smul.u32 $0x2710, s17;
	s16 =	sadd.s32 s12, s13  }
0xd: {  	s4 =	sshrl.u32 s4, $0x3;
	s12 =	sadd.s32 s14, s1;
	s22 =	sshll.u32 s16, $0x4  }
0xe: {  	s4 =	sadd.s32 s0, s4;
	s24 =	smax.u32 s15, $0x1;
	s25 =	sadd.s32 $0x3400, s12  }
0xf: {  	s26 =	sadd.s32 $0x6800, s12;
	s18 =	sadd.s32 $0x9C00, s12;
	[dreg:$0x5] =	wrdreg s24  }
0x10: {  	s19 =	sadd.s32 $0xD000, s12;
	s20 =	sadd.s32 $0x10400, s12;
	[dreg:$0x6] =	wrdreg s25  }
0x11: {  	s0 =	sadd.s32 s0, s22;
	s23 =	sadd.s32 $0x27000, s4;
	[dreg:$0x7] =	wrdreg s26  }
0x12: {  	s22 =	simm.s32 $0x4;
	s24 =	simm.s32 $0x50;
	s25 =	simm.s32 $0x80  }
0x13: {  	s26 =	simm.s32 $0x180;
	s4 =	simm.s32 $0x0;
	[dreg:$0x3] =	wrdreg s0  }
0x14: {  	v1 =	vimm.f32 $0.0e+00;
	v0 =	vmov s13;
	[dreg:$0x4] =	wrdreg s23;
	s23 =	simm.s32 $0x100;
	s0 =	simm.s32 $0x3  }
.LBB2_1:
0x15: {  	s13 =	simm.s32 $0x0;
	s14 =	simm.s32 $0x200  }
.LBB2_2:
0x16: {  	p1 =	sne.s32 s14, $0xCE00;
	[tilespmem:s13+$0x79F0] =	vst v1  }
0x17: {  	[tilespmem:s13+$0x7980] =	vst v1  }
0x18: {  	[tilespmem:s13+$0x7990] =	vst v1  }
.Ltmp0:
0x19: {  	[tilespmem:s13+$0x79A0] =	vst v1;
	(pc) =	sbr.rel @p1 .LBB2_2-.Ltmp0, $4  }
0x1a: {  	[tilespmem:s13+$0x79B0] =	vst v1  }
0x1b: {  	[tilespmem:s13+$0x79C0] =	vst v1  }
0x1c: {  	[tilespmem:s13+$0x79D0] =	vst v1  }
0x1d: {  	[tilespmem:s13+$0x79E0] =	vst v1;
	s13 =	sshra.s32 s14, $0x2;
	s14 =	sadd.s32 $0x200, s14  }
0x1e: {  	[tilespmem:s13+$0x79F0] =	vst v1  }
0x1f: {  	[tilespmem:s13+$0x7980] =	vst v1  }
0x20: {  	[tilespmem:s13+$0x7990] =	vst v1  }
0x21: {  	[tilespmem:s13+$0x79A0] =	vst v1  }
0x22: {  	[tilespmem:s13+$0x79B0] =	vst v1  }
0x23: {  	[tilespmem:s13+$0x79C0] =	vst v1  }
0x24: {  	[tilespmem:s13+$0x79D0] =	vst v1  }
0x25: {  	[tilespmem:s13+$0x79E0] =	vst v1  }
0x26: {  	[spmem:s12] =	stream.linear.scatter [tilespmem:s21], [sflag:$0x4], $0x3400, $0x38;
	[tilespmem:$0x1E600] =	vst v63  }
0x27: {  	_ =	swait.ge [sflag:s22], $0x3400  }
0x28: {  	[sflag:s22] =	ssyncset.done $0x0  }
0x29: {  	s16 =	rddreg [dreg:$0x6];
	[sflag:s22] =	ssyncadd.s32 $0xFFFFCC00  }
0x2a: {  	[spmem:s16] =	stream.linear.scatter [tilespmem:s21], [sflag:$0x4], $0x3400, $0x38;
	[tilespmem:$0x1E600] =	vst v63  }
0x2b: {  	_ =	swait.ge [sflag:s22], $0x3400  }
0x2c: {  	[sflag:s22] =	ssyncset.done $0x0  }
0x2d: {  	s17 =	rddreg [dreg:$0x7];
	[sflag:s22] =	ssyncadd.s32 $0xFFFFCC00  }
0x2e: {  	[spmem:s17] =	stream.linear.scatter [tilespmem:s21], [sflag:$0x4], $0x3400, $0x38;
	[tilespmem:$0x1E600] =	vst v63  }
0x2f: {  	_ =	swait.ge [sflag:s22], $0x3400  }
0x30: {  	[sflag:s22] =	ssyncset.done $0x0  }
0x31: {  	[sflag:s22] =	ssyncadd.s32 $0xFFFFCC00  }
0x32: {  	[spmem:s18] =	stream.linear.scatter [tilespmem:s21], [sflag:$0x4], $0x3400, $0x38;
	[tilespmem:$0x1E600] =	vst v63  }
0x33: {  	_ =	swait.ge [sflag:s22], $0x3400  }
0x34: {  	[sflag:s22] =	ssyncset.done $0x0  }
0x35: {  	[sflag:s22] =	ssyncadd.s32 $0xFFFFCC00  }
0x36: {  	[spmem:s19] =	stream.linear.scatter [tilespmem:s21], [sflag:$0x4], $0x3400, $0x38;
	[tilespmem:$0x1E600] =	vst v63  }
0x37: {  	_ =	swait.ge [sflag:s22], $0x3400  }
0x38: {  	[sflag:s22] =	ssyncset.done $0x0  }
0x39: {  	[sflag:s22] =	ssyncadd.s32 $0xFFFFCC00  }
0x3a: {  	[spmem:s20] =	stream.linear.scatter [tilespmem:s21], [sflag:$0x4], $0x3400, $0x38;
	[tilespmem:$0x1E600] =	vst v63  }
0x3b: {  	_ =	swait.ge [sflag:s22], $0x3400  }
0x3c: {  	[sflag:s22] =	ssyncset.done $0x0  }
0x3d: {  	s13 =	simm.s32 @!p0 $0x7980;
	[sflag:s22] =	ssyncadd.s32 $0xFFFFCC00  }
0x3e: {  	[spmem:s10] =	stream.linear.scatter @!p0 [tilespmem:s13], [sflag:$0x4], $0x800, $0x38;
	[tilespmem:$0x1E600] =	vst v63  }
0x3f: {  	s13 =	simm.s32 @!p0 $0x4  }
0x40: {  	_ =	swait.ge @!p0 [sflag:s13], $0x800  }
0x41: {  	[sflag:s13] =	ssyncset.done @!p0 $0x0  }
0x42: {  	[sflag:s13] =	ssyncadd.s32 @!p0 $0xFFFFF800  }
0x43: {  	s14 =	simm.s32 $0x0;
	s13 =	simm.s32 $0x0;
	[bflag:$0x0] =	sbarrier.arrive $0xFFFF  }
.LBB2_4:
0x44: {  	s15 =	smul.u32 $0x50, s14;
	_ =	sdelay $0x1  }
0x45: {  	s15 =	sadd.s32 s11, s15  }
0x46: {  	s16 =	sshrl.u32 s15, $0x3  }
0x47: {  	s17 =	sadd.s32 s8, s16  }
0x48: {  	[tilespmem:s13], [sflag:$0x4] =	stream.linear.gather [hbm4b:s17+s13], $0x50, $0x38;
	[tilespmem:$0x1E600] =	vst v63  }
0x49: {  	_ =	swait.ge [sflag:s22], $0x50  }
0x4a: {  	[sflag:s22] =	ssyncset.done $0x0  }
0x4b: {  	s16 =	sadd.s32 s9, s16;
	[sflag:s22] =	ssyncadd.s32 $0xFFFFFFB0  }
0x4c: {  	[tilespmem:s23], [sflag:$0x4] =	stream.linear.gather [hbm4b:s16+s13], $0x50, $0x38;
	[tilespmem:$0x1E600] =	vst v63  }
0x4d: {  	_ =	swait.ge [sflag:s22], $0x50  }
0x4e: {  	[sflag:s22] =	ssyncset.done $0x0  }
0x4f: {  	[sflag:s22] =	ssyncadd.s32 $0xFFFFFFB0  }
0x50: {  	v2 =	vld [tilespmem:$0x0]  }
0x51: {  	v3 =	vld [tilespmem:$0x100]  }
0x52: {  	v4 =	vld [tilespmem:$0x10]  }
0x53: {  	v5 =	vld [tilespmem:$0x110]  }
0x54: {  	v6 =	vld [tilespmem:$0x20]  }
0x55: {  	v7 =	vld [tilespmem:$0x120];
	v2 =	vadd.s32 v0, v2  }
0x56: {  	[tilespmem:$0x80] =	vst v2;
	v2 =	vadd.s32 v0, v3;
	v3 =	vld [tilespmem:$0x30]  }
0x57: {  	[tilespmem:$0x100] =	vst v2;
	v2 =	vadd.s32 v0, v4;
	v4 =	vld [tilespmem:$0x130]  }
0x58: {  	[tilespmem:$0x90] =	vst v2;
	v2 =	vadd.s32 v0, v5;
	v5 =	vld [tilespmem:$0x40]  }
0x59: {  	[tilespmem:$0x110] =	vst v2;
	v2 =	vadd.s32 v0, v6;
	v6 =	vld [tilespmem:$0x140]  }
0x5a: {  	[tilespmem:$0xA0] =	vst v2;
	v2 =	vadd.s32 v0, v7  }
0x5b: {  	[tilespmem:$0x120] =	vst v2;
	v2 =	vadd.s32 v0, v3  }
0x5c: {  	[tilespmem:$0xB0] =	vst v2;
	v2 =	vadd.s32 v0, v4  }
0x5d: {  	[tilespmem:$0x130] =	vst v2;
	v2 =	vadd.s32 v0, v5  }
0x5e: {  	[tilespmem:$0xC0] =	vst v2;
	v2 =	vadd.s32 v0, v6  }
0x5f: {  	s15 =	sadd.s32 s7, s15;
	[tilespmem:$0x140] =	vst v2  }
0x60: {  	[tilespmem:s26], [sflag:$0x1] =	stream.indirect.gather [hbm4b:s3+s24], $0x80, s25, s24, $0xb8;
	[tilespmem:$0x1E600] =	vst v63  }
0x61: {  	s15 =	sshll.u32 s15, $0x4  }
0x62: {  	[tilespmem:s28], [sflag:$0x2] =	stream.indirect.gather [hbm4b:s5+s24], $0x80, s23, s24, $0xb8;
	[tilespmem:$0x1E600] =	vst v63  }
0x63: {  	s15 =	sadd.s32 s6, s15  }
0x64: {  	[tilespmem:s29], [sflag:$0x3] =	stream.linear.gather [hbm4b:s15+s13], $0x2800, $0x38;
	[tilespmem:$0x1E600] =	vst v63  }
0x65: {  	_ =	swait.ge [sflag:s30], $0x2800  }
0x66: {  	[sflag:s30] =	ssyncset.done $0x0  }
0x67: {  	[sflag:s30] =	ssyncadd.s32 $0xFFFFD800  }
0x68: {  	_ =	swait.ge [sflag:s31], $0x2800  }
0x69: {  	[sflag:s31] =	ssyncset.done $0x0  }
0x6a: {  	[sflag:s31] =	ssyncadd.s32 $0xFFFFD800  }
0x6b: {  	_ =	swait.ge [sflag:s0], $0x2800  }
0x6c: {  	[sflag:s0] =	ssyncset.done $0x0  }
0x6d: {  	s15 =	simm.s32 $0x0;
	[sflag:s0] =	ssyncadd.s32 $0xFFFFD800  }
0x6e: {  	v6 =	vld [tilespmem:s15+$0x5180]  }
0x6f: {  	v7 =	vld [tilespmem:s15+$0x5190]  }
0x70: {  	v5 =	vld [tilespmem:s15+$0x51A0]  }
0x71: {  	v4 =	vld [tilespmem:s15+$0x51B0]  }
0x72: {  	v3 =	vld [tilespmem:s15+$0x51C0]  }
0x73: {  	v2 =	vld [tilespmem:s15+$0x51D0]  }
0x74: {  	v14 =	vld [tilespmem:s15+$0x2980]  }
0x75: {  	v19 =	vld [tilespmem:s15+$0x2990]  }
0x76: {  	v13 =	vld [tilespmem:s15+$0x29A0]  }
0x77: {  	v12 =	vld [tilespmem:s15+$0x29B0]  }
0x78: {  	v11 =	vld [tilespmem:s15+$0x29C0]  }
0x79: {  	v10 =	vld [tilespmem:s15+$0x29D0]  }
0x7a: {  	v9 =	vld [tilespmem:s15+$0x29E0]  }
0x7b: {  	v8 =	vld [tilespmem:s15+$0x29F0]  }
0x7c: {  	v20 =	vld [tilespmem:s15+$0x180]  }
0x7d: {  	v21 =	vld [tilespmem:s15+$0x190]  }
0x7e: {  	v18 =	vld [tilespmem:s15+$0x1A0]  }
0x7f: {  	v17 =	vld [tilespmem:s15+$0x1B0]  }
0x80: {  	v16 =	vld [tilespmem:s15+$0x1C0]  }
0x81: {  	v15 =	vld [tilespmem:s15+$0x1D0];
	v20 =	vadd.f32 v14, v20  }
0x82: {  	s16 =	simm.s32 $0x200;
	v19 =	vadd.f32 v19, v21;
	v14 =	vld [tilespmem:s15+$0x1E0]  }
.LBB2_5:
0x83: {  	p1 =	sne.s32 s16, $0x9E00;
	v6 =	vadd.f32 v6, v20;
	v13 =	vadd.f32 v13, v18;
	v18 =	vld [tilespmem:s15+$0x1F0]  }
0x84: {  	v7 =	vadd.f32 v7, v19;
	v12 =	vadd.f32 v12, v17;
	v17 =	vld [tilespmem:s15+$0x51E0]  }
0x85: {  	s17 =	sshra.s32 s16, $0x2;
	v19 =	vmax.f32 v6, $0.0e+00;
	v5 =	vadd.f32 v5, v13;
	v11 =	vadd.f32 v11, v16;
	v13 =	vld [tilespmem:s15+$0x51F0]  }
0x86: {  	v6 =	vld [tilespmem:s17+$0x5180];
	[tilespmem:s15+$0x180] =	vst v19;
	v16 =	vmax.f32 v7, $0.0e+00;
	v4 =	vadd.f32 v4, v12;
	v10 =	vadd.f32 v10, v15  }
0x87: {  	v7 =	vld [tilespmem:s17+$0x5190];
	[tilespmem:s15+$0x190] =	vst v16;
	v12 =	vmax.f32 v5, $0.0e+00;
	v3 =	vadd.f32 v3, v11;
	v9 =	vadd.f32 v9, v14  }
0x88: {  	v5 =	vld [tilespmem:s17+$0x51A0];
	[tilespmem:s15+$0x1A0] =	vst v12;
	v11 =	vmax.f32 v4, $0.0e+00;
	v2 =	vadd.f32 v2, v10;
	v8 =	vadd.f32 v8, v18  }
0x89: {  	v4 =	vld [tilespmem:s17+$0x51B0];
	[tilespmem:s15+$0x1B0] =	vst v11;
	v10 =	vmax.f32 v3, $0.0e+00;
	v9 =	vadd.f32 v17, v9  }
0x8a: {  	v3 =	vld [tilespmem:s17+$0x51C0];
	[tilespmem:s15+$0x1C0] =	vst v10;
	v10 =	vmax.f32 v2, $0.0e+00;
	v8 =	vadd.f32 v13, v8  }
0x8b: {  	v2 =	vld [tilespmem:s17+$0x51D0];
	[tilespmem:s15+$0x1D0] =	vst v10;
	v9 =	vmax.f32 v9, $0.0e+00  }
0x8c: {  	v14 =	vld [tilespmem:s17+$0x2980];
	[tilespmem:s15+$0x1E0] =	vst v9;
	v8 =	vmax.f32 v8, $0.0e+00  }
0x8d: {  	v19 =	vld [tilespmem:s17+$0x2990];
	[tilespmem:s15+$0x1F0] =	vst v8;
	s15 =	smov.u32 s17  }
0x8e: {  	v13 =	vld [tilespmem:s15+$0x29A0]  }
0x8f: {  	v12 =	vld [tilespmem:s15+$0x29B0]  }
0x90: {  	v11 =	vld [tilespmem:s15+$0x29C0]  }
0x91: {  	v10 =	vld [tilespmem:s15+$0x29D0]  }
0x92: {  	v9 =	vld [tilespmem:s15+$0x29E0]  }
0x93: {  	v8 =	vld [tilespmem:s15+$0x29F0]  }
0x94: {  	v15 =	vld [tilespmem:s15+$0x180]  }
0x95: {  	v21 =	vld [tilespmem:s15+$0x190]  }
.Ltmp1:
0x96: {  	v18 =	vld [tilespmem:s15+$0x1A0];
	(pc) =	sbr.rel @p1 .LBB2_5-.Ltmp1, $4  }
0x97: {  	v17 =	vld [tilespmem:s15+$0x1B0]  }
0x98: {  	v16 =	vld [tilespmem:s15+$0x1C0]  }
0x99: {  	v20 =	vadd.f32 v14, v15;
	v15 =	vld [tilespmem:s15+$0x1D0]  }
0x9a: {  	s16 =	sadd.s32 $0x200, s16;
	v19 =	vadd.f32 v19, v21;
	v14 =	vld [tilespmem:s15+$0x1E0]  }
0x9b: {  	v6 =	vadd.f32 v6, v20;
	v13 =	vadd.f32 v13, v18;
	v56 =	vld [tilespmem:s15+$0x1F0]  }
0x9c: {  	v57 =	vld [tilespmem:s15+$0x51E0];
	v7 =	vadd.f32 v7, v19;
	v12 =	vadd.f32 v12, v17  }
0x9d: {  	v58 =	vld [tilespmem:s15+$0x51F0];
	v6 =	vmax.f32 v6, $0.0e+00;
	v5 =	vadd.f32 v5, v13;
	v11 =	vadd.f32 v11, v16  }
0x9e: {  	[tilespmem:s15+$0x180] =	vst v6;
	v59 =	vmax.f32 v7, $0.0e+00;
	v4 =	vadd.f32 v4, v12;
	v60 =	vadd.f32 v10, v15  }
0x9f: {  	[tilespmem:s15+$0x190] =	vst v59;
	v5 =	vmax.f32 v5, $0.0e+00;
	v3 =	vadd.f32 v3, v11;
	v61 =	vadd.f32 v9, v14  }
0xa0: {  	[tilespmem:s15+$0x1A0] =	vst v5;
	v4 =	vmax.f32 v4, $0.0e+00;
	v2 =	vadd.f32 v2, v60;
	v62 =	vadd.f32 v8, v56  }
0xa1: {  	[tilespmem:s15+$0x1B0] =	vst v4;
	v3 =	vmax.f32 v3, $0.0e+00;
	v63 =	vadd.f32 v57, v61  }
0xa2: {  	[tilespmem:s15+$0x1C0] =	vst v3;
	v2 =	vmax.f32 v2, $0.0e+00;
	v3 =	vadd.f32 v58, v62  }
0xa3: {  	s14 =	sadd.s32 $0x1, s14;
	[tilespmem:s15+$0x1D0] =	vst v2;
	v2 =	vmax.f32 v63, $0.0e+00  }
0xa4: {  	p1 =	sne.s32 s14, $0x7D;
	[tilespmem:s15+$0x1E0] =	vst v2;
	v2 =	vmax.f32 v3, $0.0e+00  }
.Ltmp2:
0xa5: {  	[tilespmem:s15+$0x1F0] =	vst v2;
	(pc) =	sbr.rel @p1 .LBB2_4-.Ltmp2, $4  }
0xa6: {  	[spmem:s1] =	stream.indirect.scatter.add.f32 [tilespmem:s26], [sflag:$0x4], $0x80, s2, s24, $0xb8;
	[tilespmem:$0x1E600] =	vst v63  }
0xa7: {  	_ =	swait.ge [sflag:s22], $0x2800  }
0xa8: {  	[sflag:s22] =	ssyncset.done $0x0  }
0xa9: {  	[sflag:s22] =	ssyncadd.s32 $0xFFFFD800  }
0xaa: {  	s13 =	stileid.u32  }
0xab: {  	[bflag:$0x0] =	sbarrier.arrive $0xFFFF;
	s13 =	sshll.u32 s13, $0x6  }
0xac: {  	s14 =	sshrl.u32 s12, $0x3;
	s15 =	rddreg [dreg:$0x3];
	s13 =	sor.u32 $0x1C04, s13  }
0xad: {  	[hbm:s15], [sflag:s13] =	dma.local [spmem:s14], $0x2700  }
0xae: {  	_ =	swait.ge [sflag:s22], $0x2700  }
0xaf: {  	[sflag:s22] =	ssyncset.done $0x0  }
0xb0: {  	s14 =	sshrl.u32 @!p0 s10, $0x3;
	s15 =	rddreg [dreg:$0x4];
	[sflag:s22] =	ssyncadd.s32 $0xFFFFD900  }
0xb1: {  	[hbm:s15], [sflag:s13] =	dma.local @!p0 [spmem:s14], $0x100  }
0xb2: {  	s13 =	simm.s32 @!p0 $0x4  }
0xb3: {  	_ =	swait.ge @!p0 [sflag:s13], $0x100  }
0xb4: {  	s4 =	sadd.s32 $0x1, s4;
	s17 =	rddreg [dreg:$0x5]  }
0xb5: {  	p1 =	sne.s32 s4, s17  }
.Ltmp3:
0xb6: {  	_ = 	snop;
	(pc) =	sbr.rel @p1 .LBB2_1-.Ltmp3, $3  }
0xb7: {  	_ =	sdelay $0x1  }
0xb8: {  	[sflag:s13] =	ssyncset.done @!p0 $0x0  }
0xb9: {  	[sflag:s13] =	ssyncadd.s32 @!p0 $0xFFFFFF00  }
0xba: {  	_ =	sfence.sel $0x180000  }
0xbb: {  	[bflag:$0x0] =	sbarrier.arrive $0xFFFF  }
0xbc: {  	_ =	strace $0x90000047  }
0xbd: {  	s0 =	stileid.u32;
	[bflag:$0x2] =	sbarrier.arrive $0xFFFF  }
0xbe: {  	p0 =	sne.s32 s0, $0x0;
	s0 =	rddreg [dreg:$0x2]  }
0xbf: {  	s0 =	sadd.s32 @!p0 $0x100000, s0  }
0xc0: {  	[sflag:s0] =	ssyncadd.tile.s32 @!p0 $0x1;
	_ =	shalt  }
.Lfunc_end2:
_tile_overlayer_lowered:
.L_overlay_start_2:
0xc1: {  	(tag) =	ssettag $0x2  }
0xc2: {  	s0 =	rddreg [dreg:$0x0];
	s2 =	stileid.u32  }
0xc3: {  	s1 =	rddreg [dreg:$0x1];
	p0 =	sne.s32 s2, $0x0  }
0xc4: {  	s3 =	rddreg [dreg:$0x2];
	[bflag:$0x3] =	sbarrier.arrive $0xFFFF;
	s2 =	simm.s32 @!p0 $0x1C04  }
0xc5: {  	[timem:s3], [sflag:s2] =	dma.local @!p0 [hbm:s0], s1  }
0xc6: {  	s0 =	simm.s32 @!p0 $0x4  }
0xc7: {  	_ =	swait.ge @!p0 [sflag:s0], s1  }
0xc8: {  	s1 =	ssub.s32 @!p0 $0x0, s1;
	[sflag:s0] =	ssyncset.done @!p0 $0x0  }
0xc9: {  	[sflag:s0] =	ssyncadd.s32 @!p0 s1  }
0xca: {  	[bflag:$0x3] =	sbarrier.arrive $0xFFFF  }
0xcb: {  	_ =	shalt  }

// kernel: kernel.17.cloned.1.call-start
scs
__scs_entry_jumppad:
0x0: {  	(pc) =	sbr.rel $0x88, $3  }
0x1: {  	(tag) =	ssettag $0x0;
	lr =	simm.s32 $0x1  }
0x2: {  	[smem:$0x3F86] =	sst lr;
	_ =	strace $0xD0000000  }
0x3: {  	_ = 	snop  }
0x4: {  	_ = 	snop  }
0x5: {  	_ = 	snop  }
0x6: {  	_ = 	snop  }
0x7: {  	_ = 	snop  }
__scs_overlays_trampoline_lowered:
0x8: {  	[smem:$0x3F95] =	sst s0  }
0x9: {  	[smem:$0x3F96] =	sst s1  }
0xa: {  	[smem:$0x3F97] =	sst s2  }
0xb: {  	[smem:$0x3F98] =	sst s3  }
0xc: {  	[smem:$0x3F99] =	sst s4  }
0xd: {  	[smem:$0x3F9A] =	sst s5  }
0xe: {  	[smem:$0x3F9B] =	sst s6  }
0xf: {  	[smem:$0x3F9C] =	sst s7  }
0x10: {  	[smem:$0x3F9D] =	sst s8  }
0x11: {  	[smem:$0x3F9E] =	sst s9;
	s0 =	simm.s32 @!p0 $0x0  }
0x12: {  	s1 =	sld [smem:$0x3F84];
	s0 =	simm.s32 @p0 $0x1  }
0x13: {  	[smem:$0x3F9F] =	sst s0;
	s0 =	simm.s32 @!p1 $0x0  }
0x14: {  	s2 =	sld [smem:$0x3F83];
	s0 =	simm.s32 @p1 $0x1  }
0x15: {  	[smem:$0x3FA0] =	sst s0;
	s0 =	simm.s32 @!p2 $0x0  }
0x16: {  	s3 =	sld [smem:$0x3FDB];
	s0 =	simm.s32 @p2 $0x1  }
0x17: {  	s4 =	simm.s32 $0x1BF5;
	[smem:$0x3FA2] =	sst s0  }
0x18: {  	s0 =	sld [smem:$0x3F85];
	_ =	swait.ge [sflag:s4], $0x0  }
0x19: {  	s7 =	sld [smem:$0x3F86]  }
0x1a: {  	s8 =	sadd.s32 $0xFFFFE003, lr  }
0x1b: {  	s9 =	sadd.s32 $0xFFFFFEF7, lr;
	s5 =	simm.s32 $0xFFFFFFFF;
	p2 =	slt.u32 s8, $0xFFFFF086  }
0x1c: {  	p1 =	slt.u32 s9, $0xF7A;
	s5 =	simm.s32 @!p2 $0x0  }
0x1d: {  	s5 =	simm.s32 @p1 $0x1;
	p0 =	seq.s32 s7, s2  }
0x1e: {  	s7 =	smul.u32 @!p0 $0xF7A, s2;
	p2 =	seq.s32 @!p0 s5, $0x0  }
0x1f: {  	s9 =	smul.u32 $0xF7A, s1;
	s8 =	simm.s32 @!p0 $0x1BF5;
	p2 =	por !p2, p0  }
0x20: {  	[sflag:s8] =	ssyncset.s32 @!p0 $0xFFFFF086;
	s6 =	sadd.s32 @!p0 s3, s7;
	s7 =	simm.s32 @!p0 $0x108  }
0x21: {  	s3 =	sadd.s32 s3, s9;
	s6 =	sadd.s32 @!p0 $0x88, s6;
	s7 =	simm.s32 @p2 $0x1082  }
0x22: {  	[simem:s7], [sflag:s8] =	dma.local @!p0 [hbm:s6], $0xF7A  }
0x23: {  	s9 =	sor.u32 $0xD0000000, s2;
	s6 =	simm.s32 $0x108;
	_ =	swait.ge @!p0 [sflag:s8], $0x0  }
0x24: {  	s3 =	sadd.s32 $0x88, s3;
	s6 =	simm.s32 @!p1 $0x1082;
	[sflag:s4] =	ssyncset.s32 $0xFFFFF086  }
0x25: {  	[simem:s6], [sflag:s4] =	dma.local [hbm:s3], $0xF7A  }
0x26: {  	[smem:$0x3F86] =	sst s1;
	(tag) =	ssettag s2;
	_ =	strace s9  }
0x27: {  	s1 =	sld [smem:$0x3F96]  }
0x28: {  	s2 =	sld [smem:$0x3F97]  }
0x29: {  	s4 =	sld [smem:$0x3F99]  }
0x2a: {  	p0 =	seq.s32 s5, $0x0;
	s5 =	sld [smem:$0x3F9A]  }
0x2b: {  	s6 =	sld [smem:$0x3F9B]  }
0x2c: {  	s7 =	sld [smem:$0x3F9C]  }
0x2d: {  	s3 =	simm.s32 $0x108;
	s8 =	sld [smem:$0x3F9D]  }
0x2e: {  	s3 =	simm.s32 @!p0 $0x1082;
	s9 =	sld [smem:$0x3F9E]  }
0x2f: {  	lr =	sadd.s32 s0, s3;
	s0 =	sld [smem:$0x3F95]  }
0x30: {  	s3 =	sld [smem:$0x3F98]  }
0x31: {  	[smem:$0x3FA1] =	sst s10  }
0x32: {  	s10 =	sld [smem:$0x3F9F];
	_ =	sdelay $0x3  }
0x33: {  	p0 =	seq.s32 s10, $0x1;
	s10 =	sld [smem:$0x3FA1];
	_ =	sdelay $0x3  }
0x34: {  	[smem:$0x3FA1] =	sst s10  }
0x35: {  	s10 =	sld [smem:$0x3FA0];
	_ =	sdelay $0x3  }
0x36: {  	p1 =	seq.s32 s10, $0x1;
	s10 =	sld [smem:$0x3FA1];
	_ =	sdelay $0x3  }
0x37: {  	[smem:$0x3FA1] =	sst s10  }
0x38: {  	s10 =	sld [smem:$0x3FA2]  }
0x39: {  	_ = 	snop;
	(pc) =	sbr.ind lr, $3  }
0x3a: {  	_ = 	snop  }
0x3b: {  	_ = 	snop  }
0x3c: {  	p2 =	seq.s32 s10, $0x1;
	s10 =	sld [smem:$0x3FA1]  }
0x3d: {  	_ =	shalt  }
0x3e: {  	_ =	shalt  }
0x3f: {  	_ =	shalt  }
0x40: {  	_ =	shalt  }
0x41: {  	_ =	shalt  }
0x42: {  	_ =	shalt  }
0x43: {  	_ =	shalt  }
0x44: {  	_ =	shalt  }
0x45: {  	_ =	shalt  }
0x46: {  	_ =	shalt  }
0x47: {  	_ =	shalt  }
0x48: {  	_ =	shalt  }
0x49: {  	_ =	shalt  }
0x4a: {  	_ =	shalt  }
0x4b: {  	_ =	shalt  }
0x4c: {  	_ =	shalt  }
0x4d: {  	_ =	shalt  }
0x4e: {  	_ =	shalt  }
0x4f: {  	_ =	shalt  }
0x50: {  	_ =	shalt  }
0x51: {  	_ =	shalt  }
0x52: {  	_ =	shalt  }
0x53: {  	_ =	shalt  }
0x54: {  	_ =	shalt  }
0x55: {  	_ =	shalt  }
0x56: {  	_ =	shalt  }
0x57: {  	_ =	shalt  }
0x58: {  	_ =	shalt  }
0x59: {  	_ =	shalt  }
0x5a: {  	_ =	shalt  }
0x5b: {  	_ =	shalt  }
0x5c: {  	_ =	shalt  }
0x5d: {  	_ =	shalt  }
0x5e: {  	_ =	shalt  }
0x5f: {  	_ =	shalt  }
0x60: {  	_ =	shalt  }
0x61: {  	_ =	shalt  }
0x62: {  	_ =	shalt  }
0x63: {  	_ =	shalt  }
0x64: {  	_ =	shalt  }
0x65: {  	_ =	shalt  }
0x66: {  	_ =	shalt  }
0x67: {  	_ =	shalt  }
0x68: {  	_ =	shalt  }
0x69: {  	_ =	shalt  }
0x6a: {  	_ =	shalt  }
0x6b: {  	_ =	shalt  }
0x6c: {  	_ =	shalt  }
0x6d: {  	_ =	shalt  }
0x6e: {  	_ =	shalt  }
0x6f: {  	_ =	shalt  }
0x70: {  	_ =	shalt  }
0x71: {  	_ =	shalt  }
0x72: {  	_ =	shalt  }
0x73: {  	_ =	shalt  }
0x74: {  	_ =	shalt  }
0x75: {  	_ =	shalt  }
0x76: {  	_ =	shalt  }
0x77: {  	_ =	shalt  }
0x78: {  	_ =	shalt  }
0x79: {  	_ =	shalt  }
0x7a: {  	_ =	shalt  }
0x7b: {  	_ =	shalt  }
0x7c: {  	_ =	shalt  }
0x7d: {  	_ =	shalt  }
0x7e: {  	_ =	shalt  }
0x7f: {  	_ =	shalt  }
0x80: {  	_ =	shalt  }
0x81: {  	_ =	shalt  }
0x82: {  	_ =	shalt  }
0x83: {  	_ =	shalt  }
0x84: {  	_ =	shalt  }
0x85: {  	_ =	shalt  }
0x86: {  	_ =	shalt  }
0x87: {  	_ =	shalt  }
.Lfunc_end0:
.L_simem_size_0:
called_computation.1_lowered:
.L_overlay_start_0:
0x88: {  	s2 =	sld [smem:$0x3FD9]  }
0x89: {  	s3 =	sld [smem:$0x3FFE];
	_ =	sdelay $0x1  }
0x8a: {  	s1 =	srdreg.scid  }
0x8b: {  	s0 =	sand.u32 $0x1, s1  }
0x8c: {  	s16 =	sshll.u32 s0, $0xA;
	s2 =	sadd.s32 s3, s2  }
0x8d: {  	s2 =	sadd.s32 s2, s16  }
0x8e: {  	[smem:$0x3FAD] =	sst s2  }
0x8f: {  	_ = 	snop  }
0x90: {  	(tm) =	ssettm $0x1  }
0x91: {  	s17 =	sld [smem:$0x3FFB];
	_ =	sdelay $0x3  }
0x92: {  	_ =	strace s17  }
0x93: {  	s2 =	sld [smem:$0x3FFC];
	_ =	sdelay $0x3  }
0x94: {  	_ =	strace s2  }
0x95: {  	s2 =	sld [smem:$0x3FFD];
	_ =	sdelay $0x3  }
0x96: {  	_ =	strace s2  }
0x97: {  	_ =	strace $0x8FFFFFFF  }
0x98: {  	s18 =	sld [smem:$0x3FDB];
	_ =	sdelay $0x1  }
0x99: {  	s19 =	simm.s32 $_scs_section_size  }
0x9a: {  	s4 =	simm.s32 $_size__tile_overlayer_lowered;
	s5 =	simm.s32 $_tile_overlayer_lowered  }
0x9b: {  	s22 =	simm.s32 $0x1BFF;
	s21 =	sshll.u32 s5, $0x1;
	s2 =	sadd.s32 s19, s18  }
0x9c: {  	s6 =	simm.s32 $0x0;
	s20 =	sshll.u32 s4, $0x1;
	s4 =	sadd.s32 s21, s2  }
0x9d: {  	[timem:s6], [sflag:s22] =	dma.local [hbm:s4], s20  }
0x9e: {  	_ =	swait.ge [sflag:s22], s20  }
0x9f: {  	s3 =	ssub.s32 $0x0, s20;
	[sflag:s22] =	ssyncset.done $0x0  }
0xa0: {  	[sflag:s22] =	ssyncadd.s32 s3;
	_ =	sdelay $0x1  }
0xa1: {  	s23 =	simm.s32 $0x1B8B  }
0xa2: {  	_ =	swait.ge [sflag:s23], $0x1  }
0xa3: {  	[sflag:s23] =	ssyncset.done $0x0  }
0xa4: {  	s25 =	simm.s32 $0x1B8E;
	s24 =	sld [smem:$0x3FFE];
	[sflag:s23] =	ssyncadd.s32 $0xFFFFFFFF  }
0xa5: {  	s26 =	simm.s32 $execute0_lowered;
	[smem:$0x3FD2] =	sst s25  }
0xa6: {  	s4 =	sshll.u32 s26, $0x1;
	_ =	strace $0x80000049;
	[dreg:$0x1] =	wrdreg $0xFFFFFFFF  }
0xa7: {  	s28 =	simm.s32 $_size_execute0_lowered;
	s2 =	sadd.s32 s2, s4;
	[dreg:$0x0] =	wrdreg $0x0  }
0xa8: {  	s4 =	sshll.u32 s28, $0x1;
	[dreg:$0x2] =	wrdreg s2  }
0xa9: {  	[dreg:$0x3] =	wrdreg s4  }
0xaa: {  	[dreg:$0x4] =	wrdreg $0xC0  }
0xab: {  	_ =	task [dreg:s6], $0x5FFFF  }
0xac: {  	[dreg:$0x1] =	wrdreg $0xFFFFFFFF  }
0xad: {  	[dreg:$0x0] =	wrdreg $0x60  }
0xae: {  	[dreg:$0x2] =	wrdreg s24  }
0xaf: {  	[dreg:$0x3] =	wrdreg $0xAD800  }
0xb0: {  	[dreg:$0x4] =	wrdreg $0x9  }
0xb1: {  	_ =	task.clear_ibuf [dreg:s6], $0x5FFFF;
	_ =	strace $0x90000049  }
0xb2: {  	s29 =	simm.s32 $0x9;
	_ =	strace $0x8000004B  }
0xb3: {  	_ =	swait.ge [sflag:s29], $0x1  }
0xb4: {  	[sflag:s29] =	ssyncadd.s32 $0xFFFFFFFF  }
0xb5: {  	_ =	strace $0x9000004B  }
0xb6: {  	_ =	sfence  }
0xb7: {  	s30 =	sld [smem:$0x0];
	_ =	sdelay $0x2  }
0xb8: {  	s31 =	sshll.u32 s1, $0xD;
	s1 =	sshrl.u32 s1, $0x2  }
0xb9: {  	s3 =	sand.u32 $0x4000, s31;
	s1 =	sadd.s32 s1, s30  }
0xba: {  	s0 =	sor.u32 s3, s0;
	s1 =	sshll.u32 s1, $0x11  }
0xbb: {  	s0 =	sor.u32 s1, s0  }
0xbc: {  	s0 =	sadd.s32 $0x8F2B, s0  }
0xbd: {  	[sflag:s0] =	ssyncadd.remote.s32 $0x1  }
0xbe: {  	_ =	sfence.sel $0xFFFF  }
0xbf: {  	[dreg:$0x0] =	wrdreg $0xFFFFFFFF;
	(pc) =	sbr.abs _section_cstart, $3  }
0xc0: {  	[dreg:$0x1] =	wrdreg $0xFFFFFFFF  }
0xc1: {  	_ =	task.clear_ibuf [dreg:s6], $0x2FFFF;
	_ =	strace $0x9FFFFFFF  }
0xc2: {  	(tm) =	ssettm $0x7FFFFFFF  }
0xc3: {  	_ =	shalt  }
tec
execute0_lowered:
.L_overlay_start_1:
0x0: {  	(tag) =	ssettag $0x1  }
0x1: {  	s0 =	rddreg [dreg:$0x0]  }
0x2: {  	s1 =	rddreg [dreg:$0x1]  }
0x3: {  	s2 =	simm.s32 $0x0;
	s3 =	srdreg.scid;
	s17 =	stileid.u32  }
0x4: {  	s21 =	simm.s32 $0x7980;
	s28 =	simm.s32 $0x2980;
	s29 =	simm.s32 $0x5180  }
0x5: {  	s30 =	simm.s32 $0x1;
	s31 =	simm.s32 $0x2;
	[smem:$0x7FF] =	sst s2  }
0x6: {  	s3 =	sand.u32 $0x1, s3;
	s4 =	sadd.s32 $0x6A00, s0;
	s5 =	sadd.s32 $0x807E00, s0  }
0x7: {  	s7 =	sadd.s32 $0x54C00, s0;
	s8 =	sadd.s32 $0x280A00, s0;
	s12 =	smul.u32 $0x270, s17  }
0x8: {  	s9 =	sadd.s32 $0x27BA00, s0;
	s14 =	smul.u32 $0x4E000, s17;
	s0 =	sadd.s32 $0xA2E00, s0  }
0x9: {  	p0 =	sne.s32 s17, $0xF;
	s13 =	smul.u32 $0x2710, s3;
	s10 =	ssub.s32 $0x2, s3  }
0xa: {  	_ =	strace $0x8000004A;
	s6 =	smul.u32 $0x27100, s3;
	s11 =	sshrl.u32 s10, $0x1  }
0xb: {  	s3 =	smul.u32 $0x138800, s3;
	s14 =	sshrl.u32 s14, $0x2;
	s15 =	ssub.s32 s10, s11  }
0xc: {  	s10 =	sadd.s32 $0x138000, s1;
	s11 =	smul.u32 $0x2710, s17;
	s16 =	sadd.s32 s12, s13  }
0xd: {  	s3 =	sshrl.u32 s3, $0x3;
	s12 =	sadd.s32 s14, s1;
	s22 =	sshll.u32 s16, $0x4  }
0xe: {  	s3 =	sadd.s32 s0, s3;
	s24 =	smax.u32 s15, $0x1;
	s25 =	sadd.s32 $0x3400, s12  }
0xf: {  	s26 =	sadd.s32 $0x6800, s12;
	s18 =	sadd.s32 $0x9C00, s12;
	[dreg:$0x5] =	wrdreg s24  }
0x10: {  	s19 =	sadd.s32 $0xD000, s12;
	s20 =	sadd.s32 $0x10400, s12;
	[dreg:$0x6] =	wrdreg s25  }
0x11: {  	s0 =	sadd.s32 s0, s22;
	s23 =	sadd.s32 $0x27000, s3;
	[dreg:$0x7] =	wrdreg s26  }
0x12: {  	s22 =	simm.s32 $0x4;
	s24 =	simm.s32 $0x50;
	s25 =	simm.s32 $0x80  }
0x13: {  	s26 =	simm.s32 $0x180;
	s3 =	simm.s32 $0x0;
	[dreg:$0x3] =	wrdreg s0  }
0x14: {  	v1 =	vimm.f32 $0.0e+00;
	v0 =	vmov s13;
	[dreg:$0x4] =	wrdreg s23;
	s23 =	simm.s32 $0x100;
	s0 =	simm.s32 $0x3  }
.LBB2_1:
0x15: {  	s13 =	simm.s32 $0x0;
	s14 =	simm.s32 $0x200  }
.LBB2_2:
0x16: {  	p1 =	sne.s32 s14, $0xCE00;
	[tilespmem:s13+$0x79F0] =	vst v1  }
0x17: {  	[tilespmem:s13+$0x7980] =	vst v1  }
0x18: {  	[tilespmem:s13+$0x7990] =	vst v1  }
.Ltmp0:
0x19: {  	[tilespmem:s13+$0x79A0] =	vst v1;
	(pc) =	sbr.rel @p1 .LBB2_2-.Ltmp0, $4  }
0x1a: {  	[tilespmem:s13+$0x79B0] =	vst v1  }
0x1b: {  	[tilespmem:s13+$0x79C0] =	vst v1  }
0x1c: {  	[tilespmem:s13+$0x79D0] =	vst v1  }
0x1d: {  	[tilespmem:s13+$0x79E0] =	vst v1;
	s13 =	sshra.s32 s14, $0x2;
	s14 =	sadd.s32 $0x200, s14  }
0x1e: {  	[tilespmem:s13+$0x79F0] =	vst v1  }
0x1f: {  	[tilespmem:s13+$0x7980] =	vst v1  }
0x20: {  	[tilespmem:s13+$0x7990] =	vst v1  }
0x21: {  	[tilespmem:s13+$0x79A0] =	vst v1  }
0x22: {  	[tilespmem:s13+$0x79B0] =	vst v1  }
0x23: {  	[tilespmem:s13+$0x79C0] =	vst v1  }
0x24: {  	[tilespmem:s13+$0x79D0] =	vst v1  }
0x25: {  	[tilespmem:s13+$0x79E0] =	vst v1  }
0x26: {  	[spmem:s12] =	stream.linear.scatter [tilespmem:s21], [sflag:$0x4], $0x3400, $0x38;
	[tilespmem:$0x1E600] =	vst v63  }
0x27: {  	_ =	swait.ge [sflag:s22], $0x3400  }
0x28: {  	[sflag:s22] =	ssyncset.done $0x0  }
0x29: {  	s16 =	rddreg [dreg:$0x6];
	[sflag:s22] =	ssyncadd.s32 $0xFFFFCC00  }
0x2a: {  	[spmem:s16] =	stream.linear.scatter [tilespmem:s21], [sflag:$0x4], $0x3400, $0x38;
	[tilespmem:$0x1E600] =	vst v63  }
0x2b: {  	_ =	swait.ge [sflag:s22], $0x3400  }
0x2c: {  	[sflag:s22] =	ssyncset.done $0x0  }
0x2d: {  	s17 =	rddreg [dreg:$0x7];
	[sflag:s22] =	ssyncadd.s32 $0xFFFFCC00  }
0x2e: {  	[spmem:s17] =	stream.linear.scatter [tilespmem:s21], [sflag:$0x4], $0x3400, $0x38;
	[tilespmem:$0x1E600] =	vst v63  }
0x2f: {  	_ =	swait.ge [sflag:s22], $0x3400  }
0x30: {  	[sflag:s22] =	ssyncset.done $0x0  }
0x31: {  	[sflag:s22] =	ssyncadd.s32 $0xFFFFCC00  }
0x32: {  	[spmem:s18] =	stream.linear.scatter [tilespmem:s21], [sflag:$0x4], $0x3400, $0x38;
	[tilespmem:$0x1E600] =	vst v63  }
0x33: {  	_ =	swait.ge [sflag:s22], $0x3400  }
0x34: {  	[sflag:s22] =	ssyncset.done $0x0  }
0x35: {  	[sflag:s22] =	ssyncadd.s32 $0xFFFFCC00  }
0x36: {  	[spmem:s19] =	stream.linear.scatter [tilespmem:s21], [sflag:$0x4], $0x3400, $0x38;
	[tilespmem:$0x1E600] =	vst v63  }
0x37: {  	_ =	swait.ge [sflag:s22], $0x3400  }
0x38: {  	[sflag:s22] =	ssyncset.done $0x0  }
0x39: {  	[sflag:s22] =	ssyncadd.s32 $0xFFFFCC00  }
0x3a: {  	[spmem:s20] =	stream.linear.scatter [tilespmem:s21], [sflag:$0x4], $0x3400, $0x38;
	[tilespmem:$0x1E600] =	vst v63  }
0x3b: {  	_ =	swait.ge [sflag:s22], $0x3400  }
0x3c: {  	[sflag:s22] =	ssyncset.done $0x0  }
0x3d: {  	s13 =	simm.s32 @!p0 $0x7980;
	[sflag:s22] =	ssyncadd.s32 $0xFFFFCC00  }
0x3e: {  	[spmem:s10] =	stream.linear.scatter @!p0 [tilespmem:s13], [sflag:$0x4], $0x800, $0x38;
	[tilespmem:$0x1E600] =	vst v63  }
0x3f: {  	s13 =	simm.s32 @!p0 $0x4  }
0x40: {  	_ =	swait.ge @!p0 [sflag:s13], $0x800  }
0x41: {  	[sflag:s13] =	ssyncset.done @!p0 $0x0  }
0x42: {  	[sflag:s13] =	ssyncadd.s32 @!p0 $0xFFFFF800  }
0x43: {  	s14 =	simm.s32 $0x0;
	s13 =	simm.s32 $0x0;
	[bflag:$0x0] =	sbarrier.arrive $0xFFFF  }
.LBB2_4:
0x44: {  	s15 =	smul.u32 $0x50, s14;
	_ =	sdelay $0x1  }
0x45: {  	s15 =	sadd.s32 s11, s15  }
0x46: {  	s16 =	sshrl.u32 s15, $0x3  }
0x47: {  	s17 =	sadd.s32 s8, s16  }
0x48: {  	[tilespmem:s13], [sflag:$0x4] =	stream.linear.gather [hbm4b:s17+s13], $0x50, $0x38;
	[tilespmem:$0x1E600] =	vst v63  }
0x49: {  	_ =	swait.ge [sflag:s22], $0x50  }
0x4a: {  	[sflag:s22] =	ssyncset.done $0x0  }
0x4b: {  	s16 =	sadd.s32 s9, s16;
	[sflag:s22] =	ssyncadd.s32 $0xFFFFFFB0  }
0x4c: {  	[tilespmem:s23], [sflag:$0x4] =	stream.linear.gather [hbm4b:s16+s13], $0x50, $0x38;
	[tilespmem:$0x1E600] =	vst v63  }
0x4d: {  	_ =	swait.ge [sflag:s22], $0x50  }
0x4e: {  	[sflag:s22] =	ssyncset.done $0x0  }
0x4f: {  	[sflag:s22] =	ssyncadd.s32 $0xFFFFFFB0  }
0x50: {  	v2 =	vld [tilespmem:$0x0]  }
0x51: {  	v3 =	vld [tilespmem:$0x100]  }
0x52: {  	v4 =	vld [tilespmem:$0x10]  }
0x53: {  	v5 =	vld [tilespmem:$0x110]  }
0x54: {  	v6 =	vld [tilespmem:$0x20]  }
0x55: {  	v7 =	vld [tilespmem:$0x120];
	v2 =	vadd.s32 v0, v2  }
0x56: {  	[tilespmem:$0x80] =	vst v2;
	v2 =	vadd.s32 v0, v3;
	v3 =	vld [tilespmem:$0x30]  }
0x57: {  	[tilespmem:$0x100] =	vst v2;
	v2 =	vadd.s32 v0, v4;
	v4 =	vld [tilespmem:$0x130]  }
0x58: {  	[tilespmem:$0x90] =	vst v2;
	v2 =	vadd.s32 v0, v5;
	v5 =	vld [tilespmem:$0x40]  }
0x59: {  	[tilespmem:$0x110] =	vst v2;
	v2 =	vadd.s32 v0, v6;
	v6 =	vld [tilespmem:$0x140]  }
0x5a: {  	[tilespmem:$0xA0] =	vst v2;
	v2 =	vadd.s32 v0, v7  }
0x5b: {  	[tilespmem:$0x120] =	vst v2;
	v2 =	vadd.s32 v0, v3  }
0x5c: {  	[tilespmem:$0xB0] =	vst v2;
	v2 =	vadd.s32 v0, v4  }
0x5d: {  	[tilespmem:$0x130] =	vst v2;
	v2 =	vadd.s32 v0, v5  }
0x5e: {  	[tilespmem:$0xC0] =	vst v2;
	v2 =	vadd.s32 v0, v6  }
0x5f: {  	s15 =	sadd.s32 s6, s15;
	[tilespmem:$0x140] =	vst v2  }
0x60: {  	[tilespmem:s26], [sflag:$0x1] =	stream.indirect.gather [hbm4b:s4+s24], $0x80, s25, s24, $0xb8;
	[tilespmem:$0x1E600] =	vst v63  }
0x61: {  	s15 =	sshll.u32 s15, $0x4  }
0x62: {  	[tilespmem:s28], [sflag:$0x2] =	stream.indirect.gather [hbm4b:s7+s24], $0x80, s23, s24, $0xb8;
	[tilespmem:$0x1E600] =	vst v63  }
0x63: {  	s15 =	sadd.s32 s5, s15  }
0x64: {  	[tilespmem:s29], [sflag:$0x3] =	stream.linear.gather [hbm4b:s15+s13], $0x2800, $0x38;
	[tilespmem:$0x1E600] =	vst v63  }
0x65: {  	_ =	swait.ge [sflag:s30], $0x2800  }
0x66: {  	[sflag:s30] =	ssyncset.done $0x0  }
0x67: {  	[sflag:s30] =	ssyncadd.s32 $0xFFFFD800  }
0x68: {  	_ =	swait.ge [sflag:s31], $0x2800  }
0x69: {  	[sflag:s31] =	ssyncset.done $0x0  }
0x6a: {  	[sflag:s31] =	ssyncadd.s32 $0xFFFFD800  }
0x6b: {  	_ =	swait.ge [sflag:s0], $0x2800  }
0x6c: {  	[sflag:s0] =	ssyncset.done $0x0  }
0x6d: {  	s15 =	simm.s32 $0x0;
	[sflag:s0] =	ssyncadd.s32 $0xFFFFD800  }
0x6e: {  	v6 =	vld [tilespmem:s15+$0x5180]  }
0x6f: {  	v7 =	vld [tilespmem:s15+$0x5190]  }
0x70: {  	v5 =	vld [tilespmem:s15+$0x51A0]  }
0x71: {  	v4 =	vld [tilespmem:s15+$0x51B0]  }
0x72: {  	v3 =	vld [tilespmem:s15+$0x51C0]  }
0x73: {  	v2 =	vld [tilespmem:s15+$0x51D0]  }
0x74: {  	v14 =	vld [tilespmem:s15+$0x2980]  }
0x75: {  	v19 =	vld [tilespmem:s15+$0x2990]  }
0x76: {  	v13 =	vld [tilespmem:s15+$0x29A0]  }
0x77: {  	v12 =	vld [tilespmem:s15+$0x29B0]  }
0x78: {  	v11 =	vld [tilespmem:s15+$0x29C0]  }
0x79: {  	v10 =	vld [tilespmem:s15+$0x29D0]  }
0x7a: {  	v9 =	vld [tilespmem:s15+$0x29E0]  }
0x7b: {  	v8 =	vld [tilespmem:s15+$0x29F0]  }
0x7c: {  	v20 =	vld [tilespmem:s15+$0x180]  }
0x7d: {  	v21 =	vld [tilespmem:s15+$0x190]  }
0x7e: {  	v18 =	vld [tilespmem:s15+$0x1A0]  }
0x7f: {  	v17 =	vld [tilespmem:s15+$0x1B0]  }
0x80: {  	v16 =	vld [tilespmem:s15+$0x1C0]  }
0x81: {  	v15 =	vld [tilespmem:s15+$0x1D0];
	v20 =	vadd.f32 v14, v20  }
0x82: {  	s16 =	simm.s32 $0x200;
	v19 =	vadd.f32 v19, v21;
	v14 =	vld [tilespmem:s15+$0x1E0]  }
.LBB2_5:
0x83: {  	p1 =	sne.s32 s16, $0x9E00;
	v6 =	vadd.f32 v6, v20;
	v13 =	vadd.f32 v13, v18;
	v18 =	vld [tilespmem:s15+$0x1F0]  }
0x84: {  	v7 =	vadd.f32 v7, v19;
	v12 =	vadd.f32 v12, v17;
	v17 =	vld [tilespmem:s15+$0x51E0]  }
0x85: {  	s17 =	sshra.s32 s16, $0x2;
	v19 =	vmax.f32 v6, $0.0e+00;
	v5 =	vadd.f32 v5, v13;
	v11 =	vadd.f32 v11, v16;
	v13 =	vld [tilespmem:s15+$0x51F0]  }
0x86: {  	v6 =	vld [tilespmem:s17+$0x5180];
	[tilespmem:s15+$0x180] =	vst v19;
	v16 =	vmax.f32 v7, $0.0e+00;
	v4 =	vadd.f32 v4, v12;
	v10 =	vadd.f32 v10, v15  }
0x87: {  	v7 =	vld [tilespmem:s17+$0x5190];
	[tilespmem:s15+$0x190] =	vst v16;
	v12 =	vmax.f32 v5, $0.0e+00;
	v3 =	vadd.f32 v3, v11;
	v9 =	vadd.f32 v9, v14  }
0x88: {  	v5 =	vld [tilespmem:s17+$0x51A0];
	[tilespmem:s15+$0x1A0] =	vst v12;
	v11 =	vmax.f32 v4, $0.0e+00;
	v2 =	vadd.f32 v2, v10;
	v8 =	vadd.f32 v8, v18  }
0x89: {  	v4 =	vld [tilespmem:s17+$0x51B0];
	[tilespmem:s15+$0x1B0] =	vst v11;
	v10 =	vmax.f32 v3, $0.0e+00;
	v9 =	vadd.f32 v17, v9  }
0x8a: {  	v3 =	vld [tilespmem:s17+$0x51C0];
	[tilespmem:s15+$0x1C0] =	vst v10;
	v10 =	vmax.f32 v2, $0.0e+00;
	v8 =	vadd.f32 v13, v8  }
0x8b: {  	v2 =	vld [tilespmem:s17+$0x51D0];
	[tilespmem:s15+$0x1D0] =	vst v10;
	v9 =	vmax.f32 v9, $0.0e+00  }
0x8c: {  	v14 =	vld [tilespmem:s17+$0x2980];
	[tilespmem:s15+$0x1E0] =	vst v9;
	v8 =	vmax.f32 v8, $0.0e+00  }
0x8d: {  	v19 =	vld [tilespmem:s17+$0x2990];
	[tilespmem:s15+$0x1F0] =	vst v8;
	s15 =	smov.u32 s17  }
0x8e: {  	v13 =	vld [tilespmem:s15+$0x29A0]  }
0x8f: {  	v12 =	vld [tilespmem:s15+$0x29B0]  }
0x90: {  	v11 =	vld [tilespmem:s15+$0x29C0]  }
0x91: {  	v10 =	vld [tilespmem:s15+$0x29D0]  }
0x92: {  	v9 =	vld [tilespmem:s15+$0x29E0]  }
0x93: {  	v8 =	vld [tilespmem:s15+$0x29F0]  }
0x94: {  	v15 =	vld [tilespmem:s15+$0x180]  }
0x95: {  	v21 =	vld [tilespmem:s15+$0x190]  }
.Ltmp1:
0x96: {  	v18 =	vld [tilespmem:s15+$0x1A0];
	(pc) =	sbr.rel @p1 .LBB2_5-.Ltmp1, $4  }
0x97: {  	v17 =	vld [tilespmem:s15+$0x1B0]  }
0x98: {  	v16 =	vld [tilespmem:s15+$0x1C0]  }
0x99: {  	v20 =	vadd.f32 v14, v15;
	v15 =	vld [tilespmem:s15+$0x1D0]  }
0x9a: {  	s16 =	sadd.s32 $0x200, s16;
	v19 =	vadd.f32 v19, v21;
	v14 =	vld [tilespmem:s15+$0x1E0]  }
0x9b: {  	v6 =	vadd.f32 v6, v20;
	v13 =	vadd.f32 v13, v18;
	v56 =	vld [tilespmem:s15+$0x1F0]  }
0x9c: {  	v57 =	vld [tilespmem:s15+$0x51E0];
	v7 =	vadd.f32 v7, v19;
	v12 =	vadd.f32 v12, v17  }
0x9d: {  	v58 =	vld [tilespmem:s15+$0x51F0];
	v6 =	vmax.f32 v6, $0.0e+00;
	v5 =	vadd.f32 v5, v13;
	v11 =	vadd.f32 v11, v16  }
0x9e: {  	[tilespmem:s15+$0x180] =	vst v6;
	v59 =	vmax.f32 v7, $0.0e+00;
	v4 =	vadd.f32 v4, v12;
	v60 =	vadd.f32 v10, v15  }
0x9f: {  	[tilespmem:s15+$0x190] =	vst v59;
	v5 =	vmax.f32 v5, $0.0e+00;
	v3 =	vadd.f32 v3, v11;
	v61 =	vadd.f32 v9, v14  }
0xa0: {  	[tilespmem:s15+$0x1A0] =	vst v5;
	v4 =	vmax.f32 v4, $0.0e+00;
	v2 =	vadd.f32 v2, v60;
	v62 =	vadd.f32 v8, v56  }
0xa1: {  	[tilespmem:s15+$0x1B0] =	vst v4;
	v3 =	vmax.f32 v3, $0.0e+00;
	v63 =	vadd.f32 v57, v61  }
0xa2: {  	[tilespmem:s15+$0x1C0] =	vst v3;
	v2 =	vmax.f32 v2, $0.0e+00;
	v3 =	vadd.f32 v58, v62  }
0xa3: {  	s14 =	sadd.s32 $0x1, s14;
	[tilespmem:s15+$0x1D0] =	vst v2;
	v2 =	vmax.f32 v63, $0.0e+00  }
0xa4: {  	p1 =	sne.s32 s14, $0x7D;
	[tilespmem:s15+$0x1E0] =	vst v2;
	v2 =	vmax.f32 v3, $0.0e+00  }
.Ltmp2:
0xa5: {  	[tilespmem:s15+$0x1F0] =	vst v2;
	(pc) =	sbr.rel @p1 .LBB2_4-.Ltmp2, $4  }
0xa6: {  	[spmem:s1] =	stream.indirect.scatter.add.f32 [tilespmem:s26], [sflag:$0x4], $0x80, s2, s24, $0xb8;
	[tilespmem:$0x1E600] =	vst v63  }
0xa7: {  	_ =	swait.ge [sflag:s22], $0x2800  }
0xa8: {  	[sflag:s22] =	ssyncset.done $0x0  }
0xa9: {  	[sflag:s22] =	ssyncadd.s32 $0xFFFFD800  }
0xaa: {  	s13 =	stileid.u32  }
0xab: {  	[bflag:$0x0] =	sbarrier.arrive $0xFFFF;
	s13 =	sshll.u32 s13, $0x6  }
0xac: {  	s14 =	sshrl.u32 s12, $0x3;
	s15 =	rddreg [dreg:$0x3];
	s13 =	sor.u32 $0x1C04, s13  }
0xad: {  	[hbm:s15], [sflag:s13] =	dma.local [spmem:s14], $0x2700  }
0xae: {  	_ =	swait.ge [sflag:s22], $0x2700  }
0xaf: {  	[sflag:s22] =	ssyncset.done $0x0  }
0xb0: {  	s14 =	sshrl.u32 @!p0 s10, $0x3;
	s15 =	rddreg [dreg:$0x4];
	[sflag:s22] =	ssyncadd.s32 $0xFFFFD900  }
0xb1: {  	[hbm:s15], [sflag:s13] =	dma.local @!p0 [spmem:s14], $0x100  }
0xb2: {  	s13 =	simm.s32 @!p0 $0x4  }
0xb3: {  	_ =	swait.ge @!p0 [sflag:s13], $0x100  }
0xb4: {  	s3 =	sadd.s32 $0x1, s3;
	s17 =	rddreg [dreg:$0x5]  }
0xb5: {  	p1 =	sne.s32 s3, s17  }
.Ltmp3:
0xb6: {  	_ = 	snop;
	(pc) =	sbr.rel @p1 .LBB2_1-.Ltmp3, $3  }
0xb7: {  	_ =	sdelay $0x1  }
0xb8: {  	[sflag:s13] =	ssyncset.done @!p0 $0x0  }
0xb9: {  	[sflag:s13] =	ssyncadd.s32 @!p0 $0xFFFFFF00  }
0xba: {  	_ =	sfence.sel $0x180000  }
0xbb: {  	[bflag:$0x0] =	sbarrier.arrive $0xFFFF  }
0xbc: {  	_ =	strace $0x9000004A  }
0xbd: {  	s0 =	stileid.u32;
	[bflag:$0x2] =	sbarrier.arrive $0xFFFF  }
0xbe: {  	p0 =	sne.s32 s0, $0x0;
	s0 =	rddreg [dreg:$0x2]  }
0xbf: {  	s0 =	sadd.s32 @!p0 $0x100000, s0  }
0xc0: {  	[sflag:s0] =	ssyncadd.tile.s32 @!p0 $0x1;
	_ =	shalt  }
.Lfunc_end2:
_tile_overlayer_lowered:
.L_overlay_start_2:
0xc1: {  	(tag) =	ssettag $0x2  }
0xc2: {  	s0 =	rddreg [dreg:$0x0];
	s2 =	stileid.u32  }
0xc3: {  	s1 =	rddreg [dreg:$0x1];
	p0 =	sne.s32 s2, $0x0  }
0xc4: {  	s3 =	rddreg [dreg:$0x2];
	[bflag:$0x3] =	sbarrier.arrive $0xFFFF;
	s2 =	simm.s32 @!p0 $0x1C04  }
0xc5: {  	[timem:s3], [sflag:s2] =	dma.local @!p0 [hbm:s0], s1  }
0xc6: {  	s0 =	simm.s32 @!p0 $0x4  }
0xc7: {  	_ =	swait.ge @!p0 [sflag:s0], s1  }
0xc8: {  	s1 =	ssub.s32 @!p0 $0x0, s1;
	[sflag:s0] =	ssyncset.done @!p0 $0x0  }
0xc9: {  	[sflag:s0] =	ssyncadd.s32 @!p0 s1  }
0xca: {  	[bflag:$0x3] =	sbarrier.arrive $0xFFFF  }
0xcb: {  	_ =	shalt  }

// kernel: kernel.20.cloned.1.call-start
scs
__scs_entry_jumppad:
0x0: {  	(pc) =	sbr.rel $0x88, $3  }
0x1: {  	(tag) =	ssettag $0x0;
	lr =	simm.s32 $0x1  }
0x2: {  	[smem:$0x3F86] =	sst lr;
	_ =	strace $0xD0000000  }
0x3: {  	_ = 	snop  }
0x4: {  	_ = 	snop  }
0x5: {  	_ = 	snop  }
0x6: {  	_ = 	snop  }
0x7: {  	_ = 	snop  }
__scs_overlays_trampoline_lowered:
0x8: {  	[smem:$0x3F95] =	sst s0  }
0x9: {  	[smem:$0x3F96] =	sst s1  }
0xa: {  	[smem:$0x3F97] =	sst s2  }
0xb: {  	[smem:$0x3F98] =	sst s3  }
0xc: {  	[smem:$0x3F99] =	sst s4  }
0xd: {  	[smem:$0x3F9A] =	sst s5  }
0xe: {  	[smem:$0x3F9B] =	sst s6  }
0xf: {  	[smem:$0x3F9C] =	sst s7  }
0x10: {  	[smem:$0x3F9D] =	sst s8  }
0x11: {  	[smem:$0x3F9E] =	sst s9;
	s0 =	simm.s32 @!p0 $0x0  }
0x12: {  	s1 =	sld [smem:$0x3F84];
	s0 =	simm.s32 @p0 $0x1  }
0x13: {  	[smem:$0x3F9F] =	sst s0;
	s0 =	simm.s32 @!p1 $0x0  }
0x14: {  	s2 =	sld [smem:$0x3F83];
	s0 =	simm.s32 @p1 $0x1  }
0x15: {  	[smem:$0x3FA0] =	sst s0;
	s0 =	simm.s32 @!p2 $0x0  }
0x16: {  	s3 =	sld [smem:$0x3FDB];
	s0 =	simm.s32 @p2 $0x1  }
0x17: {  	s4 =	simm.s32 $0x1BF5;
	[smem:$0x3FA2] =	sst s0  }
0x18: {  	s0 =	sld [smem:$0x3F85];
	_ =	swait.ge [sflag:s4], $0x0  }
0x19: {  	s7 =	sld [smem:$0x3F86]  }
0x1a: {  	s8 =	sadd.s32 $0xFFFFE003, lr  }
0x1b: {  	s9 =	sadd.s32 $0xFFFFFEF7, lr;
	s5 =	simm.s32 $0xFFFFFFFF;
	p2 =	slt.u32 s8, $0xFFFFF086  }
0x1c: {  	p1 =	slt.u32 s9, $0xF7A;
	s5 =	simm.s32 @!p2 $0x0  }
0x1d: {  	s5 =	simm.s32 @p1 $0x1;
	p0 =	seq.s32 s7, s2  }
0x1e: {  	s7 =	smul.u32 @!p0 $0xF7A, s2;
	p2 =	seq.s32 @!p0 s5, $0x0  }
0x1f: {  	s9 =	smul.u32 $0xF7A, s1;
	s8 =	simm.s32 @!p0 $0x1BF5;
	p2 =	por !p2, p0  }
0x20: {  	[sflag:s8] =	ssyncset.s32 @!p0 $0xFFFFF086;
	s6 =	sadd.s32 @!p0 s3, s7;
	s7 =	simm.s32 @!p0 $0x108  }
0x21: {  	s3 =	sadd.s32 s3, s9;
	s6 =	sadd.s32 @!p0 $0x88, s6;
	s7 =	simm.s32 @p2 $0x1082  }
0x22: {  	[simem:s7], [sflag:s8] =	dma.local @!p0 [hbm:s6], $0xF7A  }
0x23: {  	s9 =	sor.u32 $0xD0000000, s2;
	s6 =	simm.s32 $0x108;
	_ =	swait.ge @!p0 [sflag:s8], $0x0  }
0x24: {  	s3 =	sadd.s32 $0x88, s3;
	s6 =	simm.s32 @!p1 $0x1082;
	[sflag:s4] =	ssyncset.s32 $0xFFFFF086  }
0x25: {  	[simem:s6], [sflag:s4] =	dma.local [hbm:s3], $0xF7A  }
0x26: {  	[smem:$0x3F86] =	sst s1;
	(tag) =	ssettag s2;
	_ =	strace s9  }
0x27: {  	s1 =	sld [smem:$0x3F96]  }
0x28: {  	s2 =	sld [smem:$0x3F97]  }
0x29: {  	s4 =	sld [smem:$0x3F99]  }
0x2a: {  	p0 =	seq.s32 s5, $0x0;
	s5 =	sld [smem:$0x3F9A]  }
0x2b: {  	s6 =	sld [smem:$0x3F9B]  }
0x2c: {  	s7 =	sld [smem:$0x3F9C]  }
0x2d: {  	s3 =	simm.s32 $0x108;
	s8 =	sld [smem:$0x3F9D]  }
0x2e: {  	s3 =	simm.s32 @!p0 $0x1082;
	s9 =	sld [smem:$0x3F9E]  }
0x2f: {  	lr =	sadd.s32 s0, s3;
	s0 =	sld [smem:$0x3F95]  }
0x30: {  	s3 =	sld [smem:$0x3F98]  }
0x31: {  	[smem:$0x3FA1] =	sst s10  }
0x32: {  	s10 =	sld [smem:$0x3F9F];
	_ =	sdelay $0x3  }
0x33: {  	p0 =	seq.s32 s10, $0x1;
	s10 =	sld [smem:$0x3FA1];
	_ =	sdelay $0x3  }
0x34: {  	[smem:$0x3FA1] =	sst s10  }
0x35: {  	s10 =	sld [smem:$0x3FA0];
	_ =	sdelay $0x3  }
0x36: {  	p1 =	seq.s32 s10, $0x1;
	s10 =	sld [smem:$0x3FA1];
	_ =	sdelay $0x3  }
0x37: {  	[smem:$0x3FA1] =	sst s10  }
0x38: {  	s10 =	sld [smem:$0x3FA2]  }
0x39: {  	_ = 	snop;
	(pc) =	sbr.ind lr, $3  }
0x3a: {  	_ = 	snop  }
0x3b: {  	_ = 	snop  }
0x3c: {  	p2 =	seq.s32 s10, $0x1;
	s10 =	sld [smem:$0x3FA1]  }
0x3d: {  	_ =	shalt  }
0x3e: {  	_ =	shalt  }
0x3f: {  	_ =	shalt  }
0x40: {  	_ =	shalt  }
0x41: {  	_ =	shalt  }
0x42: {  	_ =	shalt  }
0x43: {  	_ =	shalt  }
0x44: {  	_ =	shalt  }
0x45: {  	_ =	shalt  }
0x46: {  	_ =	shalt  }
0x47: {  	_ =	shalt  }
0x48: {  	_ =	shalt  }
0x49: {  	_ =	shalt  }
0x4a: {  	_ =	shalt  }
0x4b: {  	_ =	shalt  }
0x4c: {  	_ =	shalt  }
0x4d: {  	_ =	shalt  }
0x4e: {  	_ =	shalt  }
0x4f: {  	_ =	shalt  }
0x50: {  	_ =	shalt  }
0x51: {  	_ =	shalt  }
0x52: {  	_ =	shalt  }
0x53: {  	_ =	shalt  }
0x54: {  	_ =	shalt  }
0x55: {  	_ =	shalt  }
0x56: {  	_ =	shalt  }
0x57: {  	_ =	shalt  }
0x58: {  	_ =	shalt  }
0x59: {  	_ =	shalt  }
0x5a: {  	_ =	shalt  }
0x5b: {  	_ =	shalt  }
0x5c: {  	_ =	shalt  }
0x5d: {  	_ =	shalt  }
0x5e: {  	_ =	shalt  }
0x5f: {  	_ =	shalt  }
0x60: {  	_ =	shalt  }
0x61: {  	_ =	shalt  }
0x62: {  	_ =	shalt  }
0x63: {  	_ =	shalt  }
0x64: {  	_ =	shalt  }
0x65: {  	_ =	shalt  }
0x66: {  	_ =	shalt  }
0x67: {  	_ =	shalt  }
0x68: {  	_ =	shalt  }
0x69: {  	_ =	shalt  }
0x6a: {  	_ =	shalt  }
0x6b: {  	_ =	shalt  }
0x6c: {  	_ =	shalt  }
0x6d: {  	_ =	shalt  }
0x6e: {  	_ =	shalt  }
0x6f: {  	_ =	shalt  }
0x70: {  	_ =	shalt  }
0x71: {  	_ =	shalt  }
0x72: {  	_ =	shalt  }
0x73: {  	_ =	shalt  }
0x74: {  	_ =	shalt  }
0x75: {  	_ =	shalt  }
0x76: {  	_ =	shalt  }
0x77: {  	_ =	shalt  }
0x78: {  	_ =	shalt  }
0x79: {  	_ =	shalt  }
0x7a: {  	_ =	shalt  }
0x7b: {  	_ =	shalt  }
0x7c: {  	_ =	shalt  }
0x7d: {  	_ =	shalt  }
0x7e: {  	_ =	shalt  }
0x7f: {  	_ =	shalt  }
0x80: {  	_ =	shalt  }
0x81: {  	_ =	shalt  }
0x82: {  	_ =	shalt  }
0x83: {  	_ =	shalt  }
0x84: {  	_ =	shalt  }
0x85: {  	_ =	shalt  }
0x86: {  	_ =	shalt  }
0x87: {  	_ =	shalt  }
.Lfunc_end0:
.L_simem_size_0:
called_computation.2_lowered:
.L_overlay_start_0:
0x88: {  	s2 =	sld [smem:$0x3FD9]  }
0x89: {  	s3 =	sld [smem:$0x3FFE];
	_ =	sdelay $0x1  }
0x8a: {  	s1 =	srdreg.scid  }
0x8b: {  	s0 =	sand.u32 $0x1, s1  }
0x8c: {  	s16 =	sshll.u32 s0, $0xA;
	s2 =	sadd.s32 s3, s2  }
0x8d: {  	s2 =	sadd.s32 s2, s16  }
0x8e: {  	[smem:$0x3FAD] =	sst s2  }
0x8f: {  	_ = 	snop  }
0x90: {  	(tm) =	ssettm $0x1  }
0x91: {  	s17 =	sld [smem:$0x3FFB];
	_ =	sdelay $0x3  }
0x92: {  	_ =	strace s17  }
0x93: {  	s2 =	sld [smem:$0x3FFC];
	_ =	sdelay $0x3  }
0x94: {  	_ =	strace s2  }
0x95: {  	s2 =	sld [smem:$0x3FFD];
	_ =	sdelay $0x3  }
0x96: {  	_ =	strace s2  }
0x97: {  	_ =	strace $0x8FFFFFFF  }
0x98: {  	s18 =	sld [smem:$0x3FDB];
	_ =	sdelay $0x1  }
0x99: {  	s19 =	simm.s32 $_scs_section_size  }
0x9a: {  	s4 =	simm.s32 $_size__tile_overlayer_lowered;
	s5 =	simm.s32 $_tile_overlayer_lowered  }
0x9b: {  	s22 =	simm.s32 $0x1BFF;
	s21 =	sshll.u32 s5, $0x1;
	s2 =	sadd.s32 s19, s18  }
0x9c: {  	s6 =	simm.s32 $0x0;
	s20 =	sshll.u32 s4, $0x1;
	s4 =	sadd.s32 s21, s2  }
0x9d: {  	[timem:s6], [sflag:s22] =	dma.local [hbm:s4], s20  }
0x9e: {  	_ =	swait.ge [sflag:s22], s20  }
0x9f: {  	s3 =	ssub.s32 $0x0, s20;
	[sflag:s22] =	ssyncset.done $0x0  }
0xa0: {  	[sflag:s22] =	ssyncadd.s32 s3;
	_ =	sdelay $0x1  }
0xa1: {  	s23 =	simm.s32 $0x1B8B  }
0xa2: {  	_ =	swait.ge [sflag:s23], $0x1  }
0xa3: {  	[sflag:s23] =	ssyncset.done $0x0  }
0xa4: {  	s25 =	simm.s32 $0x1B8E;
	s24 =	sld [smem:$0x3FFE];
	[sflag:s23] =	ssyncadd.s32 $0xFFFFFFFF  }
0xa5: {  	s26 =	simm.s32 $execute0_lowered;
	[smem:$0x3FD2] =	sst s25  }
0xa6: {  	s4 =	sshll.u32 s26, $0x1;
	_ =	strace $0x8000004C;
	[dreg:$0x1] =	wrdreg $0xFFFFFFFF  }
0xa7: {  	s28 =	simm.s32 $_size_execute0_lowered;
	s2 =	sadd.s32 s2, s4;
	[dreg:$0x0] =	wrdreg $0x0  }
0xa8: {  	s4 =	sshll.u32 s28, $0x1;
	[dreg:$0x2] =	wrdreg s2  }
0xa9: {  	[dreg:$0x3] =	wrdreg s4  }
0xaa: {  	[dreg:$0x4] =	wrdreg $0xC0  }
0xab: {  	_ =	task [dreg:s6], $0x5FFFF  }
0xac: {  	[dreg:$0x1] =	wrdreg $0xFFFFFFFF  }
0xad: {  	[dreg:$0x0] =	wrdreg $0x60  }
0xae: {  	[dreg:$0x2] =	wrdreg s24  }
0xaf: {  	[dreg:$0x3] =	wrdreg $0xAD800  }
0xb0: {  	[dreg:$0x4] =	wrdreg $0x9  }
0xb1: {  	_ =	task.clear_ibuf [dreg:s6], $0x5FFFF;
	_ =	strace $0x9000004C  }
0xb2: {  	s29 =	simm.s32 $0x9;
	_ =	strace $0x8000004E  }
0xb3: {  	_ =	swait.ge [sflag:s29], $0x1  }
0xb4: {  	[sflag:s29] =	ssyncadd.s32 $0xFFFFFFFF  }
0xb5: {  	_ =	strace $0x9000004E  }
0xb6: {  	_ =	sfence  }
0xb7: {  	s30 =	sld [smem:$0x0];
	_ =	sdelay $0x2  }
0xb8: {  	s31 =	sshll.u32 s1, $0xD;
	s1 =	sshrl.u32 s1, $0x2  }
0xb9: {  	s3 =	sand.u32 $0x4000, s31;
	s1 =	sadd.s32 s1, s30  }
0xba: {  	s0 =	sor.u32 s3, s0;
	s1 =	sshll.u32 s1, $0x11  }
0xbb: {  	s0 =	sor.u32 s1, s0  }
0xbc: {  	s0 =	sadd.s32 $0x8F2B, s0  }
0xbd: {  	[sflag:s0] =	ssyncadd.remote.s32 $0x1  }
0xbe: {  	_ =	sfence.sel $0xFFFF  }
0xbf: {  	[dreg:$0x0] =	wrdreg $0xFFFFFFFF;
	(pc) =	sbr.abs _section_cstart, $3  }
0xc0: {  	[dreg:$0x1] =	wrdreg $0xFFFFFFFF  }
0xc1: {  	_ =	task.clear_ibuf [dreg:s6], $0x2FFFF;
	_ =	strace $0x9FFFFFFF  }
0xc2: {  	(tm) =	ssettm $0x7FFFFFFF  }
0xc3: {  	_ =	shalt  }
tec
execute0_lowered:
.L_overlay_start_1:
0x0: {  	(tag) =	ssettag $0x1  }
0x1: {  	s0 =	rddreg [dreg:$0x0]  }
0x2: {  	s1 =	rddreg [dreg:$0x1]  }
0x3: {  	s2 =	simm.s32 $0x0;
	s3 =	srdreg.scid;
	s17 =	stileid.u32  }
0x4: {  	s21 =	simm.s32 $0x7980;
	s28 =	simm.s32 $0x2980;
	s29 =	simm.s32 $0x5180  }
0x5: {  	s30 =	simm.s32 $0x1;
	s31 =	simm.s32 $0x2;
	[smem:$0x7FF] =	sst s2  }
0x6: {  	s3 =	sand.u32 $0x1, s3;
	s4 =	sadd.s32 $0x6A00, s0;
	s5 =	sadd.s32 $0xCE9E00, s0  }
0x7: {  	s7 =	sadd.s32 $0x54C00, s0;
	s8 =	sadd.s32 $0x280A00, s0;
	s12 =	smul.u32 $0x270, s17  }
0x8: {  	s9 =	sadd.s32 $0x27BA00, s0;
	s14 =	smul.u32 $0x4E000, s17;
	s0 =	sadd.s32 $0xA2E00, s0  }
0x9: {  	p0 =	sne.s32 s17, $0xF;
	s13 =	smul.u32 $0x2710, s3;
	s10 =	ssub.s32 $0x2, s3  }
0xa: {  	_ =	strace $0x8000004D;
	s6 =	smul.u32 $0x27100, s3;
	s11 =	sshrl.u32 s10, $0x1  }
0xb: {  	s3 =	smul.u32 $0x138800, s3;
	s14 =	sshrl.u32 s14, $0x2;
	s15 =	ssub.s32 s10, s11  }
0xc: {  	s10 =	sadd.s32 $0x138000, s1;
	s11 =	smul.u32 $0x2710, s17;
	s16 =	sadd.s32 s12, s13  }
0xd: {  	s3 =	sshrl.u32 s3, $0x3;
	s12 =	sadd.s32 s14, s1;
	s22 =	sshll.u32 s16, $0x4  }
0xe: {  	s3 =	sadd.s32 s0, s3;
	s24 =	smax.u32 s15, $0x1;
	s25 =	sadd.s32 $0x3400, s12  }
0xf: {  	s26 =	sadd.s32 $0x6800, s12;
	s18 =	sadd.s32 $0x9C00, s12;
	[dreg:$0x5] =	wrdreg s24  }
0x10: {  	s19 =	sadd.s32 $0xD000, s12;
	s20 =	sadd.s32 $0x10400, s12;
	[dreg:$0x6] =	wrdreg s25  }
0x11: {  	s0 =	sadd.s32 s0, s22;
	s23 =	sadd.s32 $0x27000, s3;
	[dreg:$0x7] =	wrdreg s26  }
0x12: {  	s22 =	simm.s32 $0x4;
	s24 =	simm.s32 $0x50;
	s25 =	simm.s32 $0x80  }
0x13: {  	s26 =	simm.s32 $0x180;
	s3 =	simm.s32 $0x0;
	[dreg:$0x3] =	wrdreg s0  }
0x14: {  	v1 =	vimm.f32 $0.0e+00;
	v0 =	vmov s13;
	[dreg:$0x4] =	wrdreg s23;
	s23 =	simm.s32 $0x100;
	s0 =	simm.s32 $0x3  }
.LBB2_1:
0x15: {  	s13 =	simm.s32 $0x0;
	s14 =	simm.s32 $0x200  }
.LBB2_2:
0x16: {  	p1 =	sne.s32 s14, $0xCE00;
	[tilespmem:s13+$0x79F0] =	vst v1  }
0x17: {  	[tilespmem:s13+$0x7980] =	vst v1  }
0x18: {  	[tilespmem:s13+$0x7990] =	vst v1  }
.Ltmp0:
0x19: {  	[tilespmem:s13+$0x79A0] =	vst v1;
	(pc) =	sbr.rel @p1 .LBB2_2-.Ltmp0, $4  }
0x1a: {  	[tilespmem:s13+$0x79B0] =	vst v1  }
0x1b: {  	[tilespmem:s13+$0x79C0] =	vst v1  }
0x1c: {  	[tilespmem:s13+$0x79D0] =	vst v1  }
0x1d: {  	[tilespmem:s13+$0x79E0] =	vst v1;
	s13 =	sshra.s32 s14, $0x2;
	s14 =	sadd.s32 $0x200, s14  }
0x1e: {  	[tilespmem:s13+$0x79F0] =	vst v1  }
0x1f: {  	[tilespmem:s13+$0x7980] =	vst v1  }
0x20: {  	[tilespmem:s13+$0x7990] =	vst v1  }
0x21: {  	[tilespmem:s13+$0x79A0] =	vst v1  }
0x22: {  	[tilespmem:s13+$0x79B0] =	vst v1  }
0x23: {  	[tilespmem:s13+$0x79C0] =	vst v1  }
0x24: {  	[tilespmem:s13+$0x79D0] =	vst v1  }
0x25: {  	[tilespmem:s13+$0x79E0] =	vst v1  }
0x26: {  	[spmem:s12] =	stream.linear.scatter [tilespmem:s21], [sflag:$0x4], $0x3400, $0x38;
	[tilespmem:$0x1E600] =	vst v63  }
0x27: {  	_ =	swait.ge [sflag:s22], $0x3400  }
0x28: {  	[sflag:s22] =	ssyncset.done $0x0  }
0x29: {  	s16 =	rddreg [dreg:$0x6];
	[sflag:s22] =	ssyncadd.s32 $0xFFFFCC00  }
0x2a: {  	[spmem:s16] =	stream.linear.scatter [tilespmem:s21], [sflag:$0x4], $0x3400, $0x38;
	[tilespmem:$0x1E600] =	vst v63  }
0x2b: {  	_ =	swait.ge [sflag:s22], $0x3400  }
0x2c: {  	[sflag:s22] =	ssyncset.done $0x0  }
0x2d: {  	s17 =	rddreg [dreg:$0x7];
	[sflag:s22] =	ssyncadd.s32 $0xFFFFCC00  }
0x2e: {  	[spmem:s17] =	stream.linear.scatter [tilespmem:s21], [sflag:$0x4], $0x3400, $0x38;
	[tilespmem:$0x1E600] =	vst v63  }
0x2f: {  	_ =	swait.ge [sflag:s22], $0x3400  }
0x30: {  	[sflag:s22] =	ssyncset.done $0x0  }
0x31: {  	[sflag:s22] =	ssyncadd.s32 $0xFFFFCC00  }
0x32: {  	[spmem:s18] =	stream.linear.scatter [tilespmem:s21], [sflag:$0x4], $0x3400, $0x38;
	[tilespmem:$0x1E600] =	vst v63  }
0x33: {  	_ =	swait.ge [sflag:s22], $0x3400  }
0x34: {  	[sflag:s22] =	ssyncset.done $0x0  }
0x35: {  	[sflag:s22] =	ssyncadd.s32 $0xFFFFCC00  }
0x36: {  	[spmem:s19] =	stream.linear.scatter [tilespmem:s21], [sflag:$0x4], $0x3400, $0x38;
	[tilespmem:$0x1E600] =	vst v63  }
0x37: {  	_ =	swait.ge [sflag:s22], $0x3400  }
0x38: {  	[sflag:s22] =	ssyncset.done $0x0  }
0x39: {  	[sflag:s22] =	ssyncadd.s32 $0xFFFFCC00  }
0x3a: {  	[spmem:s20] =	stream.linear.scatter [tilespmem:s21], [sflag:$0x4], $0x3400, $0x38;
	[tilespmem:$0x1E600] =	vst v63  }
0x3b: {  	_ =	swait.ge [sflag:s22], $0x3400  }
0x3c: {  	[sflag:s22] =	ssyncset.done $0x0  }
0x3d: {  	s13 =	simm.s32 @!p0 $0x7980;
	[sflag:s22] =	ssyncadd.s32 $0xFFFFCC00  }
0x3e: {  	[spmem:s10] =	stream.linear.scatter @!p0 [tilespmem:s13], [sflag:$0x4], $0x800, $0x38;
	[tilespmem:$0x1E600] =	vst v63  }
0x3f: {  	s13 =	simm.s32 @!p0 $0x4  }
0x40: {  	_ =	swait.ge @!p0 [sflag:s13], $0x800  }
0x41: {  	[sflag:s13] =	ssyncset.done @!p0 $0x0  }
0x42: {  	[sflag:s13] =	ssyncadd.s32 @!p0 $0xFFFFF800  }
0x43: {  	s14 =	simm.s32 $0x0;
	s13 =	simm.s32 $0x0;
	[bflag:$0x0] =	sbarrier.arrive $0xFFFF  }
.LBB2_4:
0x44: {  	s15 =	smul.u32 $0x50, s14;
	_ =	sdelay $0x1  }
0x45: {  	s15 =	sadd.s32 s11, s15  }
0x46: {  	s16 =	sshrl.u32 s15, $0x3  }
0x47: {  	s17 =	sadd.s32 s8, s16  }
0x48: {  	[tilespmem:s13], [sflag:$0x4] =	stream.linear.gather [hbm4b:s17+s13], $0x50, $0x38;
	[tilespmem:$0x1E600] =	vst v63  }
0x49: {  	_ =	swait.ge [sflag:s22], $0x50  }
0x4a: {  	[sflag:s22] =	ssyncset.done $0x0  }
0x4b: {  	s16 =	sadd.s32 s9, s16;
	[sflag:s22] =	ssyncadd.s32 $0xFFFFFFB0  }
0x4c: {  	[tilespmem:s23], [sflag:$0x4] =	stream.linear.gather [hbm4b:s16+s13], $0x50, $0x38;
	[tilespmem:$0x1E600] =	vst v63  }
0x4d: {  	_ =	swait.ge [sflag:s22], $0x50  }
0x4e: {  	[sflag:s22] =	ssyncset.done $0x0  }
0x4f: {  	[sflag:s22] =	ssyncadd.s32 $0xFFFFFFB0  }
0x50: {  	v2 =	vld [tilespmem:$0x0]  }
0x51: {  	v3 =	vld [tilespmem:$0x100]  }
0x52: {  	v4 =	vld [tilespmem:$0x10]  }
0x53: {  	v5 =	vld [tilespmem:$0x110]  }
0x54: {  	v6 =	vld [tilespmem:$0x20]  }
0x55: {  	v7 =	vld [tilespmem:$0x120];
	v2 =	vadd.s32 v0, v2  }
0x56: {  	[tilespmem:$0x80] =	vst v2;
	v2 =	vadd.s32 v0, v3;
	v3 =	vld [tilespmem:$0x30]  }
0x57: {  	[tilespmem:$0x100] =	vst v2;
	v2 =	vadd.s32 v0, v4;
	v4 =	vld [tilespmem:$0x130]  }
0x58: {  	[tilespmem:$0x90] =	vst v2;
	v2 =	vadd.s32 v0, v5;
	v5 =	vld [tilespmem:$0x40]  }
0x59: {  	[tilespmem:$0x110] =	vst v2;
	v2 =	vadd.s32 v0, v6;
	v6 =	vld [tilespmem:$0x140]  }
0x5a: {  	[tilespmem:$0xA0] =	vst v2;
	v2 =	vadd.s32 v0, v7  }
0x5b: {  	[tilespmem:$0x120] =	vst v2;
	v2 =	vadd.s32 v0, v3  }
0x5c: {  	[tilespmem:$0xB0] =	vst v2;
	v2 =	vadd.s32 v0, v4  }
0x5d: {  	[tilespmem:$0x130] =	vst v2;
	v2 =	vadd.s32 v0, v5  }
0x5e: {  	[tilespmem:$0xC0] =	vst v2;
	v2 =	vadd.s32 v0, v6  }
0x5f: {  	s15 =	sadd.s32 s6, s15;
	[tilespmem:$0x140] =	vst v2  }
0x60: {  	[tilespmem:s26], [sflag:$0x1] =	stream.indirect.gather [hbm4b:s4+s24], $0x80, s25, s24, $0xb8;
	[tilespmem:$0x1E600] =	vst v63  }
0x61: {  	s15 =	sshll.u32 s15, $0x4  }
0x62: {  	[tilespmem:s28], [sflag:$0x2] =	stream.indirect.gather [hbm4b:s7+s24], $0x80, s23, s24, $0xb8;
	[tilespmem:$0x1E600] =	vst v63  }
0x63: {  	s15 =	sadd.s32 s5, s15  }
0x64: {  	[tilespmem:s29], [sflag:$0x3] =	stream.linear.gather [hbm4b:s15+s13], $0x2800, $0x38;
	[tilespmem:$0x1E600] =	vst v63  }
0x65: {  	_ =	swait.ge [sflag:s30], $0x2800  }
0x66: {  	[sflag:s30] =	ssyncset.done $0x0  }
0x67: {  	[sflag:s30] =	ssyncadd.s32 $0xFFFFD800  }
0x68: {  	_ =	swait.ge [sflag:s31], $0x2800  }
0x69: {  	[sflag:s31] =	ssyncset.done $0x0  }
0x6a: {  	[sflag:s31] =	ssyncadd.s32 $0xFFFFD800  }
0x6b: {  	_ =	swait.ge [sflag:s0], $0x2800  }
0x6c: {  	[sflag:s0] =	ssyncset.done $0x0  }
0x6d: {  	s15 =	simm.s32 $0x0;
	[sflag:s0] =	ssyncadd.s32 $0xFFFFD800  }
0x6e: {  	v6 =	vld [tilespmem:s15+$0x5180]  }
0x6f: {  	v7 =	vld [tilespmem:s15+$0x5190]  }
0x70: {  	v5 =	vld [tilespmem:s15+$0x51A0]  }
0x71: {  	v4 =	vld [tilespmem:s15+$0x51B0]  }
0x72: {  	v3 =	vld [tilespmem:s15+$0x51C0]  }
0x73: {  	v2 =	vld [tilespmem:s15+$0x51D0]  }
0x74: {  	v14 =	vld [tilespmem:s15+$0x2980]  }
0x75: {  	v19 =	vld [tilespmem:s15+$0x2990]  }
0x76: {  	v13 =	vld [tilespmem:s15+$0x29A0]  }
0x77: {  	v12 =	vld [tilespmem:s15+$0x29B0]  }
0x78: {  	v11 =	vld [tilespmem:s15+$0x29C0]  }
0x79: {  	v10 =	vld [tilespmem:s15+$0x29D0]  }
0x7a: {  	v9 =	vld [tilespmem:s15+$0x29E0]  }
0x7b: {  	v8 =	vld [tilespmem:s15+$0x29F0]  }
0x7c: {  	v20 =	vld [tilespmem:s15+$0x180]  }
0x7d: {  	v21 =	vld [tilespmem:s15+$0x190]  }
0x7e: {  	v18 =	vld [tilespmem:s15+$0x1A0]  }
0x7f: {  	v17 =	vld [tilespmem:s15+$0x1B0]  }
0x80: {  	v16 =	vld [tilespmem:s15+$0x1C0]  }
0x81: {  	v15 =	vld [tilespmem:s15+$0x1D0];
	v20 =	vadd.f32 v14, v20  }
0x82: {  	s16 =	simm.s32 $0x200;
	v19 =	vadd.f32 v19, v21;
	v14 =	vld [tilespmem:s15+$0x1E0]  }
.LBB2_5:
0x83: {  	p1 =	sne.s32 s16, $0x9E00;
	v6 =	vadd.f32 v6, v20;
	v13 =	vadd.f32 v13, v18;
	v18 =	vld [tilespmem:s15+$0x1F0]  }
0x84: {  	v7 =	vadd.f32 v7, v19;
	v12 =	vadd.f32 v12, v17;
	v17 =	vld [tilespmem:s15+$0x51E0]  }
0x85: {  	s17 =	sshra.s32 s16, $0x2;
	v19 =	vmax.f32 v6, $0.0e+00;
	v5 =	vadd.f32 v5, v13;
	v11 =	vadd.f32 v11, v16;
	v13 =	vld [tilespmem:s15+$0x51F0]  }
0x86: {  	v6 =	vld [tilespmem:s17+$0x5180];
	[tilespmem:s15+$0x180] =	vst v19;
	v16 =	vmax.f32 v7, $0.0e+00;
	v4 =	vadd.f32 v4, v12;
	v10 =	vadd.f32 v10, v15  }
0x87: {  	v7 =	vld [tilespmem:s17+$0x5190];
	[tilespmem:s15+$0x190] =	vst v16;
	v12 =	vmax.f32 v5, $0.0e+00;
	v3 =	vadd.f32 v3, v11;
	v9 =	vadd.f32 v9, v14  }
0x88: {  	v5 =	vld [tilespmem:s17+$0x51A0];
	[tilespmem:s15+$0x1A0] =	vst v12;
	v11 =	vmax.f32 v4, $0.0e+00;
	v2 =	vadd.f32 v2, v10;
	v8 =	vadd.f32 v8, v18  }
0x89: {  	v4 =	vld [tilespmem:s17+$0x51B0];
	[tilespmem:s15+$0x1B0] =	vst v11;
	v10 =	vmax.f32 v3, $0.0e+00;
	v9 =	vadd.f32 v17, v9  }
0x8a: {  	v3 =	vld [tilespmem:s17+$0x51C0];
	[tilespmem:s15+$0x1C0] =	vst v10;
	v10 =	vmax.f32 v2, $0.0e+00;
	v8 =	vadd.f32 v13, v8  }
0x8b: {  	v2 =	vld [tilespmem:s17+$0x51D0];
	[tilespmem:s15+$0x1D0] =	vst v10;
	v9 =	vmax.f32 v9, $0.0e+00  }
0x8c: {  	v14 =	vld [tilespmem:s17+$0x2980];
	[tilespmem:s15+$0x1E0] =	vst v9;
	v8 =	vmax.f32 v8, $0.0e+00  }
0x8d: {  	v19 =	vld [tilespmem:s17+$0x2990];
	[tilespmem:s15+$0x1F0] =	vst v8;
	s15 =	smov.u32 s17  }
0x8e: {  	v13 =	vld [tilespmem:s15+$0x29A0]  }
0x8f: {  	v12 =	vld [tilespmem:s15+$0x29B0]  }
0x90: {  	v11 =	vld [tilespmem:s15+$0x29C0]  }
0x91: {  	v10 =	vld [tilespmem:s15+$0x29D0]  }
0x92: {  	v9 =	vld [tilespmem:s15+$0x29E0]  }
0x93: {  	v8 =	vld [tilespmem:s15+$0x29F0]  }
0x94: {  	v15 =	vld [tilespmem:s15+$0x180]  }
0x95: {  	v21 =	vld [tilespmem:s15+$0x190]  }
.Ltmp1:
0x96: {  	v18 =	vld [tilespmem:s15+$0x1A0];
	(pc) =	sbr.rel @p1 .LBB2_5-.Ltmp1, $4  }
0x97: {  	v17 =	vld [tilespmem:s15+$0x1B0]  }
0x98: {  	v16 =	vld [tilespmem:s15+$0x1C0]  }
0x99: {  	v20 =	vadd.f32 v14, v15;
	v15 =	vld [tilespmem:s15+$0x1D0]  }
0x9a: {  	s16 =	sadd.s32 $0x200, s16;
	v19 =	vadd.f32 v19, v21;
	v14 =	vld [tilespmem:s15+$0x1E0]  }
0x9b: {  	v6 =	vadd.f32 v6, v20;
	v13 =	vadd.f32 v13, v18;
	v56 =	vld [tilespmem:s15+$0x1F0]  }
0x9c: {  	v57 =	vld [tilespmem:s15+$0x51E0];
	v7 =	vadd.f32 v7, v19;
	v12 =	vadd.f32 v12, v17  }
0x9d: {  	v58 =	vld [tilespmem:s15+$0x51F0];
	v6 =	vmax.f32 v6, $0.0e+00;
	v5 =	vadd.f32 v5, v13;
	v11 =	vadd.f32 v11, v16  }
0x9e: {  	[tilespmem:s15+$0x180] =	vst v6;
	v59 =	vmax.f32 v7, $0.0e+00;
	v4 =	vadd.f32 v4, v12;
	v60 =	vadd.f32 v10, v15  }
0x9f: {  	[tilespmem:s15+$0x190] =	vst v59;
	v5 =	vmax.f32 v5, $0.0e+00;
	v3 =	vadd.f32 v3, v11;
	v61 =	vadd.f32 v9, v14  }
0xa0: {  	[tilespmem:s15+$0x1A0] =	vst v5;
	v4 =	vmax.f32 v4, $0.0e+00;
	v2 =	vadd.f32 v2, v60;
	v62 =	vadd.f32 v8, v56  }
0xa1: {  	[tilespmem:s15+$0x1B0] =	vst v4;
	v3 =	vmax.f32 v3, $0.0e+00;
	v63 =	vadd.f32 v57, v61  }
0xa2: {  	[tilespmem:s15+$0x1C0] =	vst v3;
	v2 =	vmax.f32 v2, $0.0e+00;
	v3 =	vadd.f32 v58, v62  }
0xa3: {  	s14 =	sadd.s32 $0x1, s14;
	[tilespmem:s15+$0x1D0] =	vst v2;
	v2 =	vmax.f32 v63, $0.0e+00  }
0xa4: {  	p1 =	sne.s32 s14, $0x7D;
	[tilespmem:s15+$0x1E0] =	vst v2;
	v2 =	vmax.f32 v3, $0.0e+00  }
.Ltmp2:
0xa5: {  	[tilespmem:s15+$0x1F0] =	vst v2;
	(pc) =	sbr.rel @p1 .LBB2_4-.Ltmp2, $4  }
0xa6: {  	[spmem:s1] =	stream.indirect.scatter.add.f32 [tilespmem:s26], [sflag:$0x4], $0x80, s2, s24, $0xb8;
	[tilespmem:$0x1E600] =	vst v63  }
0xa7: {  	_ =	swait.ge [sflag:s22], $0x2800  }
0xa8: {  	[sflag:s22] =	ssyncset.done $0x0  }
0xa9: {  	[sflag:s22] =	ssyncadd.s32 $0xFFFFD800  }
0xaa: {  	s13 =	stileid.u32  }
0xab: {  	[bflag:$0x0] =	sbarrier.arrive $0xFFFF;
	s13 =	sshll.u32 s13, $0x6  }
0xac: {  	s14 =	sshrl.u32 s12, $0x3;
	s15 =	rddreg [dreg:$0x3];
	s13 =	sor.u32 $0x1C04, s13  }
0xad: {  	[hbm:s15], [sflag:s13] =	dma.local [spmem:s14], $0x2700  }
0xae: {  	_ =	swait.ge [sflag:s22], $0x2700  }
0xaf: {  	[sflag:s22] =	ssyncset.done $0x0  }
0xb0: {  	s14 =	sshrl.u32 @!p0 s10, $0x3;
	s15 =	rddreg [dreg:$0x4];
	[sflag:s22] =	ssyncadd.s32 $0xFFFFD900  }
0xb1: {  	[hbm:s15], [sflag:s13] =	dma.local @!p0 [spmem:s14], $0x100  }
0xb2: {  	s13 =	simm.s32 @!p0 $0x4  }
0xb3: {  	_ =	swait.ge @!p0 [sflag:s13], $0x100  }
0xb4: {  	s3 =	sadd.s32 $0x1, s3;
	s17 =	rddreg [dreg:$0x5]  }
0xb5: {  	p1 =	sne.s32 s3, s17  }
.Ltmp3:
0xb6: {  	_ = 	snop;
	(pc) =	sbr.rel @p1 .LBB2_1-.Ltmp3, $3  }
0xb7: {  	_ =	sdelay $0x1  }
0xb8: {  	[sflag:s13] =	ssyncset.done @!p0 $0x0  }
0xb9: {  	[sflag:s13] =	ssyncadd.s32 @!p0 $0xFFFFFF00  }
0xba: {  	_ =	sfence.sel $0x180000  }
0xbb: {  	[bflag:$0x0] =	sbarrier.arrive $0xFFFF  }
0xbc: {  	_ =	strace $0x9000004D  }
0xbd: {  	s0 =	stileid.u32;
	[bflag:$0x2] =	sbarrier.arrive $0xFFFF  }
0xbe: {  	p0 =	sne.s32 s0, $0x0;
	s0 =	rddreg [dreg:$0x2]  }
0xbf: {  	s0 =	sadd.s32 @!p0 $0x100000, s0  }
0xc0: {  	[sflag:s0] =	ssyncadd.tile.s32 @!p0 $0x1;
	_ =	shalt  }
.Lfunc_end2:
_tile_overlayer_lowered:
.L_overlay_start_2:
0xc1: {  	(tag) =	ssettag $0x2  }
0xc2: {  	s0 =	rddreg [dreg:$0x0];
	s2 =	stileid.u32  }
0xc3: {  	s1 =	rddreg [dreg:$0x1];
	p0 =	sne.s32 s2, $0x0  }
0xc4: {  	s3 =	rddreg [dreg:$0x2];
	[bflag:$0x3] =	sbarrier.arrive $0xFFFF;
	s2 =	simm.s32 @!p0 $0x1C04  }
0xc5: {  	[timem:s3], [sflag:s2] =	dma.local @!p0 [hbm:s0], s1  }
0xc6: {  	s0 =	simm.s32 @!p0 $0x4  }
0xc7: {  	_ =	swait.ge @!p0 [sflag:s0], s1  }
0xc8: {  	s1 =	ssub.s32 @!p0 $0x0, s1;
	[sflag:s0] =	ssyncset.done @!p0 $0x0  }
0xc9: {  	[sflag:s0] =	ssyncadd.s32 @!p0 s1  }
0xca: {  	[bflag:$0x3] =	sbarrier.arrive $0xFFFF  }
0xcb: {  	_ =	shalt  }

</sc_bundles>
